<compile_context>
chip_gen: v7x
topology: tpu7x:2x2x1
jax: 0.10.2.dev20260603
libtpu: 0.0.44.dev20260713+nightly
codegen_flags: <defaults>
</compile_context>

<pallas_src>
import functools

import jax
import jax.numpy as jnp
from jax import lax
from jax.experimental import pallas as pl
from jax.experimental.pallas import tpu as pltpu
from jax.experimental.pallas import tpu_sc as plsc

S = 2048
D = 1024
F = 2816
E = 8
K = 2
M = 512
G = 15
NTOT = G * M
NF = 2
FC = F // NF
EPAD = 128

NC = 2
NS = 16
NW = NC * NS
GPW = NTOT // NW
GCH = 48
GNC = GPW // GCH
CPW = S // NW
CCH = 32



def _router_kernel(x_ref, wr_ref, brp_ref, i1_ref, i2_ref, w1_ref, w2_ref):
    x = x_ref[...]
    logits = jnp.dot(x, wr_ref[...], preferred_element_type=jnp.float32)
    logits = logits + brp_ref[...]
    m1 = jnp.max(logits, axis=-1)
    i1 = jnp.argmax(logits, axis=-1).astype(jnp.int32)
    cols = jax.lax.broadcasted_iota(jnp.int32, logits.shape, 1)
    masked = jnp.where(cols == i1[:, None], -jnp.inf, logits)
    m2 = jnp.max(masked, axis=-1)
    i2 = jnp.argmax(masked, axis=-1).astype(jnp.int32)
    w1 = jax.nn.sigmoid(m1 - m2)
    i1_ref[...] = i1[:, None]
    i2_ref[...] = i2[:, None]
    w1_ref[...] = w1[:, None]
    w2_ref[...] = (1.0 - w1)[:, None]


def _sc_mesh():
    return plsc.VectorSubcoreMesh(
        core_axis_name="c", subcore_axis_name="s",
        num_cores=NC, num_subcores=NS)


@functools.cache
def _make_sc_dispatch():
    @functools.partial(
        pl.kernel,
        mesh=_sc_mesh(),
        out_type=jax.ShapeDtypeStruct((NTOT, D), jnp.float32),
        scratch_types=[
            pltpu.VMEM((CPW, D), jnp.float32),
            pltpu.VMEM((2, CPW), jnp.int32),
            pltpu.SemaphoreType.DMA,
            pltpu.SemaphoreType.DMA,
        ],
    )
    def _sc_dispatch(x_hbm, s1_hbm, s2_hbm, out_hbm, xbuf, idxb, sem1, sem2):
        wid = lax.axis_index("s") * NC + lax.axis_index("c")
        t0 = wid * CPW
        i1h = pltpu.async_copy(s1_hbm.at[pl.ds(t0, CPW)], idxb.at[0], sem1)
        i2h = pltpu.async_copy(s2_hbm.at[pl.ds(t0, CPW)], idxb.at[1], sem2)
        pltpu.sync_copy(x_hbm.at[pl.ds(t0, CPW)], xbuf)
        i1h.wait()
        i2h.wait()
        w1h = pltpu.async_copy(xbuf, out_hbm.at[idxb.at[0]], sem1)
        w2h = pltpu.async_copy(xbuf, out_hbm.at[idxb.at[1]], sem2)
        w1h.wait()
        w2h.wait()
    return _sc_dispatch


@functools.cache
def _make_sc_combine():
    @functools.partial(
        pl.kernel,
        mesh=_sc_mesh(),
        out_type=jax.ShapeDtypeStruct((S, D), jnp.float32),
        scratch_types=[
            pltpu.VMEM((CCH,), jnp.int32),
            pltpu.VMEM((CCH,), jnp.int32),
            pltpu.VMEM((CCH, D), jnp.float32),
            pltpu.VMEM((CCH, D), jnp.float32),
            pltpu.SemaphoreType.DMA,
            pltpu.SemaphoreType.DMA,
        ],
    )
    def _sc_combine(y_hbm, s1_hbm, s2_hbm, out_hbm, i1v, i2v, b1, b2,
                    sem1, sem2):
        wid = lax.axis_index("s") * NC + lax.axis_index("c")
        for ci in range(CPW // CCH):
            base = wid * CPW + ci * CCH
            pltpu.sync_copy(s1_hbm.at[pl.ds(base, CCH)], i1v)
            pltpu.sync_copy(s2_hbm.at[pl.ds(base, CCH)], i2v)
            cp1 = pltpu.async_copy(y_hbm.at[i1v], b1, sem1)
            cp2 = pltpu.async_copy(y_hbm.at[i2v], b2, sem2)
            cp1.wait()
            cp2.wait()

            def rbody(r, _):
                for c in range(D // 16):
                    sl = pl.ds(c * 16, 16)
                    b1[r, sl] = b1[r, sl] + b2[r, sl]
                return 0
            jax.lax.fori_loop(0, CCH, rbody, 0)
            pltpu.sync_copy(b1, out_hbm.at[pl.ds(base, CCH)])
    return _sc_combine


def _ffn_kernel0(eids_ref, nact_ref,
                 xg_ref, w_ref, W1_ref, W3_ref, W2_ref,
                 y_ref):
    g = pl.program_id(0)

    @pl.when(g < nact_ref[0])
    def _active():
        xb = xg_ref[...].astype(jnp.bfloat16)
        h1 = jnp.dot(xb, W1_ref[0].astype(jnp.bfloat16),
                     preferred_element_type=jnp.float32)
        h3 = jnp.dot(xb, W3_ref[0].astype(jnp.bfloat16),
                     preferred_element_type=jnp.float32)
        h = (h1 * jax.nn.sigmoid(h1)) * h3
        y_ref[...] = jnp.dot(h.astype(jnp.bfloat16),
                             W2_ref[0].astype(jnp.bfloat16),
                             preferred_element_type=jnp.float32) * w_ref[0]


def _ffn_kernel1(eids_ref, nact_ref,
                 xg_ref, w_ref, yprev_ref, W1_ref, W3_ref, W2_ref,
                 y_ref):
    g = pl.program_id(0)

    @pl.when(g < nact_ref[0])
    def _active():
        xb = xg_ref[...].astype(jnp.bfloat16)
        h1 = jnp.dot(xb, W1_ref[0].astype(jnp.bfloat16),
                     preferred_element_type=jnp.float32)
        h3 = jnp.dot(xb, W3_ref[0].astype(jnp.bfloat16),
                     preferred_element_type=jnp.float32)
        h = (h1 * jax.nn.sigmoid(h1)) * h3
        y = jnp.dot(h.astype(jnp.bfloat16), W2_ref[0].astype(jnp.bfloat16),
                    preferred_element_type=jnp.float32)
        y_ref[...] = yprev_ref[...] + y * w_ref[0]


def _dispatch(i1, i2, w1, w2):
    e_flat = jnp.concatenate([i1[:, 0], i2[:, 0]])
    t_flat = jnp.concatenate([jnp.arange(S, dtype=jnp.int32)] * 2)
    w_flat = jnp.concatenate([w1[:, 0], w2[:, 0]])
    onehot = (e_flat[:, None] == jnp.arange(E, dtype=jnp.int32)[None, :])
    csum = jnp.cumsum(onehot.astype(jnp.int32), axis=0)
    rank = jnp.sum(jnp.where(onehot, csum, 0), axis=1) - 1
    counts = csum[-1]
    blocks_per = (counts + M - 1) // M
    cumb = jnp.cumsum(blocks_per)
    total_blocks = cumb[-1]
    gidx = jnp.minimum(jnp.arange(G, dtype=jnp.int32), total_blocks - 1)
    eids = jnp.sum(cumb[None, :] <= gidx[:, None], axis=1).astype(jnp.int32)
    pad_start = (jnp.concatenate([jnp.zeros(1, cumb.dtype), cumb[:-1]]) * M)
    slot = (jnp.sum(jnp.where(onehot, pad_start[None, :], 0), axis=1) + rank
            ).astype(jnp.int32)
    wts = jnp.zeros((NTOT,), jnp.float32).at[slot].set(w_flat)
    nact = total_blocks.astype(jnp.int32)[None]
    s1 = slot[:S]
    s2 = slot[S:]
    return eids, nact, wts.reshape(G, M, 1), s1, s2


def _dispatch_rows(xf, s1, s2):
    return _make_sc_dispatch()(xf, s1, s2)


def _combine_rows(y_pad, s1, s2):
    return _make_sc_combine()(y_pad, s1, s2)


def kernel(x, Wr, br, W1, W2, W3):
    xf = x.reshape(S, D)
    wrp = jnp.zeros((D, EPAD), jnp.float32).at[:, :E].set(Wr)
    brp = jnp.full((EPAD,), -jnp.inf, jnp.float32).at[:E].set(br)

    i1, i2, w1, w2 = pl.pallas_call(
        _router_kernel,
        out_shape=[
            jax.ShapeDtypeStruct((S, 1), jnp.int32),
            jax.ShapeDtypeStruct((S, 1), jnp.int32),
            jax.ShapeDtypeStruct((S, 1), jnp.float32),
            jax.ShapeDtypeStruct((S, 1), jnp.float32),
        ],
    )(xf, wrp, brp)

    eids, nact, wts, s1, s2 = _dispatch(i1, i2, w1, w2)

    xg = _dispatch_rows(xf, s1, s2)

    grid_spec0 = pltpu.PrefetchScalarGridSpec(
        num_scalar_prefetch=2,
        grid=(G,),
        in_specs=[
            pl.BlockSpec((M, D), lambda g, eids, nact: (g, 0)),
            pl.BlockSpec((1, M, 1), lambda g, eids, nact: (g, 0, 0)),
            pl.BlockSpec((1, D, FC), lambda g, eids, nact: (eids[g], 0, 0)),
            pl.BlockSpec((1, D, FC), lambda g, eids, nact: (eids[g], 0, 0)),
            pl.BlockSpec((1, FC, D), lambda g, eids, nact: (eids[g], 0, 0)),
        ],
        out_specs=pl.BlockSpec((M, D), lambda g, eids, nact: (g, 0)),
    )

    y0 = pl.pallas_call(
        _ffn_kernel0,
        grid_spec=grid_spec0,
        out_shape=jax.ShapeDtypeStruct((NTOT, D), jnp.float32),
        compiler_params=pltpu.CompilerParams(
            vmem_limit_bytes=60 * 1024 * 1024,
        ),
    )(eids, nact, xg, wts, W1, W3, W2)

    grid_spec1 = pltpu.PrefetchScalarGridSpec(
        num_scalar_prefetch=2,
        grid=(G,),
        in_specs=[
            pl.BlockSpec((M, D), lambda g, eids, nact: (g, 0)),
            pl.BlockSpec((1, M, 1), lambda g, eids, nact: (g, 0, 0)),
            pl.BlockSpec((M, D), lambda g, eids, nact: (g, 0)),
            pl.BlockSpec((1, D, FC), lambda g, eids, nact: (eids[g], 0, 1)),
            pl.BlockSpec((1, D, FC), lambda g, eids, nact: (eids[g], 0, 1)),
            pl.BlockSpec((1, FC, D), lambda g, eids, nact: (eids[g], 1, 0)),
        ],
        out_specs=pl.BlockSpec((M, D), lambda g, eids, nact: (g, 0)),
    )

    y_pad = pl.pallas_call(
        _ffn_kernel1,
        grid_spec=grid_spec1,
        out_shape=jax.ShapeDtypeStruct((NTOT, D), jnp.float32),
        input_output_aliases={4: 0},
        compiler_params=pltpu.CompilerParams(
            vmem_limit_bytes=60 * 1024 * 1024,
        ),
    )(eids, nact, xg, wts, y0, W1, W3, W2)

    out = _combine_rows(y_pad, s1, s2)
    return out.reshape(x.shape)

# --- scband reference (transcript-rebuilt; emitter-appended) ---
"""Pipeline reference for scband-mo-e-9947144258207 (READ-ONLY COPY).

The authoritative reference and input builder live on the scoring server;
editing this copy changes nothing except your own understanding.
"""

import jax, jax.numpy as jnp
import numpy as np

B = 1
S = 2048
D_MODEL = 1024
D_FF = 2816
E = 8
TOP_K = 2


def setup_inputs(seed: int = 0) -> dict:
    key = jax.random.key(seed)
    ks = jax.random.split(key, 6)
    x = jax.random.normal(ks[0], (B, S, D_MODEL), dtype=jnp.float32)
    Wr = jax.random.normal(ks[1], (D_MODEL, E), dtype=jnp.float32) * 0.02
    br = jnp.zeros((E,), dtype=jnp.float32)
    W1 = jax.random.normal(ks[2], (E, D_MODEL, D_FF), dtype=jnp.float32) * 0.02
    W2 = jax.random.normal(ks[3], (E, D_FF, D_MODEL), dtype=jnp.float32) * 0.02
    W3 = jax.random.normal(ks[4], (E, D_MODEL, D_FF), dtype=jnp.float32) * 0.02
    return {"x": x, "Wr": Wr, "br": br, "W1": W1, "W2": W2, "W3": W3}


def _moe(x, Wr, br, W1, W2, W3):
    # Router
    router_logits = jnp.einsum('bsd,de->bse', x, Wr) + br  # [B,S,E]
    router_probs = jax.nn.softmax(router_logits, axis=-1)
    topk_probs, topk_idx = jax.lax.top_k(router_probs, TOP_K)  # [B,S,K]
    topk_probs = topk_probs / jnp.sum(topk_probs, axis=-1, keepdims=True)
    # Combine weights per expert (equivalent to the per-expert mask loop in the
    # torch code: since expert FFNs have no bias, expert(x*mask)*mask == expert(x)*mask
    # per-token, so output = sum_k topk_probs[k] * expert_{topk_idx[k]}(x)).
    combine = jnp.sum(jax.nn.one_hot(topk_idx, E, dtype=x.dtype) * topk_probs[..., None], axis=-2)  # [B,S,E]
    # SwiGLU experts, computed for all experts then gathered by combine weights
    h1 = jnp.einsum('bsd,edf->ebsf', x, W1)
    h3 = jnp.einsum('bsd,edf->ebsf', x, W3)
    h = jax.nn.silu(h1) * h3
    out_e = jnp.einsum('ebsf,efd->ebsd', h, W2)  # [E,B,S,D]
    out = jnp.einsum('ebsd,bse->bsd', out_e, combine)
    return out


def reference(x, Wr, br, W1, W2, W3):
    return _moe(x, Wr, br, W1, W2, W3)

if __name__ == "__main__":
    import jax
    _d = setup_inputs()
    print(jax.jit(kernel)(*tuple(_d.values())))

</pallas_src>

<mosaic_0001>
#map = affine_map<(d0, d1) -> (0, 0)>
#map1 = affine_map<(d0, d1) -> (0)>
module attributes {stable_mosaic.version = 14 : i64} {
  func.func @_sc_dispatch(%arg0: i32, %arg1: i32, %arg2: memref<2048x1024xf32, #tpu.memory_space<hbm>>, %arg3: memref<2048xi32, #tpu.memory_space<hbm>>, %arg4: memref<2048xi32, #tpu.memory_space<hbm>>, %arg5: memref<7680x1024xf32, #tpu.memory_space<hbm>>, %arg6: memref<64x1024xf32, #tpu.memory_space<vmem>>, %arg7: memref<2x64xi32, #tpu.memory_space<vmem>>, %arg8: memref<!tpu.dma_semaphore, #tpu.memory_space<semaphore_mem>>, %arg9: memref<!tpu.dma_semaphore, #tpu.memory_space<semaphore_mem>>) attributes {dimension_semantics = [#tpu.dimension_semantics<core_parallel>, #tpu.dimension_semantics<subcore_parallel>], iteration_bounds = array<i64: 2, 16>, scalar_prefetch = 0 : i64, scratch_operands = 4 : i64, tpu.core_type = #tpu.core_type<sc_vector_subcore>, window_params = [{transform_indices = #map}, {transform_indices = #map1}, {transform_indices = #map1}, {transform_indices = #map}]} {
    %mul3A = arith.constant 2 : i32
    %mul3A_0 = arith.muli %arg1, %mul3A : i32
    %add3A = arith.addi %mul3A_0, %arg0 : i32
    %mul3A_1 = arith.constant 64 : i32
    %mul3A_2 = arith.muli %add3A, %mul3A_1 : i32
    %dma_start3A = arith.constant 0 : i32
    %dma_start3A_3 = arith.constant 0 : i32
    %dma_start3A_4 = tpu.memref_slice %arg7[%dma_start3A, %dma_start3A_3] : memref<2x64xi32, #tpu.memory_space<vmem>> -> memref<1x64xi32, #tpu.memory_space<vmem>>
    %dma_start3A_5 = tpu.memref_squeeze %dma_start3A_4 : memref<1x64xi32, #tpu.memory_space<vmem>> -> memref<64xi32, #tpu.memory_space<vmem>>
    %dma_start3A_6 = tpu.memref_slice %arg3[%mul3A_2] : memref<2048xi32, #tpu.memory_space<hbm>> -> memref<64xi32, #tpu.memory_space<hbm>>
    %dma_start3A_7 = arith.constant 0 : i32
    %dma_start3A_8 = tpu.memref_slice %arg7[%dma_start3A, %dma_start3A_7] : memref<2x64xi32, #tpu.memory_space<vmem>> -> memref<1x64xi32, #tpu.memory_space<vmem>>
    %dma_start3A_9 = tpu.memref_squeeze %dma_start3A_8 : memref<1x64xi32, #tpu.memory_space<vmem>> -> memref<64xi32, #tpu.memory_space<vmem>>
    %dma_start3A_10 = tpu.memref_slice %arg3[%mul3A_2] : memref<2048xi32, #tpu.memory_space<hbm>> -> memref<64xi32, #tpu.memory_space<hbm>>
    tpu.enqueue_dma source(%dma_start3A_10 : memref<64xi32, #tpu.memory_space<hbm>>) target(%dma_start3A_9 : memref<64xi32, #tpu.memory_space<vmem>>) target_semaphore(%arg8 : memref<!tpu.dma_semaphore, #tpu.memory_space<semaphore_mem>>)
    %dma_start3A_11 = arith.constant 1 : i32
    %dma_start3A_12 = arith.constant 0 : i32
    %dma_start3A_13 = tpu.memref_slice %arg7[%dma_start3A_11, %dma_start3A_12] : memref<2x64xi32, #tpu.memory_space<vmem>> -> memref<1x64xi32, #tpu.memory_space<vmem>>
    %dma_start3A_14 = tpu.memref_squeeze %dma_start3A_13 : memref<1x64xi32, #tpu.memory_space<vmem>> -> memref<64xi32, #tpu.memory_space<vmem>>
    %dma_start3A_15 = tpu.memref_slice %arg4[%mul3A_2] : memref<2048xi32, #tpu.memory_space<hbm>> -> memref<64xi32, #tpu.memory_space<hbm>>
    %dma_start3A_16 = arith.constant 0 : i32
    %dma_start3A_17 = tpu.memref_slice %arg7[%dma_start3A_11, %dma_start3A_16] : memref<2x64xi32, #tpu.memory_space<vmem>> -> memref<1x64xi32, #tpu.memory_space<vmem>>
    %dma_start3A_18 = tpu.memref_squeeze %dma_start3A_17 : memref<1x64xi32, #tpu.memory_space<vmem>> -> memref<64xi32, #tpu.memory_space<vmem>>
    %dma_start3A_19 = tpu.memref_slice %arg4[%mul3A_2] : memref<2048xi32, #tpu.memory_space<hbm>> -> memref<64xi32, #tpu.memory_space<hbm>>
    tpu.enqueue_dma source(%dma_start3A_19 : memref<64xi32, #tpu.memory_space<hbm>>) target(%dma_start3A_18 : memref<64xi32, #tpu.memory_space<vmem>>) target_semaphore(%arg9 : memref<!tpu.dma_semaphore, #tpu.memory_space<semaphore_mem>>)
    "tpu.region"() ({
      %run_scoped3A = tpu.sem_alloc : memref<!tpu.dma_semaphore, #tpu.memory_space<semaphore_mem>>
      %dma_start3A_65 = arith.constant 0 : i32
      %dma_start3A_66 = tpu.memref_slice %arg2[%mul3A_2, %dma_start3A_65] : memref<2048x1024xf32, #tpu.memory_space<hbm>> -> memref<64x1024xf32, #tpu.memory_space<hbm>>
      %dma_start3A_67 = arith.constant 0 : i32
      %dma_start3A_68 = tpu.memref_slice %arg2[%mul3A_2, %dma_start3A_67] : memref<2048x1024xf32, #tpu.memory_space<hbm>> -> memref<64x1024xf32, #tpu.memory_space<hbm>>
      tpu.enqueue_dma source(%dma_start3A_68 : memref<64x1024xf32, #tpu.memory_space<hbm>>) target(%arg6 : memref<64x1024xf32, #tpu.memory_space<vmem>>) target_semaphore(%run_scoped3A : memref<!tpu.dma_semaphore, #tpu.memory_space<semaphore_mem>>)
      %dma_wait3A_69 = arith.constant 0 : i32
      %dma_wait3A_70 = tpu.memref_slice %arg2[%mul3A_2, %dma_wait3A_69] : memref<2048x1024xf32, #tpu.memory_space<hbm>> -> memref<64x1024xf32, #tpu.memory_space<hbm>>
      %dma_wait3A_71 = arith.constant 0 : i32
      %dma_wait3A_72 = tpu.memref_slice %arg2[%mul3A_2, %dma_wait3A_71] : memref<2048x1024xf32, #tpu.memory_space<hbm>> -> memref<64x1024xf32, #tpu.memory_space<hbm>>
      tpu.wait_dma2 semaphore(%run_scoped3A : memref<!tpu.dma_semaphore, #tpu.memory_space<semaphore_mem>>) src(%dma_wait3A_72 : memref<64x1024xf32, #tpu.memory_space<hbm>>) dst(%arg6 : memref<64x1024xf32, #tpu.memory_space<vmem>>)
      tpu.yield
    }) : () -> ()
    %dma_wait3A = arith.constant 0 : i32
    %dma_wait3A_20 = arith.constant 0 : i32
    %dma_wait3A_21 = tpu.memref_slice %arg7[%dma_wait3A, %dma_wait3A_20] : memref<2x64xi32, #tpu.memory_space<vmem>> -> memref<1x64xi32, #tpu.memory_space<vmem>>
    %dma_wait3A_22 = tpu.memref_squeeze %dma_wait3A_21 : memref<1x64xi32, #tpu.memory_space<vmem>> -> memref<64xi32, #tpu.memory_space<vmem>>
    %dma_wait3A_23 = tpu.memref_slice %arg3[%mul3A_2] : memref<2048xi32, #tpu.memory_space<hbm>> -> memref<64xi32, #tpu.memory_space<hbm>>
    %dma_wait3A_24 = arith.constant 0 : i32
    %dma_wait3A_25 = tpu.memref_slice %arg7[%dma_wait3A, %dma_wait3A_24] : memref<2x64xi32, #tpu.memory_space<vmem>> -> memref<1x64xi32, #tpu.memory_space<vmem>>
    %dma_wait3A_26 = tpu.memref_squeeze %dma_wait3A_25 : memref<1x64xi32, #tpu.memory_space<vmem>> -> memref<64xi32, #tpu.memory_space<vmem>>
    %dma_wait3A_27 = tpu.memref_slice %arg3[%mul3A_2] : memref<2048xi32, #tpu.memory_space<hbm>> -> memref<64xi32, #tpu.memory_space<hbm>>
    tpu.wait_dma2 semaphore(%arg8 : memref<!tpu.dma_semaphore, #tpu.memory_space<semaphore_mem>>) src(%dma_wait3A_27 : memref<64xi32, #tpu.memory_space<hbm>>) dst(%dma_wait3A_26 : memref<64xi32, #tpu.memory_space<vmem>>)
    %dma_wait3A_28 = arith.constant 1 : i32
    %dma_wait3A_29 = arith.constant 0 : i32
    %dma_wait3A_30 = tpu.memref_slice %arg7[%dma_wait3A_28, %dma_wait3A_29] : memref<2x64xi32, #tpu.memory_space<vmem>> -> memref<1x64xi32, #tpu.memory_space<vmem>>
    %dma_wait3A_31 = tpu.memref_squeeze %dma_wait3A_30 : memref<1x64xi32, #tpu.memory_space<vmem>> -> memref<64xi32, #tpu.memory_space<vmem>>
    %dma_wait3A_32 = tpu.memref_slice %arg4[%mul3A_2] : memref<2048xi32, #tpu.memory_space<hbm>> -> memref<64xi32, #tpu.memory_space<hbm>>
    %dma_wait3A_33 = arith.constant 0 : i32
    %dma_wait3A_34 = tpu.memref_slice %arg7[%dma_wait3A_28, %dma_wait3A_33] : memref<2x64xi32, #tpu.memory_space<vmem>> -> memref<1x64xi32, #tpu.memory_space<vmem>>
    %dma_wait3A_35 = tpu.memref_squeeze %dma_wait3A_34 : memref<1x64xi32, #tpu.memory_space<vmem>> -> memref<64xi32, #tpu.memory_space<vmem>>
    %dma_wait3A_36 = tpu.memref_slice %arg4[%mul3A_2] : memref<2048xi32, #tpu.memory_space<hbm>> -> memref<64xi32, #tpu.memory_space<hbm>>
    tpu.wait_dma2 semaphore(%arg9 : memref<!tpu.dma_semaphore, #tpu.memory_space<semaphore_mem>>) src(%dma_wait3A_36 : memref<64xi32, #tpu.memory_space<hbm>>) dst(%dma_wait3A_35 : memref<64xi32, #tpu.memory_space<vmem>>)
    %dma_start3A_37 = arith.constant 0 : i32
    %dma_start3A_38 = arith.constant 0 : i32
    %dma_start3A_39 = tpu.memref_slice %arg7[%dma_start3A_37, %dma_start3A_38] : memref<2x64xi32, #tpu.memory_space<vmem>> -> memref<1x64xi32, #tpu.memory_space<vmem>>
    %dma_start3A_40 = tpu.memref_squeeze %dma_start3A_39 : memref<1x64xi32, #tpu.memory_space<vmem>> -> memref<64xi32, #tpu.memory_space<vmem>>
    %dma_start3A_41 = arith.constant 0 : i32
    %dma_start3A_42 = arith.constant 0 : i32
    %dma_start3A_43 = tpu.memref_slice %arg5[%dma_start3A_41, %dma_start3A_42] : memref<7680x1024xf32, #tpu.memory_space<hbm>> -> memref<7680x1024xf32, #tpu.memory_space<hbm>>
    tpu.enqueue_indirect_dma source(%arg6 : memref<64x1024xf32, #tpu.memory_space<vmem>>) target(%dma_start3A_43 : memref<7680x1024xf32, #tpu.memory_space<hbm>>) offsets(%dma_start3A_40 : memref<64xi32, #tpu.memory_space<vmem>>) semaphore(%arg8 : memref<!tpu.dma_semaphore, #tpu.memory_space<semaphore_mem>>)
    %dma_start3A_44 = arith.constant 1 : i32
    %dma_start3A_45 = arith.constant 0 : i32
    %dma_start3A_46 = tpu.memref_slice %arg7[%dma_start3A_44, %dma_start3A_45] : memref<2x64xi32, #tpu.memory_space<vmem>> -> memref<1x64xi32, #tpu.memory_space<vmem>>
    %dma_start3A_47 = tpu.memref_squeeze %dma_start3A_46 : memref<1x64xi32, #tpu.memory_space<vmem>> -> memref<64xi32, #tpu.memory_space<vmem>>
    %dma_start3A_48 = arith.constant 0 : i32
    %dma_start3A_49 = arith.constant 0 : i32
    %dma_start3A_50 = tpu.memref_slice %arg5[%dma_start3A_48, %dma_start3A_49] : memref<7680x1024xf32, #tpu.memory_space<hbm>> -> memref<7680x1024xf32, #tpu.memory_space<hbm>>
    tpu.enqueue_indirect_dma source(%arg6 : memref<64x1024xf32, #tpu.memory_space<vmem>>) target(%dma_start3A_50 : memref<7680x1024xf32, #tpu.memory_space<hbm>>) offsets(%dma_start3A_47 : memref<64xi32, #tpu.memory_space<vmem>>) semaphore(%arg9 : memref<!tpu.dma_semaphore, #tpu.memory_space<semaphore_mem>>)
    %dma_wait3A_51 = arith.constant 0 : i32
    %dma_wait3A_52 = arith.constant 0 : i32
    %dma_wait3A_53 = tpu.memref_slice %arg7[%dma_wait3A_51, %dma_wait3A_52] : memref<2x64xi32, #tpu.memory_space<vmem>> -> memref<1x64xi32, #tpu.memory_space<vmem>>
    %dma_wait3A_54 = tpu.memref_squeeze %dma_wait3A_53 : memref<1x64xi32, #tpu.memory_space<vmem>> -> memref<64xi32, #tpu.memory_space<vmem>>
    %dma_wait3A_55 = arith.constant 0 : i32
    %dma_wait3A_56 = arith.constant 0 : i32
    %dma_wait3A_57 = tpu.memref_slice %arg5[%dma_wait3A_55, %dma_wait3A_56] : memref<7680x1024xf32, #tpu.memory_space<hbm>> -> memref<7680x1024xf32, #tpu.memory_space<hbm>>
    tpu.wait_indirect_dma semaphore(%arg8 : memref<!tpu.dma_semaphore, #tpu.memory_space<semaphore_mem>>) src(%arg6 : memref<64x1024xf32, #tpu.memory_space<vmem>>) dst(%dma_wait3A_57 : memref<7680x1024xf32, #tpu.memory_space<hbm>>)
    %dma_wait3A_58 = arith.constant 1 : i32
    %dma_wait3A_59 = arith.constant 0 : i32
    %dma_wait3A_60 = tpu.memref_slice %arg7[%dma_wait3A_58, %dma_wait3A_59] : memref<2x64xi32, #tpu.memory_space<vmem>> -> memref<1x64xi32, #tpu.memory_space<vmem>>
    %dma_wait3A_61 = tpu.memref_squeeze %dma_wait3A_60 : memref<1x64xi32, #tpu.memory_space<vmem>> -> memref<64xi32, #tpu.memory_space<vmem>>
    %dma_wait3A_62 = arith.constant 0 : i32
    %dma_wait3A_63 = arith.constant 0 : i32
    %dma_wait3A_64 = tpu.memref_slice %arg5[%dma_wait3A_62, %dma_wait3A_63] : memref<7680x1024xf32, #tpu.memory_space<hbm>> -> memref<7680x1024xf32, #tpu.memory_space<hbm>>
    tpu.wait_indirect_dma semaphore(%arg9 : memref<!tpu.dma_semaphore, #tpu.memory_space<semaphore_mem>>) src(%arg6 : memref<64x1024xf32, #tpu.memory_space<vmem>>) dst(%dma_wait3A_64 : memref<7680x1024xf32, #tpu.memory_space<hbm>>)
    return
  }
}

#map = affine_map<(d0, d1) -> (0, 0)>
#map1 = affine_map<(d0, d1) -> (0)>
module attributes {stable_mosaic.version = 14 : i64} {
  func.func @_sc_combine(%arg0: i32, %arg1: i32, %arg2: memref<7680x1024xf32, #tpu.memory_space<hbm>>, %arg3: memref<2048xi32, #tpu.memory_space<hbm>>, %arg4: memref<2048xi32, #tpu.memory_space<hbm>>, %arg5: memref<2048x1024xf32, #tpu.memory_space<hbm>>, %arg6: memref<32xi32, #tpu.memory_space<vmem>>, %arg7: memref<32xi32, #tpu.memory_space<vmem>>, %arg8: memref<32x1024xf32, #tpu.memory_space<vmem>>, %arg9: memref<32x1024xf32, #tpu.memory_space<vmem>>, %arg10: memref<!tpu.dma_semaphore, #tpu.memory_space<semaphore_mem>>, %arg11: memref<!tpu.dma_semaphore, #tpu.memory_space<semaphore_mem>>) attributes {dimension_semantics = [#tpu.dimension_semantics<core_parallel>, #tpu.dimension_semantics<subcore_parallel>], iteration_bounds = array<i64: 2, 16>, scalar_prefetch = 0 : i64, scratch_operands = 6 : i64, tpu.core_type = #tpu.core_type<sc_vector_subcore>, window_params = [{transform_indices = #map}, {transform_indices = #map1}, {transform_indices = #map1}, {transform_indices = #map}]} {
    %mul3A = arith.constant 2 : i32
    %mul3A_0 = arith.muli %arg1, %mul3A : i32
    %add3A = arith.addi %mul3A_0, %arg0 : i32
    %mul3A_1 = arith.constant 64 : i32
    %mul3A_2 = arith.muli %add3A, %mul3A_1 : i32
    %add3A_3 = arith.constant 0 : i32
    %add3A_4 = arith.addi %mul3A_2, %add3A_3 : i32
    "tpu.region"() ({
      %run_scoped3A = tpu.sem_alloc : memref<!tpu.dma_semaphore, #tpu.memory_space<semaphore_mem>>
      %dma_start3A_44 = tpu.memref_slice %arg3[%add3A_4] : memref<2048xi32, #tpu.memory_space<hbm>> -> memref<32xi32, #tpu.memory_space<hbm>>
      %dma_start3A_45 = tpu.memref_slice %arg3[%add3A_4] : memref<2048xi32, #tpu.memory_space<hbm>> -> memref<32xi32, #tpu.memory_space<hbm>>
      tpu.enqueue_dma source(%dma_start3A_45 : memref<32xi32, #tpu.memory_space<hbm>>) target(%arg6 : memref<32xi32, #tpu.memory_space<vmem>>) target_semaphore(%run_scoped3A : memref<!tpu.dma_semaphore, #tpu.memory_space<semaphore_mem>>)
      %dma_wait3A_46 = tpu.memref_slice %arg3[%add3A_4] : memref<2048xi32, #tpu.memory_space<hbm>> -> memref<32xi32, #tpu.memory_space<hbm>>
      %dma_wait3A_47 = tpu.memref_slice %arg3[%add3A_4] : memref<2048xi32, #tpu.memory_space<hbm>> -> memref<32xi32, #tpu.memory_space<hbm>>
      tpu.wait_dma2 semaphore(%run_scoped3A : memref<!tpu.dma_semaphore, #tpu.memory_space<semaphore_mem>>) src(%dma_wait3A_47 : memref<32xi32, #tpu.memory_space<hbm>>) dst(%arg6 : memref<32xi32, #tpu.memory_space<vmem>>)
      tpu.yield
    }) : () -> ()
    "tpu.region"() ({
      %run_scoped3A = tpu.sem_alloc : memref<!tpu.dma_semaphore, #tpu.memory_space<semaphore_mem>>
      %dma_start3A_44 = tpu.memref_slice %arg4[%add3A_4] : memref<2048xi32, #tpu.memory_space<hbm>> -> memref<32xi32, #tpu.memory_space<hbm>>
      %dma_start3A_45 = tpu.memref_slice %arg4[%add3A_4] : memref<2048xi32, #tpu.memory_space<hbm>> -> memref<32xi32, #tpu.memory_space<hbm>>
      tpu.enqueue_dma source(%dma_start3A_45 : memref<32xi32, #tpu.memory_space<hbm>>) target(%arg7 : memref<32xi32, #tpu.memory_space<vmem>>) target_semaphore(%run_scoped3A : memref<!tpu.dma_semaphore, #tpu.memory_space<semaphore_mem>>)
      %dma_wait3A_46 = tpu.memref_slice %arg4[%add3A_4] : memref<2048xi32, #tpu.memory_space<hbm>> -> memref<32xi32, #tpu.memory_space<hbm>>
      %dma_wait3A_47 = tpu.memref_slice %arg4[%add3A_4] : memref<2048xi32, #tpu.memory_space<hbm>> -> memref<32xi32, #tpu.memory_space<hbm>>
      tpu.wait_dma2 semaphore(%run_scoped3A : memref<!tpu.dma_semaphore, #tpu.memory_space<semaphore_mem>>) src(%dma_wait3A_47 : memref<32xi32, #tpu.memory_space<hbm>>) dst(%arg7 : memref<32xi32, #tpu.memory_space<vmem>>)
      tpu.yield
    }) : () -> ()
    %dma_start3A = arith.constant 0 : i32
    %dma_start3A_5 = arith.constant 0 : i32
    %dma_start3A_6 = tpu.memref_slice %arg2[%dma_start3A, %dma_start3A_5] : memref<7680x1024xf32, #tpu.memory_space<hbm>> -> memref<7680x1024xf32, #tpu.memory_space<hbm>>
    tpu.enqueue_indirect_dma source(%dma_start3A_6 : memref<7680x1024xf32, #tpu.memory_space<hbm>>) target(%arg8 : memref<32x1024xf32, #tpu.memory_space<vmem>>) offsets(%arg6 : memref<32xi32, #tpu.memory_space<vmem>>) semaphore(%arg10 : memref<!tpu.dma_semaphore, #tpu.memory_space<semaphore_mem>>)
    %dma_start3A_7 = arith.constant 0 : i32
    %dma_start3A_8 = arith.constant 0 : i32
    %dma_start3A_9 = tpu.memref_slice %arg2[%dma_start3A_7, %dma_start3A_8] : memref<7680x1024xf32, #tpu.memory_space<hbm>> -> memref<7680x1024xf32, #tpu.memory_space<hbm>>
    tpu.enqueue_indirect_dma source(%dma_start3A_9 : memref<7680x1024xf32, #tpu.memory_space<hbm>>) target(%arg9 : memref<32x1024xf32, #tpu.memory_space<vmem>>) offsets(%arg7 : memref<32xi32, #tpu.memory_space<vmem>>) semaphore(%arg11 : memref<!tpu.dma_semaphore, #tpu.memory_space<semaphore_mem>>)
    %dma_wait3A = arith.constant 0 : i32
    %dma_wait3A_10 = arith.constant 0 : i32
    %dma_wait3A_11 = tpu.memref_slice %arg2[%dma_wait3A, %dma_wait3A_10] : memref<7680x1024xf32, #tpu.memory_space<hbm>> -> memref<7680x1024xf32, #tpu.memory_space<hbm>>
    tpu.wait_indirect_dma semaphore(%arg10 : memref<!tpu.dma_semaphore, #tpu.memory_space<semaphore_mem>>) src(%dma_wait3A_11 : memref<7680x1024xf32, #tpu.memory_space<hbm>>) dst(%arg8 : memref<32x1024xf32, #tpu.memory_space<vmem>>)
    %dma_wait3A_12 = arith.constant 0 : i32
    %dma_wait3A_13 = arith.constant 0 : i32
    %dma_wait3A_14 = tpu.memref_slice %arg2[%dma_wait3A_12, %dma_wait3A_13] : memref<7680x1024xf32, #tpu.memory_space<hbm>> -> memref<7680x1024xf32, #tpu.memory_space<hbm>>
    tpu.wait_indirect_dma semaphore(%arg11 : memref<!tpu.dma_semaphore, #tpu.memory_space<semaphore_mem>>) src(%dma_wait3A_14 : memref<7680x1024xf32, #tpu.memory_space<hbm>>) dst(%arg9 : memref<32x1024xf32, #tpu.memory_space<vmem>>)
    %scan3A = arith.constant 0 : i32
    %scan3A_15 = arith.constant 0 : i32
    %scan3A_16 = arith.constant 32 : i32
    %scan3A_17 = arith.addi %scan3A_15, %scan3A_16 : i32
    %scan3A_18 = arith.constant 1 : i32
    %scan3A_19 = scf.for %scan3A_44 = %scan3A_15 to %scan3A_17 step %scan3A_18 iter_args(%scan3A_45 = %scan3A) -> (i32)  : i32 {
      %get3A = arith.index_cast %scan3A_44 : i32 to index
      %get3A_46 = arith.constant 0 : index
      %get3A_47 = tpu.vector_load %arg8[%get3A, %get3A_46] {strides = array<i32>} : memref<32x1024xf32, #tpu.memory_space<vmem>>, vector<1x16xf32>,
      %get3A_48 = vector.shape_cast %get3A_47 : vector<1x16xf32> to vector<16xf32>
      %get3A_49 = arith.index_cast %scan3A_44 : i32 to index
      %get3A_50 = arith.constant 0 : index
      %get3A_51 = tpu.vector_load %arg9[%get3A_49, %get3A_50] {strides = array<i32>} : memref<32x1024xf32, #tpu.memory_space<vmem>>, vector<1x16xf32>,
      %get3A_52 = vector.shape_cast %get3A_51 : vector<1x16xf32> to vector<16xf32>
      %add3A_53 = arith.addf %get3A_48, %get3A_52 : vector<16xf32>
      %swap3A = arith.index_cast %scan3A_44 : i32 to index
      %swap3A_54 = arith.constant 0 : index
      %swap3A_55 = tpu.vector_load %arg8[%swap3A, %swap3A_54] {strides = array<i32>} : memref<32x1024xf32, #tpu.memory_space<vmem>>, vector<1x16xf32>,
      %swap3A_56 = vector.shape_cast %swap3A_55 : vector<1x16xf32> to vector<16xf32>
      %swap3A_57 = vector.shape_cast %add3A_53 : vector<16xf32> to vector<1x16xf32>
      tpu.vector_store %arg8[%swap3A, %swap3A_54], %swap3A_57 {strides = array<i32>} : memref<32x1024xf32, #tpu.memory_space<vmem>>, vector<1x16xf32>,
      %get3A_58 = arith.index_cast %scan3A_44 : i32 to index
      %get3A_59 = arith.constant 16 : index
      %get3A_60 = tpu.vector_load %arg8[%get3A_58, %get3A_59] {strides = array<i32>} : memref<32x1024xf32, #tpu.memory_space<vmem>>, vector<1x16xf32>,
      %get3A_61 = vector.shape_cast %get3A_60 : vector<1x16xf32> to vector<16xf32>
      %get3A_62 = arith.index_cast %scan3A_44 : i32 to index
      %get3A_63 = arith.constant 16 : index
      %get3A_64 = tpu.vector_load %arg9[%get3A_62, %get3A_63] {strides = array<i32>} : memref<32x1024xf32, #tpu.memory_space<vmem>>, vector<1x16xf32>,
      %get3A_65 = vector.shape_cast %get3A_64 : vector<1x16xf32> to vector<16xf32>
      %add3A_66 = arith.addf %get3A_61, %get3A_65 : vector<16xf32>
      %swap3A_67 = arith.index_cast %scan3A_44 : i32 to index
      %swap3A_68 = arith.constant 16 : index
      %swap3A_69 = tpu.vector_load %arg8[%swap3A_67, %swap3A_68] {strides = array<i32>} : memref<32x1024xf32, #tpu.memory_space<vmem>>, vector<1x16xf32>,
      %swap3A_70 = vector.shape_cast %swap3A_69 : vector<1x16xf32> to vector<16xf32>
      %swap3A_71 = vector.shape_cast %add3A_66 : vector<16xf32> to vector<1x16xf32>
      tpu.vector_store %arg8[%swap3A_67, %swap3A_68], %swap3A_71 {strides = array<i32>} : memref<32x1024xf32, #tpu.memory_space<vmem>>, vector<1x16xf32>,
      %get3A_72 = arith.index_cast %scan3A_44 : i32 to index
      %get3A_73 = arith.constant 32 : index
      %get3A_74 = tpu.vector_load %arg8[%get3A_72, %get3A_73] {strides = array<i32>} : memref<32x1024xf32, #tpu.memory_space<vmem>>, vector<1x16xf32>,
      %get3A_75 = vector.shape_cast %get3A_74 : vector<1x16xf32> to vector<16xf32>
      %get3A_76 = arith.index_cast %scan3A_44 : i32 to index
      %get3A_77 = arith.constant 32 : index
      %get3A_78 = tpu.vector_load %arg9[%get3A_76, %get3A_77] {strides = array<i32>} : memref<32x1024xf32, #tpu.memory_space<vmem>>, vector<1x16xf32>,
      %get3A_79 = vector.shape_cast %get3A_78 : vector<1x16xf32> to vector<16xf32>
      %add3A_80 = arith.addf %get3A_75, %get3A_79 : vector<16xf32>
      %swap3A_81 = arith.index_cast %scan3A_44 : i32 to index
      %swap3A_82 = arith.constant 32 : index
      %swap3A_83 = tpu.vector_load %arg8[%swap3A_81, %swap3A_82] {strides = array<i32>} : memref<32x1024xf32, #tpu.memory_space<vmem>>, vector<1x16xf32>,
      %swap3A_84 = vector.shape_cast %swap3A_83 : vector<1x16xf32> to vector<16xf32>
      %swap3A_85 = vector.shape_cast %add3A_80 : vector<16xf32> to vector<1x16xf32>
      tpu.vector_store %arg8[%swap3A_81, %swap3A_82], %swap3A_85 {strides = array<i32>} : memref<32x1024xf32, #tpu.memory_space<vmem>>, vector<1x16xf32>,
      %get3A_86 = arith.index_cast %scan3A_44 : i32 to index
      %get3A_87 = arith.constant 48 : index
      %get3A_88 = tpu.vector_load %arg8[%get3A_86, %get3A_87] {strides = array<i32>} : memref<32x1024xf32, #tpu.memory_space<vmem>>, vector<1x16xf32>,
      %get3A_89 = vector.shape_cast %get3A_88 : vector<1x16xf32> to vector<16xf32>
      %get3A_90 = arith.index_cast %scan3A_44 : i32 to index
      %get3A_91 = arith.constant 48 : index
      %get3A_92 = tpu.vector_load %arg9[%get3A_90, %get3A_91] {strides = array<i32>} : memref<32x1024xf32, #tpu.memory_space<vmem>>, vector<1x16xf32>,
      %get3A_93 = vector.shape_cast %get3A_92 : vector<1x16xf32> to vector<16xf32>
      %add3A_94 = arith.addf %get3A_89, %get3A_93 : vector<16xf32>
      %swap3A_95 = arith.index_cast %scan3A_44 : i32 to index
      %swap3A_96 = arith.constant 48 : index
      %swap3A_97 = tpu.vector_load %arg8[%swap3A_95, %swap3A_96] {strides = array<i32>} : memref<32x1024xf32, #tpu.memory_space<vmem>>, vector<1x16xf32>,
      %swap3A_98 = vector.shape_cast %swap3A_97 : vector<1x16xf32> to vector<16xf32>
      %swap3A_99 = vector.shape_cast %add3A_94 : vector<16xf32> to vector<1x16xf32>
      tpu.vector_store %arg8[%swap3A_95, %swap3A_96], %swap3A_99 {strides = array<i32>} : memref<32x1024xf32, #tpu.memory_space<vmem>>, vector<1x16xf32>,
      %get3A_100 = arith.index_cast %scan3A_44 : i32 to index
      %get3A_101 = arith.constant 64 : index
      %get3A_102 = tpu.vector_load %arg8[%get3A_100, %get3A_101] {strides = array<i32>} : memref<32x1024xf32, #tpu.memory_space<vmem>>, vector<1x16xf32>,
      %get3A_103 = vector.shape_cast %get3A_102 : vector<1x16xf32> to vector<16xf32>
      %get3A_104 = arith.index_cast %scan3A_44 : i32 to index
      %get3A_105 = arith.constant 64 : index
      %get3A_106 = tpu.vector_load %arg9[%get3A_104, %get3A_105] {strides = array<i32>} : memref<32x1024xf32, #tpu.memory_space<vmem>>, vector<1x16xf32>,
      %get3A_107 = vector.shape_cast %get3A_106 : vector<1x16xf32> to vector<16xf32>
      %add3A_108 = arith.addf %get3A_103, %get3A_107 : vector<16xf32>
      %swap3A_109 = arith.index_cast %scan3A_44 : i32 to index
      %swap3A_110 = arith.constant 64 : index
      %swap3A_111 = tpu.vector_load %arg8[%swap3A_109, %swap3A_110] {strides = array<i32>} : memref<32x1024xf32, #tpu.memory_space<vmem>>, vector<1x16xf32>,
      %swap3A_112 = vector.shape_cast %swap3A_111 : vector<1x16xf32> to vector<16xf32>
      %swap3A_113 = vector.shape_cast %add3A_108 : vector<16xf32> to vector<1x16xf32>
      tpu.vector_store %arg8[%swap3A_109, %swap3A_110], %swap3A_113 {strides = array<i32>} : memref<32x1024xf32, #tpu.memory_space<vmem>>, vector<1x16xf32>,
      %get3A_114 = arith.index_cast %scan3A_44 : i32 to index
      %get3A_115 = arith.constant 80 : index
      %get3A_116 = tpu.vector_load %arg8[%get3A_114, %get3A_115] {strides = array<i32>} : memref<32x1024xf32, #tpu.memory_space<vmem>>, vector<1x16xf32>,
      %get3A_117 = vector.shape_cast %get3A_116 : vector<1x16xf32> to vector<16xf32>
      %get3A_118 = arith.index_cast %scan3A_44 : i32 to index
      %get3A_119 = arith.constant 80 : index
      %get3A_120 = tpu.vector_load %arg9[%get3A_118, %get3A_119] {strides = array<i32>} : memref<32x1024xf32, #tpu.memory_space<vmem>>, vector<1x16xf32>,
      %get3A_121 = vector.shape_cast %get3A_120 : vector<1x16xf32> to vector<16xf32>
      %add3A_122 = arith.addf %get3A_117, %get3A_121 : vector<16xf32>
      %swap3A_123 = arith.index_cast %scan3A_44 : i32 to index
      %swap3A_124 = arith.constant 80 : index
      %swap3A_125 = tpu.vector_load %arg8[%swap3A_123, %swap3A_124] {strides = array<i32>} : memref<32x1024xf32, #tpu.memory_space<vmem>>, vector<1x16xf32>,
      %swap3A_126 = vector.shape_cast %swap3A_125 : vector<1x16xf32> to vector<16xf32>
      %swap3A_127 = vector.shape_cast %add3A_122 : vector<16xf32> to vector<1x16xf32>
      tpu.vector_store %arg8[%swap3A_123, %swap3A_124], %swap3A_127 {strides = array<i32>} : memref<32x1024xf32, #tpu.memory_space<vmem>>, vector<1x16xf32>,
      %get3A_128 = arith.index_cast %scan3A_44 : i32 to index
      %get3A_129 = arith.constant 96 : index
      %get3A_130 = tpu.vector_load %arg8[%get3A_128, %get3A_129] {strides = array<i32>} : memref<32x1024xf32, #tpu.memory_space<vmem>>, vector<1x16xf32>,
      %get3A_131 = vector.shape_cast %get3A_130 : vector<1x16xf32> to vector<16xf32>
      %get3A_132 = arith.index_cast %scan3A_44 : i32 to index
      %get3A_133 = arith.constant 96 : index
      %get3A_134 = tpu.vector_load %arg9[%get3A_132, %get3A_133] {strides = array<i32>} : memref<32x1024xf32, #tpu.memory_space<vmem>>, vector<1x16xf32>,
      %get3A_135 = vector.shape_cast %get3A_134 : vector<1x16xf32> to vector<16xf32>
      %add3A_136 = arith.addf %get3A_131, %get3A_135 : vector<16xf32>
      %swap3A_137 = arith.index_cast %scan3A_44 : i32 to index
      %swap3A_138 = arith.constant 96 : index
      %swap3A_139 = tpu.vector_load %arg8[%swap3A_137, %swap3A_138] {strides = array<i32>} : memref<32x1024xf32, #tpu.memory_space<vmem>>, vector<1x16xf32>,
      %swap3A_140 = vector.shape_cast %swap3A_139 : vector<1x16xf32> to vector<16xf32>
      %swap3A_141 = vector.shape_cast %add3A_136 : vector<16xf32> to vector<1x16xf32>
      tpu.vector_store %arg8[%swap3A_137, %swap3A_138], %swap3A_141 {strides = array<i32>} : memref<32x1024xf32, #tpu.memory_space<vmem>>, vector<1x16xf32>,
      %get3A_142 = arith.index_cast %scan3A_44 : i32 to index
      %get3A_143 = arith.constant 112 : index
      %get3A_144 = tpu.vector_load %arg8[%get3A_142, %get3A_143] {strides = array<i32>} : memref<32x1024xf32, #tpu.memory_space<vmem>>, vector<1x16xf32>,
      %get3A_145 = vector.shape_cast %get3A_144 : vector<1x16xf32> to vector<16xf32>
      %get3A_146 = arith.index_cast %scan3A_44 : i32 to index
      %get3A_147 = arith.constant 112 : index
      %get3A_148 = tpu.vector_load %arg9[%get3A_146, %get3A_147] {strides = array<i32>} : memref<32x1024xf32, #tpu.memory_space<vmem>>, vector<1x16xf32>,
      %get3A_149 = vector.shape_cast %get3A_148 : vector<1x16xf32> to vector<16xf32>
      %add3A_150 = arith.addf %get3A_145, %get3A_149 : vector<16xf32>
      %swap3A_151 = arith.index_cast %scan3A_44 : i32 to index
      %swap3A_152 = arith.constant 112 : index
      %swap3A_153 = tpu.vector_load %arg8[%swap3A_151, %swap3A_152] {strides = array<i32>} : memref<32x1024xf32, #tpu.memory_space<vmem>>, vector<1x16xf32>,
      %swap3A_154 = vector.shape_cast %swap3A_153 : vector<1x16xf32> to vector<16xf32>
      %swap3A_155 = vector.shape_cast %add3A_150 : vector<16xf32> to vector<1x16xf32>
      tpu.vector_store %arg8[%swap3A_151, %swap3A_152], %swap3A_155 {strides = array<i32>} : memref<32x1024xf32, #tpu.memory_space<vmem>>, vector<1x16xf32>,
      %get3A_156 = arith.index_cast %scan3A_44 : i32 to index
      %get3A_157 = arith.constant 128 : index
      %get3A_158 = tpu.vector_load %arg8[%get3A_156, %get3A_157] {strides = array<i32>} : memref<32x1024xf32, #tpu.memory_space<vmem>>, vector<1x16xf32>,
      %get3A_159 = vector.shape_cast %get3A_158 : vector<1x16xf32> to vector<16xf32>
      %get3A_160 = arith.index_cast %scan3A_44 : i32 to index
      %get3A_161 = arith.constant 128 : index
      %get3A_162 = tpu.vector_load %arg9[%get3A_160, %get3A_161] {strides = array<i32>} : memref<32x1024xf32, #tpu.memory_space<vmem>>, vector<1x16xf32>,
      %get3A_163 = vector.shape_cast %get3A_162 : vector<1x16xf32> to vector<16xf32>
      %add3A_164 = arith.addf %get3A_159, %get3A_163 : vector<16xf32>
      %swap3A_165 = arith.index_cast %scan3A_44 : i32 to index
      %swap3A_166 = arith.constant 128 : index
      %swap3A_167 = tpu.vector_load %arg8[%swap3A_165, %swap3A_166] {strides = array<i32>} : memref<32x1024xf32, #tpu.memory_space<vmem>>, vector<1x16xf32>,
      %swap3A_168 = vector.shape_cast %swap3A_167 : vector<1x16xf32> to vector<16xf32>
      %swap3A_169 = vector.shape_cast %add3A_164 : vector<16xf32> to vector<1x16xf32>
      tpu.vector_store %arg8[%swap3A_165, %swap3A_166], %swap3A_169 {strides = array<i32>} : memref<32x1024xf32, #tpu.memory_space<vmem>>, vector<1x16xf32>,
      %get3A_170 = arith.index_cast %scan3A_44 : i32 to index
      %get3A_171 = arith.constant 144 : index
      %get3A_172 = tpu.vector_load %arg8[%get3A_170, %get3A_171] {strides = array<i32>} : memref<32x1024xf32, #tpu.memory_space<vmem>>, vector<1x16xf32>,
      %get3A_173 = vector.shape_cast %get3A_172 : vector<1x16xf32> to vector<16xf32>
      %get3A_174 = arith.index_cast %scan3A_44 : i32 to index
      %get3A_175 = arith.constant 144 : index
      %get3A_176 = tpu.vector_load %arg9[%get3A_174, %get3A_175] {strides = array<i32>} : memref<32x1024xf32, #tpu.memory_space<vmem>>, vector<1x16xf32>,
      %get3A_177 = vector.shape_cast %get3A_176 : vector<1x16xf32> to vector<16xf32>
      %add3A_178 = arith.addf %get3A_173, %get3A_177 : vector<16xf32>
      %swap3A_179 = arith.index_cast %scan3A_44 : i32 to index
      %swap3A_180 = arith.constant 144 : index
      %swap3A_181 = tpu.vector_load %arg8[%swap3A_179, %swap3A_180] {strides = array<i32>} : memref<32x1024xf32, #tpu.memory_space<vmem>>, vector<1x16xf32>,
      %swap3A_182 = vector.shape_cast %swap3A_181 : vector<1x16xf32> to vector<16xf32>
      %swap3A_183 = vector.shape_cast %add3A_178 : vector<16xf32> to vector<1x16xf32>
      tpu.vector_store %arg8[%swap3A_179, %swap3A_180], %swap3A_183 {strides = array<i32>} : memref<32x1024xf32, #tpu.memory_space<vmem>>, vector<1x16xf32>,
      %get3A_184 = arith.index_cast %scan3A_44 : i32 to index
      %get3A_185 = arith.constant 160 : index
      %get3A_186 = tpu.vector_load %arg8[%get3A_184, %get3A_185] {strides = array<i32>} : memref<32x1024xf32, #tpu.memory_space<vmem>>, vector<1x16xf32>,
      %get3A_187 = vector.shape_cast %get3A_186 : vector<1x16xf32> to vector<16xf32>
      %get3A_188 = arith.index_cast %scan3A_44 : i32 to index
      %get3A_189 = arith.constant 160 : index
      %get3A_190 = tpu.vector_load %arg9[%get3A_188, %get3A_189] {strides = array<i32>} : memref<32x1024xf32, #tpu.memory_space<vmem>>, vector<1x16xf32>,
      %get3A_191 = vector.shape_cast %get3A_190 : vector<1x16xf32> to vector<16xf32>
      %add3A_192 = arith.addf %get3A_187, %get3A_191 : vector<16xf32>
      %swap3A_193 = arith.index_cast %scan3A_44 : i32 to index
      %swap3A_194 = arith.constant 160 : index
      %swap3A_195 = tpu.vector_load %arg8[%swap3A_193, %swap3A_194] {strides = array<i32>} : memref<32x1024xf32, #tpu.memory_space<vmem>>, vector<1x16xf32>,
      %swap3A_196 = vector.shape_cast %swap3A_195 : vector<1x16xf32> to vector<16xf32>
      %swap3A_197 = vector.shape_cast %add3A_192 : vector<16xf32> to vector<1x16xf32>
      tpu.vector_store %arg8[%swap3A_193, %swap3A_194], %swap3A_197 {strides = array<i32>} : memref<32x1024xf32, #tpu.memory_space<vmem>>, vector<1x16xf32>,
      %get3A_198 = arith.index_cast %scan3A_44 : i32 to index
      %get3A_199 = arith.constant 176 : index
      %get3A_200 = tpu.vector_load %arg8[%get3A_198, %get3A_199] {strides = array<i32>} : memref<32x1024xf32, #tpu.memory_space<vmem>>, vector<1x16xf32>,
      %get3A_201 = vector.shape_cast %get3A_200 : vector<1x16xf32> to vector<16xf32>
      %get3A_202 = arith.index_cast %scan3A_44 : i32 to index
      %get3A_203 = arith.constant 176 : index
      %get3A_204 = tpu.vector_load %arg9[%get3A_202, %get3A_203] {strides = array<i32>} : memref<32x1024xf32, #tpu.memory_space<vmem>>, vector<1x16xf32>,
      %get3A_205 = vector.shape_cast %get3A_204 : vector<1x16xf32> to vector<16xf32>
      %add3A_206 = arith.addf %get3A_201, %get3A_205 : vector<16xf32>
      %swap3A_207 = arith.index_cast %scan3A_44 : i32 to index
      %swap3A_208 = arith.constant 176 : index
      %swap3A_209 = tpu.vector_load %arg8[%swap3A_207, %swap3A_208] {strides = array<i32>} : memref<32x1024xf32, #tpu.memory_space<vmem>>, vector<1x16xf32>,
      %swap3A_210 = vector.shape_cast %swap3A_209 : vector<1x16xf32> to vector<16xf32>
      %swap3A_211 = vector.shape_cast %add3A_206 : vector<16xf32> to vector<1x16xf32>
      tpu.vector_store %arg8[%swap3A_207, %swap3A_208], %swap3A_211 {strides = array<i32>} : memref<32x1024xf32, #tpu.memory_space<vmem>>, vector<1x16xf32>,
      %get3A_212 = arith.index_cast %scan3A_44 : i32 to index
      %get3A_213 = arith.constant 192 : index
      %get3A_214 = tpu.vector_load %arg8[%get3A_212, %get3A_213] {strides = array<i32>} : memref<32x1024xf32, #tpu.memory_space<vmem>>, vector<1x16xf32>,
      %get3A_215 = vector.shape_cast %get3A_214 : vector<1x16xf32> to vector<16xf32>
      %get3A_216 = arith.index_cast %scan3A_44 : i32 to index
      %get3A_217 = arith.constant 192 : index
      %get3A_218 = tpu.vector_load %arg9[%get3A_216, %get3A_217] {strides = array<i32>} : memref<32x1024xf32, #tpu.memory_space<vmem>>, vector<1x16xf32>,
      %get3A_219 = vector.shape_cast %get3A_218 : vector<1x16xf32> to vector<16xf32>
      %add3A_220 = arith.addf %get3A_215, %get3A_219 : vector<16xf32>
      %swap3A_221 = arith.index_cast %scan3A_44 : i32 to index
      %swap3A_222 = arith.constant 192 : index
      %swap3A_223 = tpu.vector_load %arg8[%swap3A_221, %swap3A_222] {strides = array<i32>} : memref<32x1024xf32, #tpu.memory_space<vmem>>, vector<1x16xf32>,
      %swap3A_224 = vector.shape_cast %swap3A_223 : vector<1x16xf32> to vector<16xf32>
      %swap3A_225 = vector.shape_cast %add3A_220 : vector<16xf32> to vector<1x16xf32>
      tpu.vector_store %arg8[%swap3A_221, %swap3A_222], %swap3A_225 {strides = array<i32>} : memref<32x1024xf32, #tpu.memory_space<vmem>>, vector<1x16xf32>,
      %get3A_226 = arith.index_cast %scan3A_44 : i32 to index
      %get3A_227 = arith.constant 208 : index
      %get3A_228 = tpu.vector_load %arg8[%get3A_226, %get3A_227] {strides = array<i32>} : memref<32x1024xf32, #tpu.memory_space<vmem>>, vector<1x16xf32>,
      %get3A_229 = vector.shape_cast %get3A_228 : vector<1x16xf32> to vector<16xf32>
      %get3A_230 = arith.index_cast %scan3A_44 : i32 to index
      %get3A_231 = arith.constant 208 : index
      %get3A_232 = tpu.vector_load %arg9[%get3A_230, %get3A_231] {strides = array<i32>} : memref<32x1024xf32, #tpu.memory_space<vmem>>, vector<1x16xf32>,
      %get3A_233 = vector.shape_cast %get3A_232 : vector<1x16xf32> to vector<16xf32>
      %add3A_234 = arith.addf %get3A_229, %get3A_233 : vector<16xf32>
      %swap3A_235 = arith.index_cast %scan3A_44 : i32 to index
      %swap3A_236 = arith.constant 208 : index
      %swap3A_237 = tpu.vector_load %arg8[%swap3A_235, %swap3A_236] {strides = array<i32>} : memref<32x1024xf32, #tpu.memory_space<vmem>>, vector<1x16xf32>,
      %swap3A_238 = vector.shape_cast %swap3A_237 : vector<1x16xf32> to vector<16xf32>
      %swap3A_239 = vector.shape_cast %add3A_234 : vector<16xf32> to vector<1x16xf32>
      tpu.vector_store %arg8[%swap3A_235, %swap3A_236], %swap3A_239 {strides = array<i32>} : memref<32x1024xf32, #tpu.memory_space<vmem>>, vector<1x16xf32>,
      %get3A_240 = arith.index_cast %scan3A_44 : i32 to index
      %get3A_241 = arith.constant 224 : index
      %get3A_242 = tpu.vector_load %arg8[%get3A_240, %get3A_241] {strides = array<i32>} : memref<32x1024xf32, #tpu.memory_space<vmem>>, vector<1x16xf32>,
      %get3A_243 = vector.shape_cast %get3A_242 : vector<1x16xf32> to vector<16xf32>
      %get3A_244 = arith.index_cast %scan3A_44 : i32 to index
      %get3A_245 = arith.constant 224 : index
      %get3A_246 = tpu.vector_load %arg9[%get3A_244, %get3A_245] {strides = array<i32>} : memref<32x1024xf32, #tpu.memory_space<vmem>>, vector<1x16xf32>,
      %get3A_247 = vector.shape_cast %get3A_246 : vector<1x16xf32> to vector<16xf32>
      %add3A_248 = arith.addf %get3A_243, %get3A_247 : vector<16xf32>
      %swap3A_249 = arith.index_cast %scan3A_44 : i32 to index
      %swap3A_250 = arith.constant 224 : index
      %swap3A_251 = tpu.vector_load %arg8[%swap3A_249, %swap3A_250] {strides = array<i32>} : memref<32x1024xf32, #tpu.memory_space<vmem>>, vector<1x16xf32>,
      %swap3A_252 = vector.shape_cast %swap3A_251 : vector<1x16xf32> to vector<16xf32>
      %swap3A_253 = vector.shape_cast %add3A_248 : vector<16xf32> to vector<1x16xf32>
      tpu.vector_store %arg8[%swap3A_249, %swap3A_250], %swap3A_253 {strides = array<i32>} : memref<32x1024xf32, #tpu.memory_space<vmem>>, vector<1x16xf32>,
      %get3A_254 = arith.index_cast %scan3A_44 : i32 to index
      %get3A_255 = arith.constant 240 : index
      %get3A_256 = tpu.vector_load %arg8[%get3A_254, %get3A_255] {strides = array<i32>} : memref<32x1024xf32, #tpu.memory_space<vmem>>, vector<1x16xf32>,
      %get3A_257 = vector.shape_cast %get3A_256 : vector<1x16xf32> to vector<16xf32>
      %get3A_258 = arith.index_cast %scan3A_44 : i32 to index
      %get3A_259 = arith.constant 240 : index
      %get3A_260 = tpu.vector_load %arg9[%get3A_258, %get3A_259] {strides = array<i32>} : memref<32x1024xf32, #tpu.memory_space<vmem>>, vector<1x16xf32>,
      %get3A_261 = vector.shape_cast %get3A_260 : vector<1x16xf32> to vector<16xf32>
      %add3A_262 = arith.addf %get3A_257, %get3A_261 : vector<16xf32>
      %swap3A_263 = arith.index_cast %scan3A_44 : i32 to index
      %swap3A_264 = arith.constant 240 : index
      %swap3A_265 = tpu.vector_load %arg8[%swap3A_263, %swap3A_264] {strides = array<i32>} : memref<32x1024xf32, #tpu.memory_space<vmem>>, vector<1x16xf32>,
      %swap3A_266 = vector.shape_cast %swap3A_265 : vector<1x16xf32> to vector<16xf32>
      %swap3A_267 = vector.shape_cast %add3A_262 : vector<16xf32> to vector<1x16xf32>
      tpu.vector_store %arg8[%swap3A_263, %swap3A_264], %swap3A_267 {strides = array<i32>} : memref<32x1024xf32, #tpu.memory_space<vmem>>, vector<1x16xf32>,
      %get3A_268 = arith.index_cast %scan3A_44 : i32 to index
      %get3A_269 = arith.constant 256 : index
      %get3A_270 = tpu.vector_load %arg8[%get3A_268, %get3A_269] {strides = array<i32>} : memref<32x1024xf32, #tpu.memory_space<vmem>>, vector<1x16xf32>,
      %get3A_271 = vector.shape_cast %get3A_270 : vector<1x16xf32> to vector<16xf32>
      %get3A_272 = arith.index_cast %scan3A_44 : i32 to index
      %get3A_273 = arith.constant 256 : index
      %get3A_274 = tpu.vector_load %arg9[%get3A_272, %get3A_273] {strides = array<i32>} : memref<32x1024xf32, #tpu.memory_space<vmem>>, vector<1x16xf32>,
      %get3A_275 = vector.shape_cast %get3A_274 : vector<1x16xf32> to vector<16xf32>
      %add3A_276 = arith.addf %get3A_271, %get3A_275 : vector<16xf32>
      %swap3A_277 = arith.index_cast %scan3A_44 : i32 to index
      %swap3A_278 = arith.constant 256 : index
      %swap3A_279 = tpu.vector_load %arg8[%swap3A_277, %swap3A_278] {strides = array<i32>} : memref<32x1024xf32, #tpu.memory_space<vmem>>, vector<1x16xf32>,
      %swap3A_280 = vector.shape_cast %swap3A_279 : vector<1x16xf32> to vector<16xf32>
      %swap3A_281 = vector.shape_cast %add3A_276 : vector<16xf32> to vector<1x16xf32>
      tpu.vector_store %arg8[%swap3A_277, %swap3A_278], %swap3A_281 {strides = array<i32>} : memref<32x1024xf32, #tpu.memory_space<vmem>>, vector<1x16xf32>,
      %get3A_282 = arith.index_cast %scan3A_44 : i32 to index
      %get3A_283 = arith.constant 272 : index
      %get3A_284 = tpu.vector_load %arg8[%get3A_282, %get3A_283] {strides = array<i32>} : memref<32x1024xf32, #tpu.memory_space<vmem>>, vector<1x16xf32>,
      %get3A_285 = vector.shape_cast %get3A_284 : vector<1x16xf32> to vector<16xf32>
      %get3A_286 = arith.index_cast %scan3A_44 : i32 to index
      %get3A_287 = arith.constant 272 : index
      %get3A_288 = tpu.vector_load %arg9[%get3A_286, %get3A_287] {strides = array<i32>} : memref<32x1024xf32, #tpu.memory_space<vmem>>, vector<1x16xf32>,
      %get3A_289 = vector.shape_cast %get3A_288 : vector<1x16xf32> to vector<16xf32>
      %add3A_290 = arith.addf %get3A_285, %get3A_289 : vector<16xf32>
      %swap3A_291 = arith.index_cast %scan3A_44 : i32 to index
      %swap3A_292 = arith.constant 272 : index
      %swap3A_293 = tpu.vector_load %arg8[%swap3A_291, %swap3A_292] {strides = array<i32>} : memref<32x1024xf32, #tpu.memory_space<vmem>>, vector<1x16xf32>,
      %swap3A_294 = vector.shape_cast %swap3A_293 : vector<1x16xf32> to vector<16xf32>
      %swap3A_295 = vector.shape_cast %add3A_290 : vector<16xf32> to vector<1x16xf32>
      tpu.vector_store %arg8[%swap3A_291, %swap3A_292], %swap3A_295 {strides = array<i32>} : memref<32x1024xf32, #tpu.memory_space<vmem>>, vector<1x16xf32>,
      %get3A_296 = arith.index_cast %scan3A_44 : i32 to index
      %get3A_297 = arith.constant 288 : index
      %get3A_298 = tpu.vector_load %arg8[%get3A_296, %get3A_297] {strides = array<i32>} : memref<32x1024xf32, #tpu.memory_space<vmem>>, vector<1x16xf32>,
      %get3A_299 = vector.shape_cast %get3A_298 : vector<1x16xf32> to vector<16xf32>
      %get3A_300 = arith.index_cast %scan3A_44 : i32 to index
      %get3A_301 = arith.constant 288 : index
      %get3A_302 = tpu.vector_load %arg9[%get3A_300, %get3A_301] {strides = array<i32>} : memref<32x1024xf32, #tpu.memory_space<vmem>>, vector<1x16xf32>,
      %get3A_303 = vector.shape_cast %get3A_302 : vector<1x16xf32> to vector<16xf32>
      %add3A_304 = arith.addf %get3A_299, %get3A_303 : vector<16xf32>
      %swap3A_305 = arith.index_cast %scan3A_44 : i32 to index
      %swap3A_306 = arith.constant 288 : index
      %swap3A_307 = tpu.vector_load %arg8[%swap3A_305, %swap3A_306] {strides = array<i32>} : memref<32x1024xf32, #tpu.memory_space<vmem>>, vector<1x16xf32>,
      %swap3A_308 = vector.shape_cast %swap3A_307 : vector<1x16xf32> to vector<16xf32>
      %swap3A_309 = vector.shape_cast %add3A_304 : vector<16xf32> to vector<1x16xf32>
      tpu.vector_store %arg8[%swap3A_305, %swap3A_306], %swap3A_309 {strides = array<i32>} : memref<32x1024xf32, #tpu.memory_space<vmem>>, vector<1x16xf32>,
      %get3A_310 = arith.index_cast %scan3A_44 : i32 to index
      %get3A_311 = arith.constant 304 : index
      %get3A_312 = tpu.vector_load %arg8[%get3A_310, %get3A_311] {strides = array<i32>} : memref<32x1024xf32, #tpu.memory_space<vmem>>, vector<1x16xf32>,
      %get3A_313 = vector.shape_cast %get3A_312 : vector<1x16xf32> to vector<16xf32>
      %get3A_314 = arith.index_cast %scan3A_44 : i32 to index
      %get3A_315 = arith.constant 304 : index
      %get3A_316 = tpu.vector_load %arg9[%get3A_314, %get3A_315] {strides = array<i32>} : memref<32x1024xf32, #tpu.memory_space<vmem>>, vector<1x16xf32>,
      %get3A_317 = vector.shape_cast %get3A_316 : vector<1x16xf32> to vector<16xf32>
      %add3A_318 = arith.addf %get3A_313, %get3A_317 : vector<16xf32>
      %swap3A_319 = arith.index_cast %scan3A_44 : i32 to index
      %swap3A_320 = arith.constant 304 : index
      %swap3A_321 = tpu.vector_load %arg8[%swap3A_319, %swap3A_320] {strides = array<i32>} : memref<32x1024xf32, #tpu.memory_space<vmem>>, vector<1x16xf32>,
      %swap3A_322 = vector.shape_cast %swap3A_321 : vector<1x16xf32> to vector<16xf32>
      %swap3A_323 = vector.shape_cast %add3A_318 : vector<16xf32> to vector<1x16xf32>
      tpu.vector_store %arg8[%swap3A_319, %swap3A_320], %swap3A_323 {strides = array<i32>} : memref<32x1024xf32, #tpu.memory_space<vmem>>, vector<1x16xf32>,
      %get3A_324 = arith.index_cast %scan3A_44 : i32 to index
      %get3A_325 = arith.constant 320 : index
      %get3A_326 = tpu.vector_load %arg8[%get3A_324, %get3A_325] {strides = array<i32>} : memref<32x1024xf32, #tpu.memory_space<vmem>>, vector<1x16xf32>,
      %get3A_327 = vector.shape_cast %get3A_326 : vector<1x16xf32> to vector<16xf32>
      %get3A_328 = arith.index_cast %scan3A_44 : i32 to index
      %get3A_329 = arith.constant 320 : index
      %get3A_330 = tpu.vector_load %arg9[%get3A_328, %get3A_329] {strides = array<i32>} : memref<32x1024xf32, #tpu.memory_space<vmem>>, vector<1x16xf32>,
      %get3A_331 = vector.shape_cast %get3A_330 : vector<1x16xf32> to vector<16xf32>
      %add3A_332 = arith.addf %get3A_327, %get3A_331 : vector<16xf32>
      %swap3A_333 = arith.index_cast %scan3A_44 : i32 to index
      %swap3A_334 = arith.constant 320 : index
      %swap3A_335 = tpu.vector_load %arg8[%swap3A_333, %swap3A_334] {strides = array<i32>} : memref<32x1024xf32, #tpu.memory_space<vmem>>, vector<1x16xf32>,
      %swap3A_336 = vector.shape_cast %swap3A_335 : vector<1x16xf32> to vector<16xf32>
      %swap3A_337 = vector.shape_cast %add3A_332 : vector<16xf32> to vector<1x16xf32>
      tpu.vector_store %arg8[%swap3A_333, %swap3A_334], %swap3A_337 {strides = array<i32>} : memref<32x1024xf32, #tpu.memory_space<vmem>>, vector<1x16xf32>,
      %get3A_338 = arith.index_cast %scan3A_44 : i32 to index
      %get3A_339 = arith.constant 336 : index
      %get3A_340 = tpu.vector_load %arg8[%get3A_338, %get3A_339] {strides = array<i32>} : memref<32x1024xf32, #tpu.memory_space<vmem>>, vector<1x16xf32>,
      %get3A_341 = vector.shape_cast %get3A_340 : vector<1x16xf32> to vector<16xf32>
      %get3A_342 = arith.index_cast %scan3A_44 : i32 to index
      %get3A_343 = arith.constant 336 : index
      %get3A_344 = tpu.vector_load %arg9[%get3A_342, %get3A_343] {strides = array<i32>} : memref<32x1024xf32, #tpu.memory_space<vmem>>, vector<1x16xf32>,
      %get3A_345 = vector.shape_cast %get3A_344 : vector<1x16xf32> to vector<16xf32>
      %add3A_346 = arith.addf %get3A_341, %get3A_345 : vector<16xf32>
      %swap3A_347 = arith.index_cast %scan3A_44 : i32 to index
      %swap3A_348 = arith.constant 336 : index
      %swap3A_349 = tpu.vector_load %arg8[%swap3A_347, %swap3A_348] {strides = array<i32>} : memref<32x1024xf32, #tpu.memory_space<vmem>>, vector<1x16xf32>,
      %swap3A_350 = vector.shape_cast %swap3A_349 : vector<1x16xf32> to vector<16xf32>
      %swap3A_351 = vector.shape_cast %add3A_346 : vector<16xf32> to vector<1x16xf32>
      tpu.vector_store %arg8[%swap3A_347, %swap3A_348], %swap3A_351 {strides = array<i32>} : memref<32x1024xf32, #tpu.memory_space<vmem>>, vector<1x16xf32>,
      %get3A_352 = arith.index_cast %scan3A_44 : i32 to index
      %get3A_353 = arith.constant 352 : index
      %get3A_354 = tpu.vector_load %arg8[%get3A_352, %get3A_353] {strides = array<i32>} : memref<32x1024xf32, #tpu.memory_space<vmem>>, vector<1x16xf32>,
      %get3A_355 = vector.shape_cast %get3A_354 : vector<1x16xf32> to vector<16xf32>
      %get3A_356 = arith.index_cast %scan3A_44 : i32 to index
      %get3A_357 = arith.constant 352 : index
      %get3A_358 = tpu.vector_load %arg9[%get3A_356, %get3A_357] {strides = array<i32>} : memref<32x1024xf32, #tpu.memory_space<vmem>>, vector<1x16xf32>,
      %get3A_359 = vector.shape_cast %get3A_358 : vector<1x16xf32> to vector<16xf32>
      %add3A_360 = arith.addf %get3A_355, %get3A_359 : vector<16xf32>
      %swap3A_361 = arith.index_cast %scan3A_44 : i32 to index
      %swap3A_362 = arith.constant 352 : index
      %swap3A_363 = tpu.vector_load %arg8[%swap3A_361, %swap3A_362] {strides = array<i32>} : memref<32x1024xf32, #tpu.memory_space<vmem>>, vector<1x16xf32>,
      %swap3A_364 = vector.shape_cast %swap3A_363 : vector<1x16xf32> to vector<16xf32>
      %swap3A_365 = vector.shape_cast %add3A_360 : vector<16xf32> to vector<1x16xf32>
      tpu.vector_store %arg8[%swap3A_361, %swap3A_362], %swap3A_365 {strides = array<i32>} : memref<32x1024xf32, #tpu.memory_space<vmem>>, vector<1x16xf32>,
      %get3A_366 = arith.index_cast %scan3A_44 : i32 to index
      %get3A_367 = arith.constant 368 : index
      %get3A_368 = tpu.vector_load %arg8[%get3A_366, %get3A_367] {strides = array<i32>} : memref<32x1024xf32, #tpu.memory_space<vmem>>, vector<1x16xf32>,
      %get3A_369 = vector.shape_cast %get3A_368 : vector<1x16xf32> to vector<16xf32>
      %get3A_370 = arith.index_cast %scan3A_44 : i32 to index
      %get3A_371 = arith.constant 368 : index
      %get3A_372 = tpu.vector_load %arg9[%get3A_370, %get3A_371] {strides = array<i32>} : memref<32x1024xf32, #tpu.memory_space<vmem>>, vector<1x16xf32>,
      %get3A_373 = vector.shape_cast %get3A_372 : vector<1x16xf32> to vector<16xf32>
      %add3A_374 = arith.addf %get3A_369, %get3A_373 : vector<16xf32>
      %swap3A_375 = arith.index_cast %scan3A_44 : i32 to index
      %swap3A_376 = arith.constant 368 : index
      %swap3A_377 = tpu.vector_load %arg8[%swap3A_375, %swap3A_376] {strides = array<i32>} : memref<32x1024xf32, #tpu.memory_space<vmem>>, vector<1x16xf32>,
      %swap3A_378 = vector.shape_cast %swap3A_377 : vector<1x16xf32> to vector<16xf32>
      %swap3A_379 = vector.shape_cast %add3A_374 : vector<16xf32> to vector<1x16xf32>
      tpu.vector_store %arg8[%swap3A_375, %swap3A_376], %swap3A_379 {strides = array<i32>} : memref<32x1024xf32, #tpu.memory_space<vmem>>, vector<1x16xf32>,
      %get3A_380 = arith.index_cast %scan3A_44 : i32 to index
      %get3A_381 = arith.constant 384 : index
      %get3A_382 = tpu.vector_load %arg8[%get3A_380, %get3A_381] {strides = array<i32>} : memref<32x1024xf32, #tpu.memory_space<vmem>>, vector<1x16xf32>,
      %get3A_383 = vector.shape_cast %get3A_382 : vector<1x16xf32> to vector<16xf32>
      %get3A_384 = arith.index_cast %scan3A_44 : i32 to index
      %get3A_385 = arith.constant 384 : index
      %get3A_386 = tpu.vector_load %arg9[%get3A_384, %get3A_385] {strides = array<i32>} : memref<32x1024xf32, #tpu.memory_space<vmem>>, vector<1x16xf32>,
      %get3A_387 = vector.shape_cast %get3A_386 : vector<1x16xf32> to vector<16xf32>
      %add3A_388 = arith.addf %get3A_383, %get3A_387 : vector<16xf32>
      %swap3A_389 = arith.index_cast %scan3A_44 : i32 to index
      %swap3A_390 = arith.constant 384 : index
      %swap3A_391 = tpu.vector_load %arg8[%swap3A_389, %swap3A_390] {strides = array<i32>} : memref<32x1024xf32, #tpu.memory_space<vmem>>, vector<1x16xf32>,
      %swap3A_392 = vector.shape_cast %swap3A_391 : vector<1x16xf32> to vector<16xf32>
      %swap3A_393 = vector.shape_cast %add3A_388 : vector<16xf32> to vector<1x16xf32>
      tpu.vector_store %arg8[%swap3A_389, %swap3A_390], %swap3A_393 {strides = array<i32>} : memref<32x1024xf32, #tpu.memory_space<vmem>>, vector<1x16xf32>,
      %get3A_394 = arith.index_cast %scan3A_44 : i32 to index
      %get3A_395 = arith.constant 400 : index
      %get3A_396 = tpu.vector_load %arg8[%get3A_394, %get3A_395] {strides = array<i32>} : memref<32x1024xf32, #tpu.memory_space<vmem>>, vector<1x16xf32>,
      %get3A_397 = vector.shape_cast %get3A_396 : vector<1x16xf32> to vector<16xf32>
      %get3A_398 = arith.index_cast %scan3A_44 : i32 to index
      %get3A_399 = arith.constant 400 : index
      %get3A_400 = tpu.vector_load %arg9[%get3A_398, %get3A_399] {strides = array<i32>} : memref<32x1024xf32, #tpu.memory_space<vmem>>, vector<1x16xf32>,
      %get3A_401 = vector.shape_cast %get3A_400 : vector<1x16xf32> to vector<16xf32>
      %add3A_402 = arith.addf %get3A_397, %get3A_401 : vector<16xf32>
      %swap3A_403 = arith.index_cast %scan3A_44 : i32 to index
      %swap3A_404 = arith.constant 400 : index
      %swap3A_405 = tpu.vector_load %arg8[%swap3A_403, %swap3A_404] {strides = array<i32>} : memref<32x1024xf32, #tpu.memory_space<vmem>>, vector<1x16xf32>,
      %swap3A_406 = vector.shape_cast %swap3A_405 : vector<1x16xf32> to vector<16xf32>
      %swap3A_407 = vector.shape_cast %add3A_402 : vector<16xf32> to vector<1x16xf32>
      tpu.vector_store %arg8[%swap3A_403, %swap3A_404], %swap3A_407 {strides = array<i32>} : memref<32x1024xf32, #tpu.memory_space<vmem>>, vector<1x16xf32>,
      %get3A_408 = arith.index_cast %scan3A_44 : i32 to index
      %get3A_409 = arith.constant 416 : index
      %get3A_410 = tpu.vector_load %arg8[%get3A_408, %get3A_409] {strides = array<i32>} : memref<32x1024xf32, #tpu.memory_space<vmem>>, vector<1x16xf32>,
      %get3A_411 = vector.shape_cast %get3A_410 : vector<1x16xf32> to vector<16xf32>
      %get3A_412 = arith.index_cast %scan3A_44 : i32 to index
      %get3A_413 = arith.constant 416 : index
      %get3A_414 = tpu.vector_load %arg9[%get3A_412, %get3A_413] {strides = array<i32>} : memref<32x1024xf32, #tpu.memory_space<vmem>>, vector<1x16xf32>,
      %get3A_415 = vector.shape_cast %get3A_414 : vector<1x16xf32> to vector<16xf32>
      %add3A_416 = arith.addf %get3A_411, %get3A_415 : vector<16xf32>
      %swap3A_417 = arith.index_cast %scan3A_44 : i32 to index
      %swap3A_418 = arith.constant 416 : index
      %swap3A_419 = tpu.vector_load %arg8[%swap3A_417, %swap3A_418] {strides = array<i32>} : memref<32x1024xf32, #tpu.memory_space<vmem>>, vector<1x16xf32>,
      %swap3A_420 = vector.shape_cast %swap3A_419 : vector<1x16xf32> to vector<16xf32>
      %swap3A_421 = vector.shape_cast %add3A_416 : vector<16xf32> to vector<1x16xf32>
      tpu.vector_store %arg8[%swap3A_417, %swap3A_418], %swap3A_421 {strides = array<i32>} : memref<32x1024xf32, #tpu.memory_space<vmem>>, vector<1x16xf32>,
      %get3A_422 = arith.index_cast %scan3A_44 : i32 to index
      %get3A_423 = arith.constant 432 : index
      %get3A_424 = tpu.vector_load %arg8[%get3A_422, %get3A_423] {strides = array<i32>} : memref<32x1024xf32, #tpu.memory_space<vmem>>, vector<1x16xf32>,
      %get3A_425 = vector.shape_cast %get3A_424 : vector<1x16xf32> to vector<16xf32>
      %get3A_426 = arith.index_cast %scan3A_44 : i32 to index
      %get3A_427 = arith.constant 432 : index
      %get3A_428 = tpu.vector_load %arg9[%get3A_426, %get3A_427] {strides = array<i32>} : memref<32x1024xf32, #tpu.memory_space<vmem>>, vector<1x16xf32>,
      %get3A_429 = vector.shape_cast %get3A_428 : vector<1x16xf32> to vector<16xf32>
      %add3A_430 = arith.addf %get3A_425, %get3A_429 : vector<16xf32>
      %swap3A_431 = arith.index_cast %scan3A_44 : i32 to index
      %swap3A_432 = arith.constant 432 : index
      %swap3A_433 = tpu.vector_load %arg8[%swap3A_431, %swap3A_432] {strides = array<i32>} : memref<32x1024xf32, #tpu.memory_space<vmem>>, vector<1x16xf32>,
      %swap3A_434 = vector.shape_cast %swap3A_433 : vector<1x16xf32> to vector<16xf32>
      %swap3A_435 = vector.shape_cast %add3A_430 : vector<16xf32> to vector<1x16xf32>
      tpu.vector_store %arg8[%swap3A_431, %swap3A_432], %swap3A_435 {strides = array<i32>} : memref<32x1024xf32, #tpu.memory_space<vmem>>, vector<1x16xf32>,
      %get3A_436 = arith.index_cast %scan3A_44 : i32 to index
      %get3A_437 = arith.constant 448 : index
      %get3A_438 = tpu.vector_load %arg8[%get3A_436, %get3A_437] {strides = array<i32>} : memref<32x1024xf32, #tpu.memory_space<vmem>>, vector<1x16xf32>,
      %get3A_439 = vector.shape_cast %get3A_438 : vector<1x16xf32> to vector<16xf32>
      %get3A_440 = arith.index_cast %scan3A_44 : i32 to index
      %get3A_441 = arith.constant 448 : index
      %get3A_442 = tpu.vector_load %arg9[%get3A_440, %get3A_441] {strides = array<i32>} : memref<32x1024xf32, #tpu.memory_space<vmem>>, vector<1x16xf32>,
      %get3A_443 = vector.shape_cast %get3A_442 : vector<1x16xf32> to vector<16xf32>
      %add3A_444 = arith.addf %get3A_439, %get3A_443 : vector<16xf32>
      %swap3A_445 = arith.index_cast %scan3A_44 : i32 to index
      %swap3A_446 = arith.constant 448 : index
      %swap3A_447 = tpu.vector_load %arg8[%swap3A_445, %swap3A_446] {strides = array<i32>} : memref<32x1024xf32, #tpu.memory_space<vmem>>, vector<1x16xf32>,
      %swap3A_448 = vector.shape_cast %swap3A_447 : vector<1x16xf32> to vector<16xf32>
      %swap3A_449 = vector.shape_cast %add3A_444 : vector<16xf32> to vector<1x16xf32>
      tpu.vector_store %arg8[%swap3A_445, %swap3A_446], %swap3A_449 {strides = array<i32>} : memref<32x1024xf32, #tpu.memory_space<vmem>>, vector<1x16xf32>,
      %get3A_450 = arith.index_cast %scan3A_44 : i32 to index
      %get3A_451 = arith.constant 464 : index
      %get3A_452 = tpu.vector_load %arg8[%get3A_450, %get3A_451] {strides = array<i32>} : memref<32x1024xf32, #tpu.memory_space<vmem>>, vector<1x16xf32>,
      %get3A_453 = vector.shape_cast %get3A_452 : vector<1x16xf32> to vector<16xf32>
      %get3A_454 = arith.index_cast %scan3A_44 : i32 to index
      %get3A_455 = arith.constant 464 : index
      %get3A_456 = tpu.vector_load %arg9[%get3A_454, %get3A_455] {strides = array<i32>} : memref<32x1024xf32, #tpu.memory_space<vmem>>, vector<1x16xf32>,
      %get3A_457 = vector.shape_cast %get3A_456 : vector<1x16xf32> to vector<16xf32>
      %add3A_458 = arith.addf %get3A_453, %get3A_457 : vector<16xf32>
      %swap3A_459 = arith.index_cast %scan3A_44 : i32 to index
      %swap3A_460 = arith.constant 464 : index
      %swap3A_461 = tpu.vector_load %arg8[%swap3A_459, %swap3A_460] {strides = array<i32>} : memref<32x1024xf32, #tpu.memory_space<vmem>>, vector<1x16xf32>,
      %swap3A_462 = vector.shape_cast %swap3A_461 : vector<1x16xf32> to vector<16xf32>
      %swap3A_463 = vector.shape_cast %add3A_458 : vector<16xf32> to vector<1x16xf32>
      tpu.vector_store %arg8[%swap3A_459, %swap3A_460], %swap3A_463 {strides = array<i32>} : memref<32x1024xf32, #tpu.memory_space<vmem>>, vector<1x16xf32>,
      %get3A_464 = arith.index_cast %scan3A_44 : i32 to index
      %get3A_465 = arith.constant 480 : index
      %get3A_466 = tpu.vector_load %arg8[%get3A_464, %get3A_465] {strides = array<i32>} : memref<32x1024xf32, #tpu.memory_space<vmem>>, vector<1x16xf32>,
      %get3A_467 = vector.shape_cast %get3A_466 : vector<1x16xf32> to vector<16xf32>
      %get3A_468 = arith.index_cast %scan3A_44 : i32 to index
      %get3A_469 = arith.constant 480 : index
      %get3A_470 = tpu.vector_load %arg9[%get3A_468, %get3A_469] {strides = array<i32>} : memref<32x1024xf32, #tpu.memory_space<vmem>>, vector<1x16xf32>,
      %get3A_471 = vector.shape_cast %get3A_470 : vector<1x16xf32> to vector<16xf32>
      %add3A_472 = arith.addf %get3A_467, %get3A_471 : vector<16xf32>
      %swap3A_473 = arith.index_cast %scan3A_44 : i32 to index
      %swap3A_474 = arith.constant 480 : index
      %swap3A_475 = tpu.vector_load %arg8[%swap3A_473, %swap3A_474] {strides = array<i32>} : memref<32x1024xf32, #tpu.memory_space<vmem>>, vector<1x16xf32>,
      %swap3A_476 = vector.shape_cast %swap3A_475 : vector<1x16xf32> to vector<16xf32>
      %swap3A_477 = vector.shape_cast %add3A_472 : vector<16xf32> to vector<1x16xf32>
      tpu.vector_store %arg8[%swap3A_473, %swap3A_474], %swap3A_477 {strides = array<i32>} : memref<32x1024xf32, #tpu.memory_space<vmem>>, vector<1x16xf32>,
      %get3A_478 = arith.index_cast %scan3A_44 : i32 to index
      %get3A_479 = arith.constant 496 : index
      %get3A_480 = tpu.vector_load %arg8[%get3A_478, %get3A_479] {strides = array<i32>} : memref<32x1024xf32, #tpu.memory_space<vmem>>, vector<1x16xf32>,
      %get3A_481 = vector.shape_cast %get3A_480 : vector<1x16xf32> to vector<16xf32>
      %get3A_482 = arith.index_cast %scan3A_44 : i32 to index
      %get3A_483 = arith.constant 496 : index
      %get3A_484 = tpu.vector_load %arg9[%get3A_482, %get3A_483] {strides = array<i32>} : memref<32x1024xf32, #tpu.memory_space<vmem>>, vector<1x16xf32>,
      %get3A_485 = vector.shape_cast %get3A_484 : vector<1x16xf32> to vector<16xf32>
      %add3A_486 = arith.addf %get3A_481, %get3A_485 : vector<16xf32>
      %swap3A_487 = arith.index_cast %scan3A_44 : i32 to index
      %swap3A_488 = arith.constant 496 : index
      %swap3A_489 = tpu.vector_load %arg8[%swap3A_487, %swap3A_488] {strides = array<i32>} : memref<32x1024xf32, #tpu.memory_space<vmem>>, vector<1x16xf32>,
      %swap3A_490 = vector.shape_cast %swap3A_489 : vector<1x16xf32> to vector<16xf32>
      %swap3A_491 = vector.shape_cast %add3A_486 : vector<16xf32> to vector<1x16xf32>
      tpu.vector_store %arg8[%swap3A_487, %swap3A_488], %swap3A_491 {strides = array<i32>} : memref<32x1024xf32, #tpu.memory_space<vmem>>, vector<1x16xf32>,
      %get3A_492 = arith.index_cast %scan3A_44 : i32 to index
      %get3A_493 = arith.constant 512 : index
      %get3A_494 = tpu.vector_load %arg8[%get3A_492, %get3A_493] {strides = array<i32>} : memref<32x1024xf32, #tpu.memory_space<vmem>>, vector<1x16xf32>,
      %get3A_495 = vector.shape_cast %get3A_494 : vector<1x16xf32> to vector<16xf32>
      %get3A_496 = arith.index_cast %scan3A_44 : i32 to index
      %get3A_497 = arith.constant 512 : index
      %get3A_498 = tpu.vector_load %arg9[%get3A_496, %get3A_497] {strides = array<i32>} : memref<32x1024xf32, #tpu.memory_space<vmem>>, vector<1x16xf32>,
      %get3A_499 = vector.shape_cast %get3A_498 : vector<1x16xf32> to vector<16xf32>
      %add3A_500 = arith.addf %get3A_495, %get3A_499 : vector<16xf32>
      %swap3A_501 = arith.index_cast %scan3A_44 : i32 to index
      %swap3A_502 = arith.constant 512 : index
      %swap3A_503 = tpu.vector_load %arg8[%swap3A_501, %swap3A_502] {strides = array<i32>} : memref<32x1024xf32, #tpu.memory_space<vmem>>, vector<1x16xf32>,
      %swap3A_504 = vector.shape_cast %swap3A_503 : vector<1x16xf32> to vector<16xf32>
      %swap3A_505 = vector.shape_cast %add3A_500 : vector<16xf32> to vector<1x16xf32>
      tpu.vector_store %arg8[%swap3A_501, %swap3A_502], %swap3A_505 {strides = array<i32>} : memref<32x1024xf32, #tpu.memory_space<vmem>>, vector<1x16xf32>,
      %get3A_506 = arith.index_cast %scan3A_44 : i32 to index
      %get3A_507 = arith.constant 528 : index
      %get3A_508 = tpu.vector_load %arg8[%get3A_506, %get3A_507] {strides = array<i32>} : memref<32x1024xf32, #tpu.memory_space<vmem>>, vector<1x16xf32>,
      %get3A_509 = vector.shape_cast %get3A_508 : vector<1x16xf32> to vector<16xf32>
      %get3A_510 = arith.index_cast %scan3A_44 : i32 to index
      %get3A_511 = arith.constant 528 : index
      %get3A_512 = tpu.vector_load %arg9[%get3A_510, %get3A_511] {strides = array<i32>} : memref<32x1024xf32, #tpu.memory_space<vmem>>, vector<1x16xf32>,
      %get3A_513 = vector.shape_cast %get3A_512 : vector<1x16xf32> to vector<16xf32>
      %add3A_514 = arith.addf %get3A_509, %get3A_513 : vector<16xf32>
      %swap3A_515 = arith.index_cast %scan3A_44 : i32 to index
      %swap3A_516 = arith.constant 528 : index
      %swap3A_517 = tpu.vector_load %arg8[%swap3A_515, %swap3A_516] {strides = array<i32>} : memref<32x1024xf32, #tpu.memory_space<vmem>>, vector<1x16xf32>,
      %swap3A_518 = vector.shape_cast %swap3A_517 : vector<1x16xf32> to vector<16xf32>
      %swap3A_519 = vector.shape_cast %add3A_514 : vector<16xf32> to vector<1x16xf32>
      tpu.vector_store %arg8[%swap3A_515, %swap3A_516], %swap3A_519 {strides = array<i32>} : memref<32x1024xf32, #tpu.memory_space<vmem>>, vector<1x16xf32>,
      %get3A_520 = arith.index_cast %scan3A_44 : i32 to index
      %get3A_521 = arith.constant 544 : index
      %get3A_522 = tpu.vector_load %arg8[%get3A_520, %get3A_521] {strides = array<i32>} : memref<32x1024xf32, #tpu.memory_space<vmem>>, vector<1x16xf32>,
      %get3A_523 = vector.shape_cast %get3A_522 : vector<1x16xf32> to vector<16xf32>
      %get3A_524 = arith.index_cast %scan3A_44 : i32 to index
      %get3A_525 = arith.constant 544 : index
      %get3A_526 = tpu.vector_load %arg9[%get3A_524, %get3A_525] {strides = array<i32>} : memref<32x1024xf32, #tpu.memory_space<vmem>>, vector<1x16xf32>,
      %get3A_527 = vector.shape_cast %get3A_526 : vector<1x16xf32> to vector<16xf32>
      %add3A_528 = arith.addf %get3A_523, %get3A_527 : vector<16xf32>
      %swap3A_529 = arith.index_cast %scan3A_44 : i32 to index
      %swap3A_530 = arith.constant 544 : index
      %swap3A_531 = tpu.vector_load %arg8[%swap3A_529, %swap3A_530] {strides = array<i32>} : memref<32x1024xf32, #tpu.memory_space<vmem>>, vector<1x16xf32>,
      %swap3A_532 = vector.shape_cast %swap3A_531 : vector<1x16xf32> to vector<16xf32>
      %swap3A_533 = vector.shape_cast %add3A_528 : vector<16xf32> to vector<1x16xf32>
      tpu.vector_store %arg8[%swap3A_529, %swap3A_530], %swap3A_533 {strides = array<i32>} : memref<32x1024xf32, #tpu.memory_space<vmem>>, vector<1x16xf32>,
      %get3A_534 = arith.index_cast %scan3A_44 : i32 to index
      %get3A_535 = arith.constant 560 : index
      %get3A_536 = tpu.vector_load %arg8[%get3A_534, %get3A_535] {strides = array<i32>} : memref<32x1024xf32, #tpu.memory_space<vmem>>, vector<1x16xf32>,
      %get3A_537 = vector.shape_cast %get3A_536 : vector<1x16xf32> to vector<16xf32>
      %get3A_538 = arith.index_cast %scan3A_44 : i32 to index
      %get3A_539 = arith.constant 560 : index
      %get3A_540 = tpu.vector_load %arg9[%get3A_538, %get3A_539] {strides = array<i32>} : memref<32x1024xf32, #tpu.memory_space<vmem>>, vector<1x16xf32>,
      %get3A_541 = vector.shape_cast %get3A_540 : vector<1x16xf32> to vector<16xf32>
      %add3A_542 = arith.addf %get3A_537, %get3A_541 : vector<16xf32>
      %swap3A_543 = arith.index_cast %scan3A_44 : i32 to index
      %swap3A_544 = arith.constant 560 : index
      %swap3A_545 = tpu.vector_load %arg8[%swap3A_543, %swap3A_544] {strides = array<i32>} : memref<32x1024xf32, #tpu.memory_space<vmem>>, vector<1x16xf32>,
      %swap3A_546 = vector.shape_cast %swap3A_545 : vector<1x16xf32> to vector<16xf32>
      %swap3A_547 = vector.shape_cast %add3A_542 : vector<16xf32> to vector<1x16xf32>
      tpu.vector_store %arg8[%swap3A_543, %swap3A_544], %swap3A_547 {strides = array<i32>} : memref<32x1024xf32, #tpu.memory_space<vmem>>, vector<1x16xf32>,
      %get3A_548 = arith.index_cast %scan3A_44 : i32 to index
      %get3A_549 = arith.constant 576 : index
      %get3A_550 = tpu.vector_load %arg8[%get3A_548, %get3A_549] {strides = array<i32>} : memref<32x1024xf32, #tpu.memory_space<vmem>>, vector<1x16xf32>,
      %get3A_551 = vector.shape_cast %get3A_550 : vector<1x16xf32> to vector<16xf32>
      %get3A_552 = arith.index_cast %scan3A_44 : i32 to index
      %get3A_553 = arith.constant 576 : index
      %get3A_554 = tpu.vector_load %arg9[%get3A_552, %get3A_553] {strides = array<i32>} : memref<32x1024xf32, #tpu.memory_space<vmem>>, vector<1x16xf32>,
      %get3A_555 = vector.shape_cast %get3A_554 : vector<1x16xf32> to vector<16xf32>
      %add3A_556 = arith.addf %get3A_551, %get3A_555 : vector<16xf32>
      %swap3A_557 = arith.index_cast %scan3A_44 : i32 to index
      %swap3A_558 = arith.constant 576 : index
      %swap3A_559 = tpu.vector_load %arg8[%swap3A_557, %swap3A_558] {strides = array<i32>} : memref<32x1024xf32, #tpu.memory_space<vmem>>, vector<1x16xf32>,
      %swap3A_560 = vector.shape_cast %swap3A_559 : vector<1x16xf32> to vector<16xf32>
      %swap3A_561 = vector.shape_cast %add3A_556 : vector<16xf32> to vector<1x16xf32>
      tpu.vector_store %arg8[%swap3A_557, %swap3A_558], %swap3A_561 {strides = array<i32>} : memref<32x1024xf32, #tpu.memory_space<vmem>>, vector<1x16xf32>,
      %get3A_562 = arith.index_cast %scan3A_44 : i32 to index
      %get3A_563 = arith.constant 592 : index
      %get3A_564 = tpu.vector_load %arg8[%get3A_562, %get3A_563] {strides = array<i32>} : memref<32x1024xf32, #tpu.memory_space<vmem>>, vector<1x16xf32>,
      %get3A_565 = vector.shape_cast %get3A_564 : vector<1x16xf32> to vector<16xf32>
      %get3A_566 = arith.index_cast %scan3A_44 : i32 to index
      %get3A_567 = arith.constant 592 : index
      %get3A_568 = tpu.vector_load %arg9[%get3A_566, %get3A_567] {strides = array<i32>} : memref<32x1024xf32, #tpu.memory_space<vmem>>, vector<1x16xf32>,
      %get3A_569 = vector.shape_cast %get3A_568 : vector<1x16xf32> to vector<16xf32>
      %add3A_570 = arith.addf %get3A_565, %get3A_569 : vector<16xf32>
      %swap3A_571 = arith.index_cast %scan3A_44 : i32 to index
      %swap3A_572 = arith.constant 592 : index
      %swap3A_573 = tpu.vector_load %arg8[%swap3A_571, %swap3A_572] {strides = array<i32>} : memref<32x1024xf32, #tpu.memory_space<vmem>>, vector<1x16xf32>,
      %swap3A_574 = vector.shape_cast %swap3A_573 : vector<1x16xf32> to vector<16xf32>
      %swap3A_575 = vector.shape_cast %add3A_570 : vector<16xf32> to vector<1x16xf32>
      tpu.vector_store %arg8[%swap3A_571, %swap3A_572], %swap3A_575 {strides = array<i32>} : memref<32x1024xf32, #tpu.memory_space<vmem>>, vector<1x16xf32>,
      %get3A_576 = arith.index_cast %scan3A_44 : i32 to index
      %get3A_577 = arith.constant 608 : index
      %get3A_578 = tpu.vector_load %arg8[%get3A_576, %get3A_577] {strides = array<i32>} : memref<32x1024xf32, #tpu.memory_space<vmem>>, vector<1x16xf32>,
      %get3A_579 = vector.shape_cast %get3A_578 : vector<1x16xf32> to vector<16xf32>
      %get3A_580 = arith.index_cast %scan3A_44 : i32 to index
      %get3A_581 = arith.constant 608 : index
      %get3A_582 = tpu.vector_load %arg9[%get3A_580, %get3A_581] {strides = array<i32>} : memref<32x1024xf32, #tpu.memory_space<vmem>>, vector<1x16xf32>,
      %get3A_583 = vector.shape_cast %get3A_582 : vector<1x16xf32> to vector<16xf32>
      %add3A_584 = arith.addf %get3A_579, %get3A_583 : vector<16xf32>
      %swap3A_585 = arith.index_cast %scan3A_44 : i32 to index
      %swap3A_586 = arith.constant 608 : index
      %swap3A_587 = tpu.vector_load %arg8[%swap3A_585, %swap3A_586] {strides = array<i32>} : memref<32x1024xf32, #tpu.memory_space<vmem>>, vector<1x16xf32>,
      %swap3A_588 = vector.shape_cast %swap3A_587 : vector<1x16xf32> to vector<16xf32>
      %swap3A_589 = vector.shape_cast %add3A_584 : vector<16xf32> to vector<1x16xf32>
      tpu.vector_store %arg8[%swap3A_585, %swap3A_586], %swap3A_589 {strides = array<i32>} : memref<32x1024xf32, #tpu.memory_space<vmem>>, vector<1x16xf32>,
      %get3A_590 = arith.index_cast %scan3A_44 : i32 to index
      %get3A_591 = arith.constant 624 : index
      %get3A_592 = tpu.vector_load %arg8[%get3A_590, %get3A_591] {strides = array<i32>} : memref<32x1024xf32, #tpu.memory_space<vmem>>, vector<1x16xf32>,
      %get3A_593 = vector.shape_cast %get3A_592 : vector<1x16xf32> to vector<16xf32>
      %get3A_594 = arith.index_cast %scan3A_44 : i32 to index
      %get3A_595 = arith.constant 624 : index
      %get3A_596 = tpu.vector_load %arg9[%get3A_594, %get3A_595] {strides = array<i32>} : memref<32x1024xf32, #tpu.memory_space<vmem>>, vector<1x16xf32>,
      %get3A_597 = vector.shape_cast %get3A_596 : vector<1x16xf32> to vector<16xf32>
      %add3A_598 = arith.addf %get3A_593, %get3A_597 : vector<16xf32>
      %swap3A_599 = arith.index_cast %scan3A_44 : i32 to index
      %swap3A_600 = arith.constant 624 : index
      %swap3A_601 = tpu.vector_load %arg8[%swap3A_599, %swap3A_600] {strides = array<i32>} : memref<32x1024xf32, #tpu.memory_space<vmem>>, vector<1x16xf32>,
      %swap3A_602 = vector.shape_cast %swap3A_601 : vector<1x16xf32> to vector<16xf32>
      %swap3A_603 = vector.shape_cast %add3A_598 : vector<16xf32> to vector<1x16xf32>
      tpu.vector_store %arg8[%swap3A_599, %swap3A_600], %swap3A_603 {strides = array<i32>} : memref<32x1024xf32, #tpu.memory_space<vmem>>, vector<1x16xf32>,
      %get3A_604 = arith.index_cast %scan3A_44 : i32 to index
      %get3A_605 = arith.constant 640 : index
      %get3A_606 = tpu.vector_load %arg8[%get3A_604, %get3A_605] {strides = array<i32>} : memref<32x1024xf32, #tpu.memory_space<vmem>>, vector<1x16xf32>,
      %get3A_607 = vector.shape_cast %get3A_606 : vector<1x16xf32> to vector<16xf32>
      %get3A_608 = arith.index_cast %scan3A_44 : i32 to index
      %get3A_609 = arith.constant 640 : index
      %get3A_610 = tpu.vector_load %arg9[%get3A_608, %get3A_609] {strides = array<i32>} : memref<32x1024xf32, #tpu.memory_space<vmem>>, vector<1x16xf32>,
      %get3A_611 = vector.shape_cast %get3A_610 : vector<1x16xf32> to vector<16xf32>
      %add3A_612 = arith.addf %get3A_607, %get3A_611 : vector<16xf32>
      %swap3A_613 = arith.index_cast %scan3A_44 : i32 to index
      %swap3A_614 = arith.constant 640 : index
      %swap3A_615 = tpu.vector_load %arg8[%swap3A_613, %swap3A_614] {strides = array<i32>} : memref<32x1024xf32, #tpu.memory_space<vmem>>, vector<1x16xf32>,
      %swap3A_616 = vector.shape_cast %swap3A_615 : vector<1x16xf32> to vector<16xf32>
      %swap3A_617 = vector.shape_cast %add3A_612 : vector<16xf32> to vector<1x16xf32>
      tpu.vector_store %arg8[%swap3A_613, %swap3A_614], %swap3A_617 {strides = array<i32>} : memref<32x1024xf32, #tpu.memory_space<vmem>>, vector<1x16xf32>,
      %get3A_618 = arith.index_cast %scan3A_44 : i32 to index
      %get3A_619 = arith.constant 656 : index
      %get3A_620 = tpu.vector_load %arg8[%get3A_618, %get3A_619] {strides = array<i32>} : memref<32x1024xf32, #tpu.memory_space<vmem>>, vector<1x16xf32>,
      %get3A_621 = vector.shape_cast %get3A_620 : vector<1x16xf32> to vector<16xf32>
      %get3A_622 = arith.index_cast %scan3A_44 : i32 to index
      %get3A_623 = arith.constant 656 : index
      %get3A_624 = tpu.vector_load %arg9[%get3A_622, %get3A_623] {strides = array<i32>} : memref<32x1024xf32, #tpu.memory_space<vmem>>, vector<1x16xf32>,
      %get3A_625 = vector.shape_cast %get3A_624 : vector<1x16xf32> to vector<16xf32>
      %add3A_626 = arith.addf %get3A_621, %get3A_625 : vector<16xf32>
      %swap3A_627 = arith.index_cast %scan3A_44 : i32 to index
      %swap3A_628 = arith.constant 656 : index
      %swap3A_629 = tpu.vector_load %arg8[%swap3A_627, %swap3A_628] {strides = array<i32>} : memref<32x1024xf32, #tpu.memory_space<vmem>>, vector<1x16xf32>,
      %swap3A_630 = vector.shape_cast %swap3A_629 : vector<1x16xf32> to vector<16xf32>
      %swap3A_631 = vector.shape_cast %add3A_626 : vector<16xf32> to vector<1x16xf32>
      tpu.vector_store %arg8[%swap3A_627, %swap3A_628], %swap3A_631 {strides = array<i32>} : memref<32x1024xf32, #tpu.memory_space<vmem>>, vector<1x16xf32>,
      %get3A_632 = arith.index_cast %scan3A_44 : i32 to index
      %get3A_633 = arith.constant 672 : index
      %get3A_634 = tpu.vector_load %arg8[%get3A_632, %get3A_633] {strides = array<i32>} : memref<32x1024xf32, #tpu.memory_space<vmem>>, vector<1x16xf32>,
      %get3A_635 = vector.shape_cast %get3A_634 : vector<1x16xf32> to vector<16xf32>
      %get3A_636 = arith.index_cast %scan3A_44 : i32 to index
      %get3A_637 = arith.constant 672 : index
      %get3A_638 = tpu.vector_load %arg9[%get3A_636, %get3A_637] {strides = array<i32>} : memref<32x1024xf32, #tpu.memory_space<vmem>>, vector<1x16xf32>,
      %get3A_639 = vector.shape_cast %get3A_638 : vector<1x16xf32> to vector<16xf32>
      %add3A_640 = arith.addf %get3A_635, %get3A_639 : vector<16xf32>
      %swap3A_641 = arith.index_cast %scan3A_44 : i32 to index
      %swap3A_642 = arith.constant 672 : index
      %swap3A_643 = tpu.vector_load %arg8[%swap3A_641, %swap3A_642] {strides = array<i32>} : memref<32x1024xf32, #tpu.memory_space<vmem>>, vector<1x16xf32>,
      %swap3A_644 = vector.shape_cast %swap3A_643 : vector<1x16xf32> to vector<16xf32>
      %swap3A_645 = vector.shape_cast %add3A_640 : vector<16xf32> to vector<1x16xf32>
      tpu.vector_store %arg8[%swap3A_641, %swap3A_642], %swap3A_645 {strides = array<i32>} : memref<32x1024xf32, #tpu.memory_space<vmem>>, vector<1x16xf32>,
      %get3A_646 = arith.index_cast %scan3A_44 : i32 to index
      %get3A_647 = arith.constant 688 : index
      %get3A_648 = tpu.vector_load %arg8[%get3A_646, %get3A_647] {strides = array<i32>} : memref<32x1024xf32, #tpu.memory_space<vmem>>, vector<1x16xf32>,
      %get3A_649 = vector.shape_cast %get3A_648 : vector<1x16xf32> to vector<16xf32>
      %get3A_650 = arith.index_cast %scan3A_44 : i32 to index
      %get3A_651 = arith.constant 688 : index
      %get3A_652 = tpu.vector_load %arg9[%get3A_650, %get3A_651] {strides = array<i32>} : memref<32x1024xf32, #tpu.memory_space<vmem>>, vector<1x16xf32>,
      %get3A_653 = vector.shape_cast %get3A_652 : vector<1x16xf32> to vector<16xf32>
      %add3A_654 = arith.addf %get3A_649, %get3A_653 : vector<16xf32>
      %swap3A_655 = arith.index_cast %scan3A_44 : i32 to index
      %swap3A_656 = arith.constant 688 : index
      %swap3A_657 = tpu.vector_load %arg8[%swap3A_655, %swap3A_656] {strides = array<i32>} : memref<32x1024xf32, #tpu.memory_space<vmem>>, vector<1x16xf32>,
      %swap3A_658 = vector.shape_cast %swap3A_657 : vector<1x16xf32> to vector<16xf32>
      %swap3A_659 = vector.shape_cast %add3A_654 : vector<16xf32> to vector<1x16xf32>
      tpu.vector_store %arg8[%swap3A_655, %swap3A_656], %swap3A_659 {strides = array<i32>} : memref<32x1024xf32, #tpu.memory_space<vmem>>, vector<1x16xf32>,
      %get3A_660 = arith.index_cast %scan3A_44 : i32 to index
      %get3A_661 = arith.constant 704 : index
      %get3A_662 = tpu.vector_load %arg8[%get3A_660, %get3A_661] {strides = array<i32>} : memref<32x1024xf32, #tpu.memory_space<vmem>>, vector<1x16xf32>,
      %get3A_663 = vector.shape_cast %get3A_662 : vector<1x16xf32> to vector<16xf32>
      %get3A_664 = arith.index_cast %scan3A_44 : i32 to index
      %get3A_665 = arith.constant 704 : index
      %get3A_666 = tpu.vector_load %arg9[%get3A_664, %get3A_665] {strides = array<i32>} : memref<32x1024xf32, #tpu.memory_space<vmem>>, vector<1x16xf32>,
      %get3A_667 = vector.shape_cast %get3A_666 : vector<1x16xf32> to vector<16xf32>
      %add3A_668 = arith.addf %get3A_663, %get3A_667 : vector<16xf32>
      %swap3A_669 = arith.index_cast %scan3A_44 : i32 to index
      %swap3A_670 = arith.constant 704 : index
      %swap3A_671 = tpu.vector_load %arg8[%swap3A_669, %swap3A_670] {strides = array<i32>} : memref<32x1024xf32, #tpu.memory_space<vmem>>, vector<1x16xf32>,
      %swap3A_672 = vector.shape_cast %swap3A_671 : vector<1x16xf32> to vector<16xf32>
      %swap3A_673 = vector.shape_cast %add3A_668 : vector<16xf32> to vector<1x16xf32>
      tpu.vector_store %arg8[%swap3A_669, %swap3A_670], %swap3A_673 {strides = array<i32>} : memref<32x1024xf32, #tpu.memory_space<vmem>>, vector<1x16xf32>,
      %get3A_674 = arith.index_cast %scan3A_44 : i32 to index
      %get3A_675 = arith.constant 720 : index
      %get3A_676 = tpu.vector_load %arg8[%get3A_674, %get3A_675] {strides = array<i32>} : memref<32x1024xf32, #tpu.memory_space<vmem>>, vector<1x16xf32>,
      %get3A_677 = vector.shape_cast %get3A_676 : vector<1x16xf32> to vector<16xf32>
      %get3A_678 = arith.index_cast %scan3A_44 : i32 to index
      %get3A_679 = arith.constant 720 : index
      %get3A_680 = tpu.vector_load %arg9[%get3A_678, %get3A_679] {strides = array<i32>} : memref<32x1024xf32, #tpu.memory_space<vmem>>, vector<1x16xf32>,
      %get3A_681 = vector.shape_cast %get3A_680 : vector<1x16xf32> to vector<16xf32>
      %add3A_682 = arith.addf %get3A_677, %get3A_681 : vector<16xf32>
      %swap3A_683 = arith.index_cast %scan3A_44 : i32 to index
      %swap3A_684 = arith.constant 720 : index
      %swap3A_685 = tpu.vector_load %arg8[%swap3A_683, %swap3A_684] {strides = array<i32>} : memref<32x1024xf32, #tpu.memory_space<vmem>>, vector<1x16xf32>,
      %swap3A_686 = vector.shape_cast %swap3A_685 : vector<1x16xf32> to vector<16xf32>
      %swap3A_687 = vector.shape_cast %add3A_682 : vector<16xf32> to vector<1x16xf32>
      tpu.vector_store %arg8[%swap3A_683, %swap3A_684], %swap3A_687 {strides = array<i32>} : memref<32x1024xf32, #tpu.memory_space<vmem>>, vector<1x16xf32>,
      %get3A_688 = arith.index_cast %scan3A_44 : i32 to index
      %get3A_689 = arith.constant 736 : index
      %get3A_690 = tpu.vector_load %arg8[%get3A_688, %get3A_689] {strides = array<i32>} : memref<32x1024xf32, #tpu.memory_space<vmem>>, vector<1x16xf32>,
      %get3A_691 = vector.shape_cast %get3A_690 : vector<1x16xf32> to vector<16xf32>
      %get3A_692 = arith.index_cast %scan3A_44 : i32 to index
      %get3A_693 = arith.constant 736 : index
      %get3A_694 = tpu.vector_load %arg9[%get3A_692, %get3A_693] {strides = array<i32>} : memref<32x1024xf32, #tpu.memory_space<vmem>>, vector<1x16xf32>,
      %get3A_695 = vector.shape_cast %get3A_694 : vector<1x16xf32> to vector<16xf32>
      %add3A_696 = arith.addf %get3A_691, %get3A_695 : vector<16xf32>
      %swap3A_697 = arith.index_cast %scan3A_44 : i32 to index
      %swap3A_698 = arith.constant 736 : index
      %swap3A_699 = tpu.vector_load %arg8[%swap3A_697, %swap3A_698] {strides = array<i32>} : memref<32x1024xf32, #tpu.memory_space<vmem>>, vector<1x16xf32>,
      %swap3A_700 = vector.shape_cast %swap3A_699 : vector<1x16xf32> to vector<16xf32>
      %swap3A_701 = vector.shape_cast %add3A_696 : vector<16xf32> to vector<1x16xf32>
      tpu.vector_store %arg8[%swap3A_697, %swap3A_698], %swap3A_701 {strides = array<i32>} : memref<32x1024xf32, #tpu.memory_space<vmem>>, vector<1x16xf32>,
      %get3A_702 = arith.index_cast %scan3A_44 : i32 to index
      %get3A_703 = arith.constant 752 : index
      %get3A_704 = tpu.vector_load %arg8[%get3A_702, %get3A_703] {strides = array<i32>} : memref<32x1024xf32, #tpu.memory_space<vmem>>, vector<1x16xf32>,
      %get3A_705 = vector.shape_cast %get3A_704 : vector<1x16xf32> to vector<16xf32>
      %get3A_706 = arith.index_cast %scan3A_44 : i32 to index
      %get3A_707 = arith.constant 752 : index
      %get3A_708 = tpu.vector_load %arg9[%get3A_706, %get3A_707] {strides = array<i32>} : memref<32x1024xf32, #tpu.memory_space<vmem>>, vector<1x16xf32>,
      %get3A_709 = vector.shape_cast %get3A_708 : vector<1x16xf32> to vector<16xf32>
      %add3A_710 = arith.addf %get3A_705, %get3A_709 : vector<16xf32>
      %swap3A_711 = arith.index_cast %scan3A_44 : i32 to index
      %swap3A_712 = arith.constant 752 : index
      %swap3A_713 = tpu.vector_load %arg8[%swap3A_711, %swap3A_712] {strides = array<i32>} : memref<32x1024xf32, #tpu.memory_space<vmem>>, vector<1x16xf32>,
      %swap3A_714 = vector.shape_cast %swap3A_713 : vector<1x16xf32> to vector<16xf32>
      %swap3A_715 = vector.shape_cast %add3A_710 : vector<16xf32> to vector<1x16xf32>
      tpu.vector_store %arg8[%swap3A_711, %swap3A_712], %swap3A_715 {strides = array<i32>} : memref<32x1024xf32, #tpu.memory_space<vmem>>, vector<1x16xf32>,
      %get3A_716 = arith.index_cast %scan3A_44 : i32 to index
      %get3A_717 = arith.constant 768 : index
      %get3A_718 = tpu.vector_load %arg8[%get3A_716, %get3A_717] {strides = array<i32>} : memref<32x1024xf32, #tpu.memory_space<vmem>>, vector<1x16xf32>,
      %get3A_719 = vector.shape_cast %get3A_718 : vector<1x16xf32> to vector<16xf32>
      %get3A_720 = arith.index_cast %scan3A_44 : i32 to index
      %get3A_721 = arith.constant 768 : index
      %get3A_722 = tpu.vector_load %arg9[%get3A_720, %get3A_721] {strides = array<i32>} : memref<32x1024xf32, #tpu.memory_space<vmem>>, vector<1x16xf32>,
      %get3A_723 = vector.shape_cast %get3A_722 : vector<1x16xf32> to vector<16xf32>
      %add3A_724 = arith.addf %get3A_719, %get3A_723 : vector<16xf32>
      %swap3A_725 = arith.index_cast %scan3A_44 : i32 to index
      %swap3A_726 = arith.constant 768 : index
      %swap3A_727 = tpu.vector_load %arg8[%swap3A_725, %swap3A_726] {strides = array<i32>} : memref<32x1024xf32, #tpu.memory_space<vmem>>, vector<1x16xf32>,
      %swap3A_728 = vector.shape_cast %swap3A_727 : vector<1x16xf32> to vector<16xf32>
      %swap3A_729 = vector.shape_cast %add3A_724 : vector<16xf32> to vector<1x16xf32>
      tpu.vector_store %arg8[%swap3A_725, %swap3A_726], %swap3A_729 {strides = array<i32>} : memref<32x1024xf32, #tpu.memory_space<vmem>>, vector<1x16xf32>,
      %get3A_730 = arith.index_cast %scan3A_44 : i32 to index
      %get3A_731 = arith.constant 784 : index
      %get3A_732 = tpu.vector_load %arg8[%get3A_730, %get3A_731] {strides = array<i32>} : memref<32x1024xf32, #tpu.memory_space<vmem>>, vector<1x16xf32>,
      %get3A_733 = vector.shape_cast %get3A_732 : vector<1x16xf32> to vector<16xf32>
      %get3A_734 = arith.index_cast %scan3A_44 : i32 to index
      %get3A_735 = arith.constant 784 : index
      %get3A_736 = tpu.vector_load %arg9[%get3A_734, %get3A_735] {strides = array<i32>} : memref<32x1024xf32, #tpu.memory_space<vmem>>, vector<1x16xf32>,
      %get3A_737 = vector.shape_cast %get3A_736 : vector<1x16xf32> to vector<16xf32>
      %add3A_738 = arith.addf %get3A_733, %get3A_737 : vector<16xf32>
      %swap3A_739 = arith.index_cast %scan3A_44 : i32 to index
      %swap3A_740 = arith.constant 784 : index
      %swap3A_741 = tpu.vector_load %arg8[%swap3A_739, %swap3A_740] {strides = array<i32>} : memref<32x1024xf32, #tpu.memory_space<vmem>>, vector<1x16xf32>,
      %swap3A_742 = vector.shape_cast %swap3A_741 : vector<1x16xf32> to vector<16xf32>
      %swap3A_743 = vector.shape_cast %add3A_738 : vector<16xf32> to vector<1x16xf32>
      tpu.vector_store %arg8[%swap3A_739, %swap3A_740], %swap3A_743 {strides = array<i32>} : memref<32x1024xf32, #tpu.memory_space<vmem>>, vector<1x16xf32>,
      %get3A_744 = arith.index_cast %scan3A_44 : i32 to index
      %get3A_745 = arith.constant 800 : index
      %get3A_746 = tpu.vector_load %arg8[%get3A_744, %get3A_745] {strides = array<i32>} : memref<32x1024xf32, #tpu.memory_space<vmem>>, vector<1x16xf32>,
      %get3A_747 = vector.shape_cast %get3A_746 : vector<1x16xf32> to vector<16xf32>
      %get3A_748 = arith.index_cast %scan3A_44 : i32 to index
      %get3A_749 = arith.constant 800 : index
      %get3A_750 = tpu.vector_load %arg9[%get3A_748, %get3A_749] {strides = array<i32>} : memref<32x1024xf32, #tpu.memory_space<vmem>>, vector<1x16xf32>,
      %get3A_751 = vector.shape_cast %get3A_750 : vector<1x16xf32> to vector<16xf32>
      %add3A_752 = arith.addf %get3A_747, %get3A_751 : vector<16xf32>
      %swap3A_753 = arith.index_cast %scan3A_44 : i32 to index
      %swap3A_754 = arith.constant 800 : index
      %swap3A_755 = tpu.vector_load %arg8[%swap3A_753, %swap3A_754] {strides = array<i32>} : memref<32x1024xf32, #tpu.memory_space<vmem>>, vector<1x16xf32>,
      %swap3A_756 = vector.shape_cast %swap3A_755 : vector<1x16xf32> to vector<16xf32>
      %swap3A_757 = vector.shape_cast %add3A_752 : vector<16xf32> to vector<1x16xf32>
      tpu.vector_store %arg8[%swap3A_753, %swap3A_754], %swap3A_757 {strides = array<i32>} : memref<32x1024xf32, #tpu.memory_space<vmem>>, vector<1x16xf32>,
      %get3A_758 = arith.index_cast %scan3A_44 : i32 to index
      %get3A_759 = arith.constant 816 : index
      %get3A_760 = tpu.vector_load %arg8[%get3A_758, %get3A_759] {strides = array<i32>} : memref<32x1024xf32, #tpu.memory_space<vmem>>, vector<1x16xf32>,
      %get3A_761 = vector.shape_cast %get3A_760 : vector<1x16xf32> to vector<16xf32>
      %get3A_762 = arith.index_cast %scan3A_44 : i32 to index
      %get3A_763 = arith.constant 816 : index
      %get3A_764 = tpu.vector_load %arg9[%get3A_762, %get3A_763] {strides = array<i32>} : memref<32x1024xf32, #tpu.memory_space<vmem>>, vector<1x16xf32>,
      %get3A_765 = vector.shape_cast %get3A_764 : vector<1x16xf32> to vector<16xf32>
      %add3A_766 = arith.addf %get3A_761, %get3A_765 : vector<16xf32>
      %swap3A_767 = arith.index_cast %scan3A_44 : i32 to index
      %swap3A_768 = arith.constant 816 : index
      %swap3A_769 = tpu.vector_load %arg8[%swap3A_767, %swap3A_768] {strides = array<i32>} : memref<32x1024xf32, #tpu.memory_space<vmem>>, vector<1x16xf32>,
      %swap3A_770 = vector.shape_cast %swap3A_769 : vector<1x16xf32> to vector<16xf32>
      %swap3A_771 = vector.shape_cast %add3A_766 : vector<16xf32> to vector<1x16xf32>
      tpu.vector_store %arg8[%swap3A_767, %swap3A_768], %swap3A_771 {strides = array<i32>} : memref<32x1024xf32, #tpu.memory_space<vmem>>, vector<1x16xf32>,
      %get3A_772 = arith.index_cast %scan3A_44 : i32 to index
      %get3A_773 = arith.constant 832 : index
      %get3A_774 = tpu.vector_load %arg8[%get3A_772, %get3A_773] {strides = array<i32>} : memref<32x1024xf32, #tpu.memory_space<vmem>>, vector<1x16xf32>,
      %get3A_775 = vector.shape_cast %get3A_774 : vector<1x16xf32> to vector<16xf32>
      %get3A_776 = arith.index_cast %scan3A_44 : i32 to index
      %get3A_777 = arith.constant 832 : index
      %get3A_778 = tpu.vector_load %arg9[%get3A_776, %get3A_777] {strides = array<i32>} : memref<32x1024xf32, #tpu.memory_space<vmem>>, vector<1x16xf32>,
      %get3A_779 = vector.shape_cast %get3A_778 : vector<1x16xf32> to vector<16xf32>
      %add3A_780 = arith.addf %get3A_775, %get3A_779 : vector<16xf32>
      %swap3A_781 = arith.index_cast %scan3A_44 : i32 to index
      %swap3A_782 = arith.constant 832 : index
      %swap3A_783 = tpu.vector_load %arg8[%swap3A_781, %swap3A_782] {strides = array<i32>} : memref<32x1024xf32, #tpu.memory_space<vmem>>, vector<1x16xf32>,
      %swap3A_784 = vector.shape_cast %swap3A_783 : vector<1x16xf32> to vector<16xf32>
      %swap3A_785 = vector.shape_cast %add3A_780 : vector<16xf32> to vector<1x16xf32>
      tpu.vector_store %arg8[%swap3A_781, %swap3A_782], %swap3A_785 {strides = array<i32>} : memref<32x1024xf32, #tpu.memory_space<vmem>>, vector<1x16xf32>,
      %get3A_786 = arith.index_cast %scan3A_44 : i32 to index
      %get3A_787 = arith.constant 848 : index
      %get3A_788 = tpu.vector_load %arg8[%get3A_786, %get3A_787] {strides = array<i32>} : memref<32x1024xf32, #tpu.memory_space<vmem>>, vector<1x16xf32>,
      %get3A_789 = vector.shape_cast %get3A_788 : vector<1x16xf32> to vector<16xf32>
      %get3A_790 = arith.index_cast %scan3A_44 : i32 to index
      %get3A_791 = arith.constant 848 : index
      %get3A_792 = tpu.vector_load %arg9[%get3A_790, %get3A_791] {strides = array<i32>} : memref<32x1024xf32, #tpu.memory_space<vmem>>, vector<1x16xf32>,
      %get3A_793 = vector.shape_cast %get3A_792 : vector<1x16xf32> to vector<16xf32>
      %add3A_794 = arith.addf %get3A_789, %get3A_793 : vector<16xf32>
      %swap3A_795 = arith.index_cast %scan3A_44 : i32 to index
      %swap3A_796 = arith.constant 848 : index
      %swap3A_797 = tpu.vector_load %arg8[%swap3A_795, %swap3A_796] {strides = array<i32>} : memref<32x1024xf32, #tpu.memory_space<vmem>>, vector<1x16xf32>,
      %swap3A_798 = vector.shape_cast %swap3A_797 : vector<1x16xf32> to vector<16xf32>
      %swap3A_799 = vector.shape_cast %add3A_794 : vector<16xf32> to vector<1x16xf32>
      tpu.vector_store %arg8[%swap3A_795, %swap3A_796], %swap3A_799 {strides = array<i32>} : memref<32x1024xf32, #tpu.memory_space<vmem>>, vector<1x16xf32>,
      %get3A_800 = arith.index_cast %scan3A_44 : i32 to index
      %get3A_801 = arith.constant 864 : index
      %get3A_802 = tpu.vector_load %arg8[%get3A_800, %get3A_801] {strides = array<i32>} : memref<32x1024xf32, #tpu.memory_space<vmem>>, vector<1x16xf32>,
      %get3A_803 = vector.shape_cast %get3A_802 : vector<1x16xf32> to vector<16xf32>
      %get3A_804 = arith.index_cast %scan3A_44 : i32 to index
      %get3A_805 = arith.constant 864 : index
      %get3A_806 = tpu.vector_load %arg9[%get3A_804, %get3A_805] {strides = array<i32>} : memref<32x1024xf32, #tpu.memory_space<vmem>>, vector<1x16xf32>,
      %get3A_807 = vector.shape_cast %get3A_806 : vector<1x16xf32> to vector<16xf32>
      %add3A_808 = arith.addf %get3A_803, %get3A_807 : vector<16xf32>
      %swap3A_809 = arith.index_cast %scan3A_44 : i32 to index
      %swap3A_810 = arith.constant 864 : index
      %swap3A_811 = tpu.vector_load %arg8[%swap3A_809, %swap3A_810] {strides = array<i32>} : memref<32x1024xf32, #tpu.memory_space<vmem>>, vector<1x16xf32>,
      %swap3A_812 = vector.shape_cast %swap3A_811 : vector<1x16xf32> to vector<16xf32>
      %swap3A_813 = vector.shape_cast %add3A_808 : vector<16xf32> to vector<1x16xf32>
      tpu.vector_store %arg8[%swap3A_809, %swap3A_810], %swap3A_813 {strides = array<i32>} : memref<32x1024xf32, #tpu.memory_space<vmem>>, vector<1x16xf32>,
      %get3A_814 = arith.index_cast %scan3A_44 : i32 to index
      %get3A_815 = arith.constant 880 : index
      %get3A_816 = tpu.vector_load %arg8[%get3A_814, %get3A_815] {strides = array<i32>} : memref<32x1024xf32, #tpu.memory_space<vmem>>, vector<1x16xf32>,
      %get3A_817 = vector.shape_cast %get3A_816 : vector<1x16xf32> to vector<16xf32>
      %get3A_818 = arith.index_cast %scan3A_44 : i32 to index
      %get3A_819 = arith.constant 880 : index
      %get3A_820 = tpu.vector_load %arg9[%get3A_818, %get3A_819] {strides = array<i32>} : memref<32x1024xf32, #tpu.memory_space<vmem>>, vector<1x16xf32>,
      %get3A_821 = vector.shape_cast %get3A_820 : vector<1x16xf32> to vector<16xf32>
      %add3A_822 = arith.addf %get3A_817, %get3A_821 : vector<16xf32>
      %swap3A_823 = arith.index_cast %scan3A_44 : i32 to index
      %swap3A_824 = arith.constant 880 : index
      %swap3A_825 = tpu.vector_load %arg8[%swap3A_823, %swap3A_824] {strides = array<i32>} : memref<32x1024xf32, #tpu.memory_space<vmem>>, vector<1x16xf32>,
      %swap3A_826 = vector.shape_cast %swap3A_825 : vector<1x16xf32> to vector<16xf32>
      %swap3A_827 = vector.shape_cast %add3A_822 : vector<16xf32> to vector<1x16xf32>
      tpu.vector_store %arg8[%swap3A_823, %swap3A_824], %swap3A_827 {strides = array<i32>} : memref<32x1024xf32, #tpu.memory_space<vmem>>, vector<1x16xf32>,
      %get3A_828 = arith.index_cast %scan3A_44 : i32 to index
      %get3A_829 = arith.constant 896 : index
      %get3A_830 = tpu.vector_load %arg8[%get3A_828, %get3A_829] {strides = array<i32>} : memref<32x1024xf32, #tpu.memory_space<vmem>>, vector<1x16xf32>,
      %get3A_831 = vector.shape_cast %get3A_830 : vector<1x16xf32> to vector<16xf32>
      %get3A_832 = arith.index_cast %scan3A_44 : i32 to index
      %get3A_833 = arith.constant 896 : index
      %get3A_834 = tpu.vector_load %arg9[%get3A_832, %get3A_833] {strides = array<i32>} : memref<32x1024xf32, #tpu.memory_space<vmem>>, vector<1x16xf32>,
      %get3A_835 = vector.shape_cast %get3A_834 : vector<1x16xf32> to vector<16xf32>
      %add3A_836 = arith.addf %get3A_831, %get3A_835 : vector<16xf32>
      %swap3A_837 = arith.index_cast %scan3A_44 : i32 to index
      %swap3A_838 = arith.constant 896 : index
      %swap3A_839 = tpu.vector_load %arg8[%swap3A_837, %swap3A_838] {strides = array<i32>} : memref<32x1024xf32, #tpu.memory_space<vmem>>, vector<1x16xf32>,
      %swap3A_840 = vector.shape_cast %swap3A_839 : vector<1x16xf32> to vector<16xf32>
      %swap3A_841 = vector.shape_cast %add3A_836 : vector<16xf32> to vector<1x16xf32>
      tpu.vector_store %arg8[%swap3A_837, %swap3A_838], %swap3A_841 {strides = array<i32>} : memref<32x1024xf32, #tpu.memory_space<vmem>>, vector<1x16xf32>,
      %get3A_842 = arith.index_cast %scan3A_44 : i32 to index
      %get3A_843 = arith.constant 912 : index
      %get3A_844 = tpu.vector_load %arg8[%get3A_842, %get3A_843] {strides = array<i32>} : memref<32x1024xf32, #tpu.memory_space<vmem>>, vector<1x16xf32>,
      %get3A_845 = vector.shape_cast %get3A_844 : vector<1x16xf32> to vector<16xf32>
      %get3A_846 = arith.index_cast %scan3A_44 : i32 to index
      %get3A_847 = arith.constant 912 : index
      %get3A_848 = tpu.vector_load %arg9[%get3A_846, %get3A_847] {strides = array<i32>} : memref<32x1024xf32, #tpu.memory_space<vmem>>, vector<1x16xf32>,
      %get3A_849 = vector.shape_cast %get3A_848 : vector<1x16xf32> to vector<16xf32>
      %add3A_850 = arith.addf %get3A_845, %get3A_849 : vector<16xf32>
      %swap3A_851 = arith.index_cast %scan3A_44 : i32 to index
      %swap3A_852 = arith.constant 912 : index
      %swap3A_853 = tpu.vector_load %arg8[%swap3A_851, %swap3A_852] {strides = array<i32>} : memref<32x1024xf32, #tpu.memory_space<vmem>>, vector<1x16xf32>,
      %swap3A_854 = vector.shape_cast %swap3A_853 : vector<1x16xf32> to vector<16xf32>
      %swap3A_855 = vector.shape_cast %add3A_850 : vector<16xf32> to vector<1x16xf32>
      tpu.vector_store %arg8[%swap3A_851, %swap3A_852], %swap3A_855 {strides = array<i32>} : memref<32x1024xf32, #tpu.memory_space<vmem>>, vector<1x16xf32>,
      %get3A_856 = arith.index_cast %scan3A_44 : i32 to index
      %get3A_857 = arith.constant 928 : index
      %get3A_858 = tpu.vector_load %arg8[%get3A_856, %get3A_857] {strides = array<i32>} : memref<32x1024xf32, #tpu.memory_space<vmem>>, vector<1x16xf32>,
      %get3A_859 = vector.shape_cast %get3A_858 : vector<1x16xf32> to vector<16xf32>
      %get3A_860 = arith.index_cast %scan3A_44 : i32 to index
      %get3A_861 = arith.constant 928 : index
      %get3A_862 = tpu.vector_load %arg9[%get3A_860, %get3A_861] {strides = array<i32>} : memref<32x1024xf32, #tpu.memory_space<vmem>>, vector<1x16xf32>,
      %get3A_863 = vector.shape_cast %get3A_862 : vector<1x16xf32> to vector<16xf32>
      %add3A_864 = arith.addf %get3A_859, %get3A_863 : vector<16xf32>
      %swap3A_865 = arith.index_cast %scan3A_44 : i32 to index
      %swap3A_866 = arith.constant 928 : index
      %swap3A_867 = tpu.vector_load %arg8[%swap3A_865, %swap3A_866] {strides = array<i32>} : memref<32x1024xf32, #tpu.memory_space<vmem>>, vector<1x16xf32>,
      %swap3A_868 = vector.shape_cast %swap3A_867 : vector<1x16xf32> to vector<16xf32>
      %swap3A_869 = vector.shape_cast %add3A_864 : vector<16xf32> to vector<1x16xf32>
      tpu.vector_store %arg8[%swap3A_865, %swap3A_866], %swap3A_869 {strides = array<i32>} : memref<32x1024xf32, #tpu.memory_space<vmem>>, vector<1x16xf32>,
      %get3A_870 = arith.index_cast %scan3A_44 : i32 to index
      %get3A_871 = arith.constant 944 : index
      %get3A_872 = tpu.vector_load %arg8[%get3A_870, %get3A_871] {strides = array<i32>} : memref<32x1024xf32, #tpu.memory_space<vmem>>, vector<1x16xf32>,
      %get3A_873 = vector.shape_cast %get3A_872 : vector<1x16xf32> to vector<16xf32>
      %get3A_874 = arith.index_cast %scan3A_44 : i32 to index
      %get3A_875 = arith.constant 944 : index
      %get3A_876 = tpu.vector_load %arg9[%get3A_874, %get3A_875] {strides = array<i32>} : memref<32x1024xf32, #tpu.memory_space<vmem>>, vector<1x16xf32>,
      %get3A_877 = vector.shape_cast %get3A_876 : vector<1x16xf32> to vector<16xf32>
      %add3A_878 = arith.addf %get3A_873, %get3A_877 : vector<16xf32>
      %swap3A_879 = arith.index_cast %scan3A_44 : i32 to index
      %swap3A_880 = arith.constant 944 : index
      %swap3A_881 = tpu.vector_load %arg8[%swap3A_879, %swap3A_880] {strides = array<i32>} : memref<32x1024xf32, #tpu.memory_space<vmem>>, vector<1x16xf32>,
      %swap3A_882 = vector.shape_cast %swap3A_881 : vector<1x16xf32> to vector<16xf32>
      %swap3A_883 = vector.shape_cast %add3A_878 : vector<16xf32> to vector<1x16xf32>
      tpu.vector_store %arg8[%swap3A_879, %swap3A_880], %swap3A_883 {strides = array<i32>} : memref<32x1024xf32, #tpu.memory_space<vmem>>, vector<1x16xf32>,
      %get3A_884 = arith.index_cast %scan3A_44 : i32 to index
      %get3A_885 = arith.constant 960 : index
      %get3A_886 = tpu.vector_load %arg8[%get3A_884, %get3A_885] {strides = array<i32>} : memref<32x1024xf32, #tpu.memory_space<vmem>>, vector<1x16xf32>,
      %get3A_887 = vector.shape_cast %get3A_886 : vector<1x16xf32> to vector<16xf32>
      %get3A_888 = arith.index_cast %scan3A_44 : i32 to index
      %get3A_889 = arith.constant 960 : index
      %get3A_890 = tpu.vector_load %arg9[%get3A_888, %get3A_889] {strides = array<i32>} : memref<32x1024xf32, #tpu.memory_space<vmem>>, vector<1x16xf32>,
      %get3A_891 = vector.shape_cast %get3A_890 : vector<1x16xf32> to vector<16xf32>
      %add3A_892 = arith.addf %get3A_887, %get3A_891 : vector<16xf32>
      %swap3A_893 = arith.index_cast %scan3A_44 : i32 to index
      %swap3A_894 = arith.constant 960 : index
      %swap3A_895 = tpu.vector_load %arg8[%swap3A_893, %swap3A_894] {strides = array<i32>} : memref<32x1024xf32, #tpu.memory_space<vmem>>, vector<1x16xf32>,
      %swap3A_896 = vector.shape_cast %swap3A_895 : vector<1x16xf32> to vector<16xf32>
      %swap3A_897 = vector.shape_cast %add3A_892 : vector<16xf32> to vector<1x16xf32>
      tpu.vector_store %arg8[%swap3A_893, %swap3A_894], %swap3A_897 {strides = array<i32>} : memref<32x1024xf32, #tpu.memory_space<vmem>>, vector<1x16xf32>,
      %get3A_898 = arith.index_cast %scan3A_44 : i32 to index
      %get3A_899 = arith.constant 976 : index
      %get3A_900 = tpu.vector_load %arg8[%get3A_898, %get3A_899] {strides = array<i32>} : memref<32x1024xf32, #tpu.memory_space<vmem>>, vector<1x16xf32>,
      %get3A_901 = vector.shape_cast %get3A_900 : vector<1x16xf32> to vector<16xf32>
      %get3A_902 = arith.index_cast %scan3A_44 : i32 to index
      %get3A_903 = arith.constant 976 : index
      %get3A_904 = tpu.vector_load %arg9[%get3A_902, %get3A_903] {strides = array<i32>} : memref<32x1024xf32, #tpu.memory_space<vmem>>, vector<1x16xf32>,
      %get3A_905 = vector.shape_cast %get3A_904 : vector<1x16xf32> to vector<16xf32>
      %add3A_906 = arith.addf %get3A_901, %get3A_905 : vector<16xf32>
      %swap3A_907 = arith.index_cast %scan3A_44 : i32 to index
      %swap3A_908 = arith.constant 976 : index
      %swap3A_909 = tpu.vector_load %arg8[%swap3A_907, %swap3A_908] {strides = array<i32>} : memref<32x1024xf32, #tpu.memory_space<vmem>>, vector<1x16xf32>,
      %swap3A_910 = vector.shape_cast %swap3A_909 : vector<1x16xf32> to vector<16xf32>
      %swap3A_911 = vector.shape_cast %add3A_906 : vector<16xf32> to vector<1x16xf32>
      tpu.vector_store %arg8[%swap3A_907, %swap3A_908], %swap3A_911 {strides = array<i32>} : memref<32x1024xf32, #tpu.memory_space<vmem>>, vector<1x16xf32>,
      %get3A_912 = arith.index_cast %scan3A_44 : i32 to index
      %get3A_913 = arith.constant 992 : index
      %get3A_914 = tpu.vector_load %arg8[%get3A_912, %get3A_913] {strides = array<i32>} : memref<32x1024xf32, #tpu.memory_space<vmem>>, vector<1x16xf32>,
      %get3A_915 = vector.shape_cast %get3A_914 : vector<1x16xf32> to vector<16xf32>
      %get3A_916 = arith.index_cast %scan3A_44 : i32 to index
      %get3A_917 = arith.constant 992 : index
      %get3A_918 = tpu.vector_load %arg9[%get3A_916, %get3A_917] {strides = array<i32>} : memref<32x1024xf32, #tpu.memory_space<vmem>>, vector<1x16xf32>,
      %get3A_919 = vector.shape_cast %get3A_918 : vector<1x16xf32> to vector<16xf32>
      %add3A_920 = arith.addf %get3A_915, %get3A_919 : vector<16xf32>
      %swap3A_921 = arith.index_cast %scan3A_44 : i32 to index
      %swap3A_922 = arith.constant 992 : index
      %swap3A_923 = tpu.vector_load %arg8[%swap3A_921, %swap3A_922] {strides = array<i32>} : memref<32x1024xf32, #tpu.memory_space<vmem>>, vector<1x16xf32>,
      %swap3A_924 = vector.shape_cast %swap3A_923 : vector<1x16xf32> to vector<16xf32>
      %swap3A_925 = vector.shape_cast %add3A_920 : vector<16xf32> to vector<1x16xf32>
      tpu.vector_store %arg8[%swap3A_921, %swap3A_922], %swap3A_925 {strides = array<i32>} : memref<32x1024xf32, #tpu.memory_space<vmem>>, vector<1x16xf32>,
      %get3A_926 = arith.index_cast %scan3A_44 : i32 to index
      %get3A_927 = arith.constant 1008 : index
      %get3A_928 = tpu.vector_load %arg8[%get3A_926, %get3A_927] {strides = array<i32>} : memref<32x1024xf32, #tpu.memory_space<vmem>>, vector<1x16xf32>,
      %get3A_929 = vector.shape_cast %get3A_928 : vector<1x16xf32> to vector<16xf32>
      %get3A_930 = arith.index_cast %scan3A_44 : i32 to index
      %get3A_931 = arith.constant 1008 : index
      %get3A_932 = tpu.vector_load %arg9[%get3A_930, %get3A_931] {strides = array<i32>} : memref<32x1024xf32, #tpu.memory_space<vmem>>, vector<1x16xf32>,
      %get3A_933 = vector.shape_cast %get3A_932 : vector<1x16xf32> to vector<16xf32>
      %add3A_934 = arith.addf %get3A_929, %get3A_933 : vector<16xf32>
      %swap3A_935 = arith.index_cast %scan3A_44 : i32 to index
      %swap3A_936 = arith.constant 1008 : index
      %swap3A_937 = tpu.vector_load %arg8[%swap3A_935, %swap3A_936] {strides = array<i32>} : memref<32x1024xf32, #tpu.memory_space<vmem>>, vector<1x16xf32>,
      %swap3A_938 = vector.shape_cast %swap3A_937 : vector<1x16xf32> to vector<16xf32>
      %swap3A_939 = vector.shape_cast %add3A_934 : vector<16xf32> to vector<1x16xf32>
      tpu.vector_store %arg8[%swap3A_935, %swap3A_936], %swap3A_939 {strides = array<i32>} : memref<32x1024xf32, #tpu.memory_space<vmem>>, vector<1x16xf32>,
      %scan3A_940 = arith.constant 0 : i32
      scf.yield %scan3A_940 : i32
    }
    %scan3A_20 = arith.constant 32 : i32
    "tpu.region"() ({
      %run_scoped3A = tpu.sem_alloc : memref<!tpu.dma_semaphore, #tpu.memory_space<semaphore_mem>>
      %dma_start3A_44 = arith.constant 0 : i32
      %dma_start3A_45 = tpu.memref_slice %arg5[%add3A_4, %dma_start3A_44] : memref<2048x1024xf32, #tpu.memory_space<hbm>> -> memref<32x1024xf32, #tpu.memory_space<hbm>>
      %dma_start3A_46 = arith.constant 0 : i32
      %dma_start3A_47 = tpu.memref_slice %arg5[%add3A_4, %dma_start3A_46] : memref<2048x1024xf32, #tpu.memory_space<hbm>> -> memref<32x1024xf32, #tpu.memory_space<hbm>>
      tpu.enqueue_dma source(%arg8 : memref<32x1024xf32, #tpu.memory_space<vmem>>) target(%dma_start3A_47 : memref<32x1024xf32, #tpu.memory_space<hbm>>) target_semaphore(%run_scoped3A : memref<!tpu.dma_semaphore, #tpu.memory_space<semaphore_mem>>)
      %dma_wait3A_48 = arith.constant 0 : i32
      %dma_wait3A_49 = tpu.memref_slice %arg5[%add3A_4, %dma_wait3A_48] : memref<2048x1024xf32, #tpu.memory_space<hbm>> -> memref<32x1024xf32, #tpu.memory_space<hbm>>
      %dma_wait3A_50 = arith.constant 0 : i32
      %dma_wait3A_51 = tpu.memref_slice %arg5[%add3A_4, %dma_wait3A_50] : memref<2048x1024xf32, #tpu.memory_space<hbm>> -> memref<32x1024xf32, #tpu.memory_space<hbm>>
      tpu.wait_dma2 semaphore(%run_scoped3A : memref<!tpu.dma_semaphore, #tpu.memory_space<semaphore_mem>>) src(%arg8 : memref<32x1024xf32, #tpu.memory_space<vmem>>) dst(%dma_wait3A_51 : memref<32x1024xf32, #tpu.memory_space<hbm>>)
      tpu.yield
    }) : () -> ()
    %mul3A_21 = arith.constant 64 : i32
    %mul3A_22 = arith.muli %add3A, %mul3A_21 : i32
    %add3A_23 = arith.constant 32 : i32
    %add3A_24 = arith.addi %mul3A_22, %add3A_23 : i32
    "tpu.region"() ({
      %run_scoped3A = tpu.sem_alloc : memref<!tpu.dma_semaphore, #tpu.memory_space<semaphore_mem>>
      %dma_start3A_44 = tpu.memref_slice %arg3[%add3A_24] : memref<2048xi32, #tpu.memory_space<hbm>> -> memref<32xi32, #tpu.memory_space<hbm>>
      %dma_start3A_45 = tpu.memref_slice %arg3[%add3A_24] : memref<2048xi32, #tpu.memory_space<hbm>> -> memref<32xi32, #tpu.memory_space<hbm>>
      tpu.enqueue_dma source(%dma_start3A_45 : memref<32xi32, #tpu.memory_space<hbm>>) target(%arg6 : memref<32xi32, #tpu.memory_space<vmem>>) target_semaphore(%run_scoped3A : memref<!tpu.dma_semaphore, #tpu.memory_space<semaphore_mem>>)
      %dma_wait3A_46 = tpu.memref_slice %arg3[%add3A_24] : memref<2048xi32, #tpu.memory_space<hbm>> -> memref<32xi32, #tpu.memory_space<hbm>>
      %dma_wait3A_47 = tpu.memref_slice %arg3[%add3A_24] : memref<2048xi32, #tpu.memory_space<hbm>> -> memref<32xi32, #tpu.memory_space<hbm>>
      tpu.wait_dma2 semaphore(%run_scoped3A : memref<!tpu.dma_semaphore, #tpu.memory_space<semaphore_mem>>) src(%dma_wait3A_47 : memref<32xi32, #tpu.memory_space<hbm>>) dst(%arg6 : memref<32xi32, #tpu.memory_space<vmem>>)
      tpu.yield
    }) : () -> ()
    "tpu.region"() ({
      %run_scoped3A = tpu.sem_alloc : memref<!tpu.dma_semaphore, #tpu.memory_space<semaphore_mem>>
      %dma_start3A_44 = tpu.memref_slice %arg4[%add3A_24] : memref<2048xi32, #tpu.memory_space<hbm>> -> memref<32xi32, #tpu.memory_space<hbm>>
      %dma_start3A_45 = tpu.memref_slice %arg4[%add3A_24] : memref<2048xi32, #tpu.memory_space<hbm>> -> memref<32xi32, #tpu.memory_space<hbm>>
      tpu.enqueue_dma source(%dma_start3A_45 : memref<32xi32, #tpu.memory_space<hbm>>) target(%arg7 : memref<32xi32, #tpu.memory_space<vmem>>) target_semaphore(%run_scoped3A : memref<!tpu.dma_semaphore, #tpu.memory_space<semaphore_mem>>)
      %dma_wait3A_46 = tpu.memref_slice %arg4[%add3A_24] : memref<2048xi32, #tpu.memory_space<hbm>> -> memref<32xi32, #tpu.memory_space<hbm>>
      %dma_wait3A_47 = tpu.memref_slice %arg4[%add3A_24] : memref<2048xi32, #tpu.memory_space<hbm>> -> memref<32xi32, #tpu.memory_space<hbm>>
      tpu.wait_dma2 semaphore(%run_scoped3A : memref<!tpu.dma_semaphore, #tpu.memory_space<semaphore_mem>>) src(%dma_wait3A_47 : memref<32xi32, #tpu.memory_space<hbm>>) dst(%arg7 : memref<32xi32, #tpu.memory_space<vmem>>)
      tpu.yield
    }) : () -> ()
    %dma_start3A_25 = arith.constant 0 : i32
    %dma_start3A_26 = arith.constant 0 : i32
    %dma_start3A_27 = tpu.memref_slice %arg2[%dma_start3A_25, %dma_start3A_26] : memref<7680x1024xf32, #tpu.memory_space<hbm>> -> memref<7680x1024xf32, #tpu.memory_space<hbm>>
    tpu.enqueue_indirect_dma source(%dma_start3A_27 : memref<7680x1024xf32, #tpu.memory_space<hbm>>) target(%arg8 : memref<32x1024xf32, #tpu.memory_space<vmem>>) offsets(%arg6 : memref<32xi32, #tpu.memory_space<vmem>>) semaphore(%arg10 : memref<!tpu.dma_semaphore, #tpu.memory_space<semaphore_mem>>)
    %dma_start3A_28 = arith.constant 0 : i32
    %dma_start3A_29 = arith.constant 0 : i32
    %dma_start3A_30 = tpu.memref_slice %arg2[%dma_start3A_28, %dma_start3A_29] : memref<7680x1024xf32, #tpu.memory_space<hbm>> -> memref<7680x1024xf32, #tpu.memory_space<hbm>>
    tpu.enqueue_indirect_dma source(%dma_start3A_30 : memref<7680x1024xf32, #tpu.memory_space<hbm>>) target(%arg9 : memref<32x1024xf32, #tpu.memory_space<vmem>>) offsets(%arg7 : memref<32xi32, #tpu.memory_space<vmem>>) semaphore(%arg11 : memref<!tpu.dma_semaphore, #tpu.memory_space<semaphore_mem>>)
    %dma_wait3A_31 = arith.constant 0 : i32
    %dma_wait3A_32 = arith.constant 0 : i32
    %dma_wait3A_33 = tpu.memref_slice %arg2[%dma_wait3A_31, %dma_wait3A_32] : memref<7680x1024xf32, #tpu.memory_space<hbm>> -> memref<7680x1024xf32, #tpu.memory_space<hbm>>
    tpu.wait_indirect_dma semaphore(%arg10 : memref<!tpu.dma_semaphore, #tpu.memory_space<semaphore_mem>>) src(%dma_wait3A_33 : memref<7680x1024xf32, #tpu.memory_space<hbm>>) dst(%arg8 : memref<32x1024xf32, #tpu.memory_space<vmem>>)
    %dma_wait3A_34 = arith.constant 0 : i32
    %dma_wait3A_35 = arith.constant 0 : i32
    %dma_wait3A_36 = tpu.memref_slice %arg2[%dma_wait3A_34, %dma_wait3A_35] : memref<7680x1024xf32, #tpu.memory_space<hbm>> -> memref<7680x1024xf32, #tpu.memory_space<hbm>>
    tpu.wait_indirect_dma semaphore(%arg11 : memref<!tpu.dma_semaphore, #tpu.memory_space<semaphore_mem>>) src(%dma_wait3A_36 : memref<7680x1024xf32, #tpu.memory_space<hbm>>) dst(%arg9 : memref<32x1024xf32, #tpu.memory_space<vmem>>)
    %scan3A_37 = arith.constant 0 : i32
    %scan3A_38 = arith.constant 0 : i32
    %scan3A_39 = arith.constant 32 : i32
    %scan3A_40 = arith.addi %scan3A_38, %scan3A_39 : i32
    %scan3A_41 = arith.constant 1 : i32
    %scan3A_42 = scf.for %scan3A_44 = %scan3A_38 to %scan3A_40 step %scan3A_41 iter_args(%scan3A_45 = %scan3A_37) -> (i32)  : i32 {
      %get3A = arith.index_cast %scan3A_44 : i32 to index
      %get3A_46 = arith.constant 0 : index
      %get3A_47 = tpu.vector_load %arg8[%get3A, %get3A_46] {strides = array<i32>} : memref<32x1024xf32, #tpu.memory_space<vmem>>, vector<1x16xf32>,
      %get3A_48 = vector.shape_cast %get3A_47 : vector<1x16xf32> to vector<16xf32>
      %get3A_49 = arith.index_cast %scan3A_44 : i32 to index
      %get3A_50 = arith.constant 0 : index
      %get3A_51 = tpu.vector_load %arg9[%get3A_49, %get3A_50] {strides = array<i32>} : memref<32x1024xf32, #tpu.memory_space<vmem>>, vector<1x16xf32>,
      %get3A_52 = vector.shape_cast %get3A_51 : vector<1x16xf32> to vector<16xf32>
      %add3A_53 = arith.addf %get3A_48, %get3A_52 : vector<16xf32>
      %swap3A = arith.index_cast %scan3A_44 : i32 to index
      %swap3A_54 = arith.constant 0 : index
      %swap3A_55 = tpu.vector_load %arg8[%swap3A, %swap3A_54] {strides = array<i32>} : memref<32x1024xf32, #tpu.memory_space<vmem>>, vector<1x16xf32>,
      %swap3A_56 = vector.shape_cast %swap3A_55 : vector<1x16xf32> to vector<16xf32>
      %swap3A_57 = vector.shape_cast %add3A_53 : vector<16xf32> to vector<1x16xf32>
      tpu.vector_store %arg8[%swap3A, %swap3A_54], %swap3A_57 {strides = array<i32>} : memref<32x1024xf32, #tpu.memory_space<vmem>>, vector<1x16xf32>,
      %get3A_58 = arith.index_cast %scan3A_44 : i32 to index
      %get3A_59 = arith.constant 16 : index
      %get3A_60 = tpu.vector_load %arg8[%get3A_58, %get3A_59] {strides = array<i32>} : memref<32x1024xf32, #tpu.memory_space<vmem>>, vector<1x16xf32>,
      %get3A_61 = vector.shape_cast %get3A_60 : vector<1x16xf32> to vector<16xf32>
      %get3A_62 = arith.index_cast %scan3A_44 : i32 to index
      %get3A_63 = arith.constant 16 : index
      %get3A_64 = tpu.vector_load %arg9[%get3A_62, %get3A_63] {strides = array<i32>} : memref<32x1024xf32, #tpu.memory_space<vmem>>, vector<1x16xf32>,
      %get3A_65 = vector.shape_cast %get3A_64 : vector<1x16xf32> to vector<16xf32>
      %add3A_66 = arith.addf %get3A_61, %get3A_65 : vector<16xf32>
      %swap3A_67 = arith.index_cast %scan3A_44 : i32 to index
      %swap3A_68 = arith.constant 16 : index
      %swap3A_69 = tpu.vector_load %arg8[%swap3A_67, %swap3A_68] {strides = array<i32>} : memref<32x1024xf32, #tpu.memory_space<vmem>>, vector<1x16xf32>,
      %swap3A_70 = vector.shape_cast %swap3A_69 : vector<1x16xf32> to vector<16xf32>
      %swap3A_71 = vector.shape_cast %add3A_66 : vector<16xf32> to vector<1x16xf32>
      tpu.vector_store %arg8[%swap3A_67, %swap3A_68], %swap3A_71 {strides = array<i32>} : memref<32x1024xf32, #tpu.memory_space<vmem>>, vector<1x16xf32>,
      %get3A_72 = arith.index_cast %scan3A_44 : i32 to index
      %get3A_73 = arith.constant 32 : index
      %get3A_74 = tpu.vector_load %arg8[%get3A_72, %get3A_73] {strides = array<i32>} : memref<32x1024xf32, #tpu.memory_space<vmem>>, vector<1x16xf32>,
      %get3A_75 = vector.shape_cast %get3A_74 : vector<1x16xf32> to vector<16xf32>
      %get3A_76 = arith.index_cast %scan3A_44 : i32 to index
      %get3A_77 = arith.constant 32 : index
      %get3A_78 = tpu.vector_load %arg9[%get3A_76, %get3A_77] {strides = array<i32>} : memref<32x1024xf32, #tpu.memory_space<vmem>>, vector<1x16xf32>,
      %get3A_79 = vector.shape_cast %get3A_78 : vector<1x16xf32> to vector<16xf32>
      %add3A_80 = arith.addf %get3A_75, %get3A_79 : vector<16xf32>
      %swap3A_81 = arith.index_cast %scan3A_44 : i32 to index
      %swap3A_82 = arith.constant 32 : index
      %swap3A_83 = tpu.vector_load %arg8[%swap3A_81, %swap3A_82] {strides = array<i32>} : memref<32x1024xf32, #tpu.memory_space<vmem>>, vector<1x16xf32>,
      %swap3A_84 = vector.shape_cast %swap3A_83 : vector<1x16xf32> to vector<16xf32>
      %swap3A_85 = vector.shape_cast %add3A_80 : vector<16xf32> to vector<1x16xf32>
      tpu.vector_store %arg8[%swap3A_81, %swap3A_82], %swap3A_85 {strides = array<i32>} : memref<32x1024xf32, #tpu.memory_space<vmem>>, vector<1x16xf32>,
      %get3A_86 = arith.index_cast %scan3A_44 : i32 to index
      %get3A_87 = arith.constant 48 : index
      %get3A_88 = tpu.vector_load %arg8[%get3A_86, %get3A_87] {strides = array<i32>} : memref<32x1024xf32, #tpu.memory_space<vmem>>, vector<1x16xf32>,
      %get3A_89 = vector.shape_cast %get3A_88 : vector<1x16xf32> to vector<16xf32>
      %get3A_90 = arith.index_cast %scan3A_44 : i32 to index
      %get3A_91 = arith.constant 48 : index
      %get3A_92 = tpu.vector_load %arg9[%get3A_90, %get3A_91] {strides = array<i32>} : memref<32x1024xf32, #tpu.memory_space<vmem>>, vector<1x16xf32>,
      %get3A_93 = vector.shape_cast %get3A_92 : vector<1x16xf32> to vector<16xf32>
      %add3A_94 = arith.addf %get3A_89, %get3A_93 : vector<16xf32>
      %swap3A_95 = arith.index_cast %scan3A_44 : i32 to index
      %swap3A_96 = arith.constant 48 : index
      %swap3A_97 = tpu.vector_load %arg8[%swap3A_95, %swap3A_96] {strides = array<i32>} : memref<32x1024xf32, #tpu.memory_space<vmem>>, vector<1x16xf32>,
      %swap3A_98 = vector.shape_cast %swap3A_97 : vector<1x16xf32> to vector<16xf32>
      %swap3A_99 = vector.shape_cast %add3A_94 : vector<16xf32> to vector<1x16xf32>
      tpu.vector_store %arg8[%swap3A_95, %swap3A_96], %swap3A_99 {strides = array<i32>} : memref<32x1024xf32, #tpu.memory_space<vmem>>, vector<1x16xf32>,
      %get3A_100 = arith.index_cast %scan3A_44 : i32 to index
      %get3A_101 = arith.constant 64 : index
      %get3A_102 = tpu.vector_load %arg8[%get3A_100, %get3A_101] {strides = array<i32>} : memref<32x1024xf32, #tpu.memory_space<vmem>>, vector<1x16xf32>,
      %get3A_103 = vector.shape_cast %get3A_102 : vector<1x16xf32> to vector<16xf32>
      %get3A_104 = arith.index_cast %scan3A_44 : i32 to index
      %get3A_105 = arith.constant 64 : index
      %get3A_106 = tpu.vector_load %arg9[%get3A_104, %get3A_105] {strides = array<i32>} : memref<32x1024xf32, #tpu.memory_space<vmem>>, vector<1x16xf32>,
      %get3A_107 = vector.shape_cast %get3A_106 : vector<1x16xf32> to vector<16xf32>
      %add3A_108 = arith.addf %get3A_103, %get3A_107 : vector<16xf32>
      %swap3A_109 = arith.index_cast %scan3A_44 : i32 to index
      %swap3A_110 = arith.constant 64 : index
      %swap3A_111 = tpu.vector_load %arg8[%swap3A_109, %swap3A_110] {strides = array<i32>} : memref<32x1024xf32, #tpu.memory_space<vmem>>, vector<1x16xf32>,
      %swap3A_112 = vector.shape_cast %swap3A_111 : vector<1x16xf32> to vector<16xf32>
      %swap3A_113 = vector.shape_cast %add3A_108 : vector<16xf32> to vector<1x16xf32>
      tpu.vector_store %arg8[%swap3A_109, %swap3A_110], %swap3A_113 {strides = array<i32>} : memref<32x1024xf32, #tpu.memory_space<vmem>>, vector<1x16xf32>,
      %get3A_114 = arith.index_cast %scan3A_44 : i32 to index
      %get3A_115 = arith.constant 80 : index
      %get3A_116 = tpu.vector_load %arg8[%get3A_114, %get3A_115] {strides = array<i32>} : memref<32x1024xf32, #tpu.memory_space<vmem>>, vector<1x16xf32>,
      %get3A_117 = vector.shape_cast %get3A_116 : vector<1x16xf32> to vector<16xf32>
      %get3A_118 = arith.index_cast %scan3A_44 : i32 to index
      %get3A_119 = arith.constant 80 : index
      %get3A_120 = tpu.vector_load %arg9[%get3A_118, %get3A_119] {strides = array<i32>} : memref<32x1024xf32, #tpu.memory_space<vmem>>, vector<1x16xf32>,
      %get3A_121 = vector.shape_cast %get3A_120 : vector<1x16xf32> to vector<16xf32>
      %add3A_122 = arith.addf %get3A_117, %get3A_121 : vector<16xf32>
      %swap3A_123 = arith.index_cast %scan3A_44 : i32 to index
      %swap3A_124 = arith.constant 80 : index
      %swap3A_125 = tpu.vector_load %arg8[%swap3A_123, %swap3A_124] {strides = array<i32>} : memref<32x1024xf32, #tpu.memory_space<vmem>>, vector<1x16xf32>,
      %swap3A_126 = vector.shape_cast %swap3A_125 : vector<1x16xf32> to vector<16xf32>
      %swap3A_127 = vector.shape_cast %add3A_122 : vector<16xf32> to vector<1x16xf32>
      tpu.vector_store %arg8[%swap3A_123, %swap3A_124], %swap3A_127 {strides = array<i32>} : memref<32x1024xf32, #tpu.memory_space<vmem>>, vector<1x16xf32>,
      %get3A_128 = arith.index_cast %scan3A_44 : i32 to index
      %get3A_129 = arith.constant 96 : index
      %get3A_130 = tpu.vector_load %arg8[%get3A_128, %get3A_129] {strides = array<i32>} : memref<32x1024xf32, #tpu.memory_space<vmem>>, vector<1x16xf32>,
      %get3A_131 = vector.shape_cast %get3A_130 : vector<1x16xf32> to vector<16xf32>
      %get3A_132 = arith.index_cast %scan3A_44 : i32 to index
      %get3A_133 = arith.constant 96 : index
      %get3A_134 = tpu.vector_load %arg9[%get3A_132, %get3A_133] {strides = array<i32>} : memref<32x1024xf32, #tpu.memory_space<vmem>>, vector<1x16xf32>,
      %get3A_135 = vector.shape_cast %get3A_134 : vector<1x16xf32> to vector<16xf32>
      %add3A_136 = arith.addf %get3A_131, %get3A_135 : vector<16xf32>
      %swap3A_137 = arith.index_cast %scan3A_44 : i32 to index
      %swap3A_138 = arith.constant 96 : index
      %swap3A_139 = tpu.vector_load %arg8[%swap3A_137, %swap3A_138] {strides = array<i32>} : memref<32x1024xf32, #tpu.memory_space<vmem>>, vector<1x16xf32>,
      %swap3A_140 = vector.shape_cast %swap3A_139 : vector<1x16xf32> to vector<16xf32>
      %swap3A_141 = vector.shape_cast %add3A_136 : vector<16xf32> to vector<1x16xf32>
      tpu.vector_store %arg8[%swap3A_137, %swap3A_138], %swap3A_141 {strides = array<i32>} : memref<32x1024xf32, #tpu.memory_space<vmem>>, vector<1x16xf32>,
      %get3A_142 = arith.index_cast %scan3A_44 : i32 to index
      %get3A_143 = arith.constant 112 : index
      %get3A_144 = tpu.vector_load %arg8[%get3A_142, %get3A_143] {strides = array<i32>} : memref<32x1024xf32, #tpu.memory_space<vmem>>, vector<1x16xf32>,
      %get3A_145 = vector.shape_cast %get3A_144 : vector<1x16xf32> to vector<16xf32>
      %get3A_146 = arith.index_cast %scan3A_44 : i32 to index
      %get3A_147 = arith.constant 112 : index
      %get3A_148 = tpu.vector_load %arg9[%get3A_146, %get3A_147] {strides = array<i32>} : memref<32x1024xf32, #tpu.memory_space<vmem>>, vector<1x16xf32>,
      %get3A_149 = vector.shape_cast %get3A_148 : vector<1x16xf32> to vector<16xf32>
      %add3A_150 = arith.addf %get3A_145, %get3A_149 : vector<16xf32>
      %swap3A_151 = arith.index_cast %scan3A_44 : i32 to index
      %swap3A_152 = arith.constant 112 : index
      %swap3A_153 = tpu.vector_load %arg8[%swap3A_151, %swap3A_152] {strides = array<i32>} : memref<32x1024xf32, #tpu.memory_space<vmem>>, vector<1x16xf32>,
      %swap3A_154 = vector.shape_cast %swap3A_153 : vector<1x16xf32> to vector<16xf32>
      %swap3A_155 = vector.shape_cast %add3A_150 : vector<16xf32> to vector<1x16xf32>
      tpu.vector_store %arg8[%swap3A_151, %swap3A_152], %swap3A_155 {strides = array<i32>} : memref<32x1024xf32, #tpu.memory_space<vmem>>, vector<1x16xf32>,
      %get3A_156 = arith.index_cast %scan3A_44 : i32 to index
      %get3A_157 = arith.constant 128 : index
      %get3A_158 = tpu.vector_load %arg8[%get3A_156, %get3A_157] {strides = array<i32>} : memref<32x1024xf32, #tpu.memory_space<vmem>>, vector<1x16xf32>,
      %get3A_159 = vector.shape_cast %get3A_158 : vector<1x16xf32> to vector<16xf32>
      %get3A_160 = arith.index_cast %scan3A_44 : i32 to index
      %get3A_161 = arith.constant 128 : index
      %get3A_162 = tpu.vector_load %arg9[%get3A_160, %get3A_161] {strides = array<i32>} : memref<32x1024xf32, #tpu.memory_space<vmem>>, vector<1x16xf32>,
      %get3A_163 = vector.shape_cast %get3A_162 : vector<1x16xf32> to vector<16xf32>
      %add3A_164 = arith.addf %get3A_159, %get3A_163 : vector<16xf32>
      %swap3A_165 = arith.index_cast %scan3A_44 : i32 to index
      %swap3A_166 = arith.constant 128 : index
      %swap3A_167 = tpu.vector_load %arg8[%swap3A_165, %swap3A_166] {strides = array<i32>} : memref<32x1024xf32, #tpu.memory_space<vmem>>, vector<1x16xf32>,
      %swap3A_168 = vector.shape_cast %swap3A_167 : vector<1x16xf32> to vector<16xf32>
      %swap3A_169 = vector.shape_cast %add3A_164 : vector<16xf32> to vector<1x16xf32>
      tpu.vector_store %arg8[%swap3A_165, %swap3A_166], %swap3A_169 {strides = array<i32>} : memref<32x1024xf32, #tpu.memory_space<vmem>>, vector<1x16xf32>,
      %get3A_170 = arith.index_cast %scan3A_44 : i32 to index
      %get3A_171 = arith.constant 144 : index
      %get3A_172 = tpu.vector_load %arg8[%get3A_170, %get3A_171] {strides = array<i32>} : memref<32x1024xf32, #tpu.memory_space<vmem>>, vector<1x16xf32>,
      %get3A_173 = vector.shape_cast %get3A_172 : vector<1x16xf32> to vector<16xf32>
      %get3A_174 = arith.index_cast %scan3A_44 : i32 to index
      %get3A_175 = arith.constant 144 : index
      %get3A_176 = tpu.vector_load %arg9[%get3A_174, %get3A_175] {strides = array<i32>} : memref<32x1024xf32, #tpu.memory_space<vmem>>, vector<1x16xf32>,
      %get3A_177 = vector.shape_cast %get3A_176 : vector<1x16xf32> to vector<16xf32>
      %add3A_178 = arith.addf %get3A_173, %get3A_177 : vector<16xf32>
      %swap3A_179 = arith.index_cast %scan3A_44 : i32 to index
      %swap3A_180 = arith.constant 144 : index
      %swap3A_181 = tpu.vector_load %arg8[%swap3A_179, %swap3A_180] {strides = array<i32>} : memref<32x1024xf32, #tpu.memory_space<vmem>>, vector<1x16xf32>,
      %swap3A_182 = vector.shape_cast %swap3A_181 : vector<1x16xf32> to vector<16xf32>
      %swap3A_183 = vector.shape_cast %add3A_178 : vector<16xf32> to vector<1x16xf32>
      tpu.vector_store %arg8[%swap3A_179, %swap3A_180], %swap3A_183 {strides = array<i32>} : memref<32x1024xf32, #tpu.memory_space<vmem>>, vector<1x16xf32>,
      %get3A_184 = arith.index_cast %scan3A_44 : i32 to index
      %get3A_185 = arith.constant 160 : index
      %get3A_186 = tpu.vector_load %arg8[%get3A_184, %get3A_185] {strides = array<i32>} : memref<32x1024xf32, #tpu.memory_space<vmem>>, vector<1x16xf32>,
      %get3A_187 = vector.shape_cast %get3A_186 : vector<1x16xf32> to vector<16xf32>
      %get3A_188 = arith.index_cast %scan3A_44 : i32 to index
      %get3A_189 = arith.constant 160 : index
      %get3A_190 = tpu.vector_load %arg9[%get3A_188, %get3A_189] {strides = array<i32>} : memref<32x1024xf32, #tpu.memory_space<vmem>>, vector<1x16xf32>,
      %get3A_191 = vector.shape_cast %get3A_190 : vector<1x16xf32> to vector<16xf32>
      %add3A_192 = arith.addf %get3A_187, %get3A_191 : vector<16xf32>
      %swap3A_193 = arith.index_cast %scan3A_44 : i32 to index
      %swap3A_194 = arith.constant 160 : index
      %swap3A_195 = tpu.vector_load %arg8[%swap3A_193, %swap3A_194] {strides = array<i32>} : memref<32x1024xf32, #tpu.memory_space<vmem>>, vector<1x16xf32>,
      %swap3A_196 = vector.shape_cast %swap3A_195 : vector<1x16xf32> to vector<16xf32>
      %swap3A_197 = vector.shape_cast %add3A_192 : vector<16xf32> to vector<1x16xf32>
      tpu.vector_store %arg8[%swap3A_193, %swap3A_194], %swap3A_197 {strides = array<i32>} : memref<32x1024xf32, #tpu.memory_space<vmem>>, vector<1x16xf32>,
      %get3A_198 = arith.index_cast %scan3A_44 : i32 to index
      %get3A_199 = arith.constant 176 : index
      %get3A_200 = tpu.vector_load %arg8[%get3A_198, %get3A_199] {strides = array<i32>} : memref<32x1024xf32, #tpu.memory_space<vmem>>, vector<1x16xf32>,
      %get3A_201 = vector.shape_cast %get3A_200 : vector<1x16xf32> to vector<16xf32>
      %get3A_202 = arith.index_cast %scan3A_44 : i32 to index
      %get3A_203 = arith.constant 176 : index
      %get3A_204 = tpu.vector_load %arg9[%get3A_202, %get3A_203] {strides = array<i32>} : memref<32x1024xf32, #tpu.memory_space<vmem>>, vector<1x16xf32>,
      %get3A_205 = vector.shape_cast %get3A_204 : vector<1x16xf32> to vector<16xf32>
      %add3A_206 = arith.addf %get3A_201, %get3A_205 : vector<16xf32>
      %swap3A_207 = arith.index_cast %scan3A_44 : i32 to index
      %swap3A_208 = arith.constant 176 : index
      %swap3A_209 = tpu.vector_load %arg8[%swap3A_207, %swap3A_208] {strides = array<i32>} : memref<32x1024xf32, #tpu.memory_space<vmem>>, vector<1x16xf32>,
      %swap3A_210 = vector.shape_cast %swap3A_209 : vector<1x16xf32> to vector<16xf32>
      %swap3A_211 = vector.shape_cast %add3A_206 : vector<16xf32> to vector<1x16xf32>
      tpu.vector_store %arg8[%swap3A_207, %swap3A_208], %swap3A_211 {strides = array<i32>} : memref<32x1024xf32, #tpu.memory_space<vmem>>, vector<1x16xf32>,
      %get3A_212 = arith.index_cast %scan3A_44 : i32 to index
      %get3A_213 = arith.constant 192 : index
      %get3A_214 = tpu.vector_load %arg8[%get3A_212, %get3A_213] {strides = array<i32>} : memref<32x1024xf32, #tpu.memory_space<vmem>>, vector<1x16xf32>,
      %get3A_215 = vector.shape_cast %get3A_214 : vector<1x16xf32> to vector<16xf32>
      %get3A_216 = arith.index_cast %scan3A_44 : i32 to index
      %get3A_217 = arith.constant 192 : index
      %get3A_218 = tpu.vector_load %arg9[%get3A_216, %get3A_217] {strides = array<i32>} : memref<32x1024xf32, #tpu.memory_space<vmem>>, vector<1x16xf32>,
      %get3A_219 = vector.shape_cast %get3A_218 : vector<1x16xf32> to vector<16xf32>
      %add3A_220 = arith.addf %get3A_215, %get3A_219 : vector<16xf32>
      %swap3A_221 = arith.index_cast %scan3A_44 : i32 to index
      %swap3A_222 = arith.constant 192 : index
      %swap3A_223 = tpu.vector_load %arg8[%swap3A_221, %swap3A_222] {strides = array<i32>} : memref<32x1024xf32, #tpu.memory_space<vmem>>, vector<1x16xf32>,
      %swap3A_224 = vector.shape_cast %swap3A_223 : vector<1x16xf32> to vector<16xf32>
      %swap3A_225 = vector.shape_cast %add3A_220 : vector<16xf32> to vector<1x16xf32>
      tpu.vector_store %arg8[%swap3A_221, %swap3A_222], %swap3A_225 {strides = array<i32>} : memref<32x1024xf32, #tpu.memory_space<vmem>>, vector<1x16xf32>,
      %get3A_226 = arith.index_cast %scan3A_44 : i32 to index
      %get3A_227 = arith.constant 208 : index
      %get3A_228 = tpu.vector_load %arg8[%get3A_226, %get3A_227] {strides = array<i32>} : memref<32x1024xf32, #tpu.memory_space<vmem>>, vector<1x16xf32>,
      %get3A_229 = vector.shape_cast %get3A_228 : vector<1x16xf32> to vector<16xf32>
      %get3A_230 = arith.index_cast %scan3A_44 : i32 to index
      %get3A_231 = arith.constant 208 : index
      %get3A_232 = tpu.vector_load %arg9[%get3A_230, %get3A_231] {strides = array<i32>} : memref<32x1024xf32, #tpu.memory_space<vmem>>, vector<1x16xf32>,
      %get3A_233 = vector.shape_cast %get3A_232 : vector<1x16xf32> to vector<16xf32>
      %add3A_234 = arith.addf %get3A_229, %get3A_233 : vector<16xf32>
      %swap3A_235 = arith.index_cast %scan3A_44 : i32 to index
      %swap3A_236 = arith.constant 208 : index
      %swap3A_237 = tpu.vector_load %arg8[%swap3A_235, %swap3A_236] {strides = array<i32>} : memref<32x1024xf32, #tpu.memory_space<vmem>>, vector<1x16xf32>,
      %swap3A_238 = vector.shape_cast %swap3A_237 : vector<1x16xf32> to vector<16xf32>
      %swap3A_239 = vector.shape_cast %add3A_234 : vector<16xf32> to vector<1x16xf32>
      tpu.vector_store %arg8[%swap3A_235, %swap3A_236], %swap3A_239 {strides = array<i32>} : memref<32x1024xf32, #tpu.memory_space<vmem>>, vector<1x16xf32>,
      %get3A_240 = arith.index_cast %scan3A_44 : i32 to index
      %get3A_241 = arith.constant 224 : index
      %get3A_242 = tpu.vector_load %arg8[%get3A_240, %get3A_241] {strides = array<i32>} : memref<32x1024xf32, #tpu.memory_space<vmem>>, vector<1x16xf32>,
      %get3A_243 = vector.shape_cast %get3A_242 : vector<1x16xf32> to vector<16xf32>
      %get3A_244 = arith.index_cast %scan3A_44 : i32 to index
      %get3A_245 = arith.constant 224 : index
      %get3A_246 = tpu.vector_load %arg9[%get3A_244, %get3A_245] {strides = array<i32>} : memref<32x1024xf32, #tpu.memory_space<vmem>>, vector<1x16xf32>,
      %get3A_247 = vector.shape_cast %get3A_246 : vector<1x16xf32> to vector<16xf32>
      %add3A_248 = arith.addf %get3A_243, %get3A_247 : vector<16xf32>
      %swap3A_249 = arith.index_cast %scan3A_44 : i32 to index
      %swap3A_250 = arith.constant 224 : index
      %swap3A_251 = tpu.vector_load %arg8[%swap3A_249, %swap3A_250] {strides = array<i32>} : memref<32x1024xf32, #tpu.memory_space<vmem>>, vector<1x16xf32>,
      %swap3A_252 = vector.shape_cast %swap3A_251 : vector<1x16xf32> to vector<16xf32>
      %swap3A_253 = vector.shape_cast %add3A_248 : vector<16xf32> to vector<1x16xf32>
      tpu.vector_store %arg8[%swap3A_249, %swap3A_250], %swap3A_253 {strides = array<i32>} : memref<32x1024xf32, #tpu.memory_space<vmem>>, vector<1x16xf32>,
      %get3A_254 = arith.index_cast %scan3A_44 : i32 to index
      %get3A_255 = arith.constant 240 : index
      %get3A_256 = tpu.vector_load %arg8[%get3A_254, %get3A_255] {strides = array<i32>} : memref<32x1024xf32, #tpu.memory_space<vmem>>, vector<1x16xf32>,
      %get3A_257 = vector.shape_cast %get3A_256 : vector<1x16xf32> to vector<16xf32>
      %get3A_258 = arith.index_cast %scan3A_44 : i32 to index
      %get3A_259 = arith.constant 240 : index
      %get3A_260 = tpu.vector_load %arg9[%get3A_258, %get3A_259] {strides = array<i32>} : memref<32x1024xf32, #tpu.memory_space<vmem>>, vector<1x16xf32>,
      %get3A_261 = vector.shape_cast %get3A_260 : vector<1x16xf32> to vector<16xf32>
      %add3A_262 = arith.addf %get3A_257, %get3A_261 : vector<16xf32>
      %swap3A_263 = arith.index_cast %scan3A_44 : i32 to index
      %swap3A_264 = arith.constant 240 : index
      %swap3A_265 = tpu.vector_load %arg8[%swap3A_263, %swap3A_264] {strides = array<i32>} : memref<32x1024xf32, #tpu.memory_space<vmem>>, vector<1x16xf32>,
      %swap3A_266 = vector.shape_cast %swap3A_265 : vector<1x16xf32> to vector<16xf32>
      %swap3A_267 = vector.shape_cast %add3A_262 : vector<16xf32> to vector<1x16xf32>
      tpu.vector_store %arg8[%swap3A_263, %swap3A_264], %swap3A_267 {strides = array<i32>} : memref<32x1024xf32, #tpu.memory_space<vmem>>, vector<1x16xf32>,
      %get3A_268 = arith.index_cast %scan3A_44 : i32 to index
      %get3A_269 = arith.constant 256 : index
      %get3A_270 = tpu.vector_load %arg8[%get3A_268, %get3A_269] {strides = array<i32>} : memref<32x1024xf32, #tpu.memory_space<vmem>>, vector<1x16xf32>,
      %get3A_271 = vector.shape_cast %get3A_270 : vector<1x16xf32> to vector<16xf32>
      %get3A_272 = arith.index_cast %scan3A_44 : i32 to index
      %get3A_273 = arith.constant 256 : index
      %get3A_274 = tpu.vector_load %arg9[%get3A_272, %get3A_273] {strides = array<i32>} : memref<32x1024xf32, #tpu.memory_space<vmem>>, vector<1x16xf32>,
      %get3A_275 = vector.shape_cast %get3A_274 : vector<1x16xf32> to vector<16xf32>
      %add3A_276 = arith.addf %get3A_271, %get3A_275 : vector<16xf32>
      %swap3A_277 = arith.index_cast %scan3A_44 : i32 to index
      %swap3A_278 = arith.constant 256 : index
      %swap3A_279 = tpu.vector_load %arg8[%swap3A_277, %swap3A_278] {strides = array<i32>} : memref<32x1024xf32, #tpu.memory_space<vmem>>, vector<1x16xf32>,
      %swap3A_280 = vector.shape_cast %swap3A_279 : vector<1x16xf32> to vector<16xf32>
      %swap3A_281 = vector.shape_cast %add3A_276 : vector<16xf32> to vector<1x16xf32>
      tpu.vector_store %arg8[%swap3A_277, %swap3A_278], %swap3A_281 {strides = array<i32>} : memref<32x1024xf32, #tpu.memory_space<vmem>>, vector<1x16xf32>,
      %get3A_282 = arith.index_cast %scan3A_44 : i32 to index
      %get3A_283 = arith.constant 272 : index
      %get3A_284 = tpu.vector_load %arg8[%get3A_282, %get3A_283] {strides = array<i32>} : memref<32x1024xf32, #tpu.memory_space<vmem>>, vector<1x16xf32>,
      %get3A_285 = vector.shape_cast %get3A_284 : vector<1x16xf32> to vector<16xf32>
      %get3A_286 = arith.index_cast %scan3A_44 : i32 to index
      %get3A_287 = arith.constant 272 : index
      %get3A_288 = tpu.vector_load %arg9[%get3A_286, %get3A_287] {strides = array<i32>} : memref<32x1024xf32, #tpu.memory_space<vmem>>, vector<1x16xf32>,
      %get3A_289 = vector.shape_cast %get3A_288 : vector<1x16xf32> to vector<16xf32>
      %add3A_290 = arith.addf %get3A_285, %get3A_289 : vector<16xf32>
      %swap3A_291 = arith.index_cast %scan3A_44 : i32 to index
      %swap3A_292 = arith.constant 272 : index
      %swap3A_293 = tpu.vector_load %arg8[%swap3A_291, %swap3A_292] {strides = array<i32>} : memref<32x1024xf32, #tpu.memory_space<vmem>>, vector<1x16xf32>,
      %swap3A_294 = vector.shape_cast %swap3A_293 : vector<1x16xf32> to vector<16xf32>
      %swap3A_295 = vector.shape_cast %add3A_290 : vector<16xf32> to vector<1x16xf32>
      tpu.vector_store %arg8[%swap3A_291, %swap3A_292], %swap3A_295 {strides = array<i32>} : memref<32x1024xf32, #tpu.memory_space<vmem>>, vector<1x16xf32>,
      %get3A_296 = arith.index_cast %scan3A_44 : i32 to index
      %get3A_297 = arith.constant 288 : index
      %get3A_298 = tpu.vector_load %arg8[%get3A_296, %get3A_297] {strides = array<i32>} : memref<32x1024xf32, #tpu.memory_space<vmem>>, vector<1x16xf32>,
      %get3A_299 = vector.shape_cast %get3A_298 : vector<1x16xf32> to vector<16xf32>
      %get3A_300 = arith.index_cast %scan3A_44 : i32 to index
      %get3A_301 = arith.constant 288 : index
      %get3A_302 = tpu.vector_load %arg9[%get3A_300, %get3A_301] {strides = array<i32>} : memref<32x1024xf32, #tpu.memory_space<vmem>>, vector<1x16xf32>,
      %get3A_303 = vector.shape_cast %get3A_302 : vector<1x16xf32> to vector<16xf32>
      %add3A_304 = arith.addf %get3A_299, %get3A_303 : vector<16xf32>
      %swap3A_305 = arith.index_cast %scan3A_44 : i32 to index
      %swap3A_306 = arith.constant 288 : index
      %swap3A_307 = tpu.vector_load %arg8[%swap3A_305, %swap3A_306] {strides = array<i32>} : memref<32x1024xf32, #tpu.memory_space<vmem>>, vector<1x16xf32>,
      %swap3A_308 = vector.shape_cast %swap3A_307 : vector<1x16xf32> to vector<16xf32>
      %swap3A_309 = vector.shape_cast %add3A_304 : vector<16xf32> to vector<1x16xf32>
      tpu.vector_store %arg8[%swap3A_305, %swap3A_306], %swap3A_309 {strides = array<i32>} : memref<32x1024xf32, #tpu.memory_space<vmem>>, vector<1x16xf32>,
      %get3A_310 = arith.index_cast %scan3A_44 : i32 to index
      %get3A_311 = arith.constant 304 : index
      %get3A_312 = tpu.vector_load %arg8[%get3A_310, %get3A_311] {strides = array<i32>} : memref<32x1024xf32, #tpu.memory_space<vmem>>, vector<1x16xf32>,
      %get3A_313 = vector.shape_cast %get3A_312 : vector<1x16xf32> to vector<16xf32>
      %get3A_314 = arith.index_cast %scan3A_44 : i32 to index
      %get3A_315 = arith.constant 304 : index
      %get3A_316 = tpu.vector_load %arg9[%get3A_314, %get3A_315] {strides = array<i32>} : memref<32x1024xf32, #tpu.memory_space<vmem>>, vector<1x16xf32>,
      %get3A_317 = vector.shape_cast %get3A_316 : vector<1x16xf32> to vector<16xf32>
      %add3A_318 = arith.addf %get3A_313, %get3A_317 : vector<16xf32>
      %swap3A_319 = arith.index_cast %scan3A_44 : i32 to index
      %swap3A_320 = arith.constant 304 : index
      %swap3A_321 = tpu.vector_load %arg8[%swap3A_319, %swap3A_320] {strides = array<i32>} : memref<32x1024xf32, #tpu.memory_space<vmem>>, vector<1x16xf32>,
      %swap3A_322 = vector.shape_cast %swap3A_321 : vector<1x16xf32> to vector<16xf32>
      %swap3A_323 = vector.shape_cast %add3A_318 : vector<16xf32> to vector<1x16xf32>
      tpu.vector_store %arg8[%swap3A_319, %swap3A_320], %swap3A_323 {strides = array<i32>} : memref<32x1024xf32, #tpu.memory_space<vmem>>, vector<1x16xf32>,
      %get3A_324 = arith.index_cast %scan3A_44 : i32 to index
      %get3A_325 = arith.constant 320 : index
      %get3A_326 = tpu.vector_load %arg8[%get3A_324, %get3A_325] {strides = array<i32>} : memref<32x1024xf32, #tpu.memory_space<vmem>>, vector<1x16xf32>,
      %get3A_327 = vector.shape_cast %get3A_326 : vector<1x16xf32> to vector<16xf32>
      %get3A_328 = arith.index_cast %scan3A_44 : i32 to index
      %get3A_329 = arith.constant 320 : index
      %get3A_330 = tpu.vector_load %arg9[%get3A_328, %get3A_329] {strides = array<i32>} : memref<32x1024xf32, #tpu.memory_space<vmem>>, vector<1x16xf32>,
      %get3A_331 = vector.shape_cast %get3A_330 : vector<1x16xf32> to vector<16xf32>
      %add3A_332 = arith.addf %get3A_327, %get3A_331 : vector<16xf32>
      %swap3A_333 = arith.index_cast %scan3A_44 : i32 to index
      %swap3A_334 = arith.constant 320 : index
      %swap3A_335 = tpu.vector_load %arg8[%swap3A_333, %swap3A_334] {strides = array<i32>} : memref<32x1024xf32, #tpu.memory_space<vmem>>, vector<1x16xf32>,
      %swap3A_336 = vector.shape_cast %swap3A_335 : vector<1x16xf32> to vector<16xf32>
      %swap3A_337 = vector.shape_cast %add3A_332 : vector<16xf32> to vector<1x16xf32>
      tpu.vector_store %arg8[%swap3A_333, %swap3A_334], %swap3A_337 {strides = array<i32>} : memref<32x1024xf32, #tpu.memory_space<vmem>>, vector<1x16xf32>,
      %get3A_338 = arith.index_cast %scan3A_44 : i32 to index
      %get3A_339 = arith.constant 336 : index
      %get3A_340 = tpu.vector_load %arg8[%get3A_338, %get3A_339] {strides = array<i32>} : memref<32x1024xf32, #tpu.memory_space<vmem>>, vector<1x16xf32>,
      %get3A_341 = vector.shape_cast %get3A_340 : vector<1x16xf32> to vector<16xf32>
      %get3A_342 = arith.index_cast %scan3A_44 : i32 to index
      %get3A_343 = arith.constant 336 : index
      %get3A_344 = tpu.vector_load %arg9[%get3A_342, %get3A_343] {strides = array<i32>} : memref<32x1024xf32, #tpu.memory_space<vmem>>, vector<1x16xf32>,
      %get3A_345 = vector.shape_cast %get3A_344 : vector<1x16xf32> to vector<16xf32>
      %add3A_346 = arith.addf %get3A_341, %get3A_345 : vector<16xf32>
      %swap3A_347 = arith.index_cast %scan3A_44 : i32 to index
      %swap3A_348 = arith.constant 336 : index
      %swap3A_349 = tpu.vector_load %arg8[%swap3A_347, %swap3A_348] {strides = array<i32>} : memref<32x1024xf32, #tpu.memory_space<vmem>>, vector<1x16xf32>,
      %swap3A_350 = vector.shape_cast %swap3A_349 : vector<1x16xf32> to vector<16xf32>
      %swap3A_351 = vector.shape_cast %add3A_346 : vector<16xf32> to vector<1x16xf32>
      tpu.vector_store %arg8[%swap3A_347, %swap3A_348], %swap3A_351 {strides = array<i32>} : memref<32x1024xf32, #tpu.memory_space<vmem>>, vector<1x16xf32>,
      %get3A_352 = arith.index_cast %scan3A_44 : i32 to index
      %get3A_353 = arith.constant 352 : index
      %get3A_354 = tpu.vector_load %arg8[%get3A_352, %get3A_353] {strides = array<i32>} : memref<32x1024xf32, #tpu.memory_space<vmem>>, vector<1x16xf32>,
      %get3A_355 = vector.shape_cast %get3A_354 : vector<1x16xf32> to vector<16xf32>
      %get3A_356 = arith.index_cast %scan3A_44 : i32 to index
      %get3A_357 = arith.constant 352 : index
      %get3A_358 = tpu.vector_load %arg9[%get3A_356, %get3A_357] {strides = array<i32>} : memref<32x1024xf32, #tpu.memory_space<vmem>>, vector<1x16xf32>,
      %get3A_359 = vector.shape_cast %get3A_358 : vector<1x16xf32> to vector<16xf32>
      %add3A_360 = arith.addf %get3A_355, %get3A_359 : vector<16xf32>
      %swap3A_361 = arith.index_cast %scan3A_44 : i32 to index
      %swap3A_362 = arith.constant 352 : index
      %swap3A_363 = tpu.vector_load %arg8[%swap3A_361, %swap3A_362] {strides = array<i32>} : memref<32x1024xf32, #tpu.memory_space<vmem>>, vector<1x16xf32>,
      %swap3A_364 = vector.shape_cast %swap3A_363 : vector<1x16xf32> to vector<16xf32>
      %swap3A_365 = vector.shape_cast %add3A_360 : vector<16xf32> to vector<1x16xf32>
      tpu.vector_store %arg8[%swap3A_361, %swap3A_362], %swap3A_365 {strides = array<i32>} : memref<32x1024xf32, #tpu.memory_space<vmem>>, vector<1x16xf32>,
      %get3A_366 = arith.index_cast %scan3A_44 : i32 to index
      %get3A_367 = arith.constant 368 : index
      %get3A_368 = tpu.vector_load %arg8[%get3A_366, %get3A_367] {strides = array<i32>} : memref<32x1024xf32, #tpu.memory_space<vmem>>, vector<1x16xf32>,
      %get3A_369 = vector.shape_cast %get3A_368 : vector<1x16xf32> to vector<16xf32>
      %get3A_370 = arith.index_cast %scan3A_44 : i32 to index
      %get3A_371 = arith.constant 368 : index
      %get3A_372 = tpu.vector_load %arg9[%get3A_370, %get3A_371] {strides = array<i32>} : memref<32x1024xf32, #tpu.memory_space<vmem>>, vector<1x16xf32>,
      %get3A_373 = vector.shape_cast %get3A_372 : vector<1x16xf32> to vector<16xf32>
      %add3A_374 = arith.addf %get3A_369, %get3A_373 : vector<16xf32>
      %swap3A_375 = arith.index_cast %scan3A_44 : i32 to index
      %swap3A_376 = arith.constant 368 : index
      %swap3A_377 = tpu.vector_load %arg8[%swap3A_375, %swap3A_376] {strides = array<i32>} : memref<32x1024xf32, #tpu.memory_space<vmem>>, vector<1x16xf32>,
      %swap3A_378 = vector.shape_cast %swap3A_377 : vector<1x16xf32> to vector<16xf32>
      %swap3A_379 = vector.shape_cast %add3A_374 : vector<16xf32> to vector<1x16xf32>
      tpu.vector_store %arg8[%swap3A_375, %swap3A_376], %swap3A_379 {strides = array<i32>} : memref<32x1024xf32, #tpu.memory_space<vmem>>, vector<1x16xf32>,
      %get3A_380 = arith.index_cast %scan3A_44 : i32 to index
      %get3A_381 = arith.constant 384 : index
      %get3A_382 = tpu.vector_load %arg8[%get3A_380, %get3A_381] {strides = array<i32>} : memref<32x1024xf32, #tpu.memory_space<vmem>>, vector<1x16xf32>,
      %get3A_383 = vector.shape_cast %get3A_382 : vector<1x16xf32> to vector<16xf32>
      %get3A_384 = arith.index_cast %scan3A_44 : i32 to index
      %get3A_385 = arith.constant 384 : index
      %get3A_386 = tpu.vector_load %arg9[%get3A_384, %get3A_385] {strides = array<i32>} : memref<32x1024xf32, #tpu.memory_space<vmem>>, vector<1x16xf32>,
      %get3A_387 = vector.shape_cast %get3A_386 : vector<1x16xf32> to vector<16xf32>
      %add3A_388 = arith.addf %get3A_383, %get3A_387 : vector<16xf32>
      %swap3A_389 = arith.index_cast %scan3A_44 : i32 to index
      %swap3A_390 = arith.constant 384 : index
      %swap3A_391 = tpu.vector_load %arg8[%swap3A_389, %swap3A_390] {strides = array<i32>} : memref<32x1024xf32, #tpu.memory_space<vmem>>, vector<1x16xf32>,
      %swap3A_392 = vector.shape_cast %swap3A_391 : vector<1x16xf32> to vector<16xf32>
      %swap3A_393 = vector.shape_cast %add3A_388 : vector<16xf32> to vector<1x16xf32>
      tpu.vector_store %arg8[%swap3A_389, %swap3A_390], %swap3A_393 {strides = array<i32>} : memref<32x1024xf32, #tpu.memory_space<vmem>>, vector<1x16xf32>,
      %get3A_394 = arith.index_cast %scan3A_44 : i32 to index
      %get3A_395 = arith.constant 400 : index
      %get3A_396 = tpu.vector_load %arg8[%get3A_394, %get3A_395] {strides = array<i32>} : memref<32x1024xf32, #tpu.memory_space<vmem>>, vector<1x16xf32>,
      %get3A_397 = vector.shape_cast %get3A_396 : vector<1x16xf32> to vector<16xf32>
      %get3A_398 = arith.index_cast %scan3A_44 : i32 to index
      %get3A_399 = arith.constant 400 : index
      %get3A_400 = tpu.vector_load %arg9[%get3A_398, %get3A_399] {strides = array<i32>} : memref<32x1024xf32, #tpu.memory_space<vmem>>, vector<1x16xf32>,
      %get3A_401 = vector.shape_cast %get3A_400 : vector<1x16xf32> to vector<16xf32>
      %add3A_402 = arith.addf %get3A_397, %get3A_401 : vector<16xf32>
      %swap3A_403 = arith.index_cast %scan3A_44 : i32 to index
      %swap3A_404 = arith.constant 400 : index
      %swap3A_405 = tpu.vector_load %arg8[%swap3A_403, %swap3A_404] {strides = array<i32>} : memref<32x1024xf32, #tpu.memory_space<vmem>>, vector<1x16xf32>,
      %swap3A_406 = vector.shape_cast %swap3A_405 : vector<1x16xf32> to vector<16xf32>
      %swap3A_407 = vector.shape_cast %add3A_402 : vector<16xf32> to vector<1x16xf32>
      tpu.vector_store %arg8[%swap3A_403, %swap3A_404], %swap3A_407 {strides = array<i32>} : memref<32x1024xf32, #tpu.memory_space<vmem>>, vector<1x16xf32>,
      %get3A_408 = arith.index_cast %scan3A_44 : i32 to index
      %get3A_409 = arith.constant 416 : index
      %get3A_410 = tpu.vector_load %arg8[%get3A_408, %get3A_409] {strides = array<i32>} : memref<32x1024xf32, #tpu.memory_space<vmem>>, vector<1x16xf32>,
      %get3A_411 = vector.shape_cast %get3A_410 : vector<1x16xf32> to vector<16xf32>
      %get3A_412 = arith.index_cast %scan3A_44 : i32 to index
      %get3A_413 = arith.constant 416 : index
      %get3A_414 = tpu.vector_load %arg9[%get3A_412, %get3A_413] {strides = array<i32>} : memref<32x1024xf32, #tpu.memory_space<vmem>>, vector<1x16xf32>,
      %get3A_415 = vector.shape_cast %get3A_414 : vector<1x16xf32> to vector<16xf32>
      %add3A_416 = arith.addf %get3A_411, %get3A_415 : vector<16xf32>
      %swap3A_417 = arith.index_cast %scan3A_44 : i32 to index
      %swap3A_418 = arith.constant 416 : index
      %swap3A_419 = tpu.vector_load %arg8[%swap3A_417, %swap3A_418] {strides = array<i32>} : memref<32x1024xf32, #tpu.memory_space<vmem>>, vector<1x16xf32>,
      %swap3A_420 = vector.shape_cast %swap3A_419 : vector<1x16xf32> to vector<16xf32>
      %swap3A_421 = vector.shape_cast %add3A_416 : vector<16xf32> to vector<1x16xf32>
      tpu.vector_store %arg8[%swap3A_417, %swap3A_418], %swap3A_421 {strides = array<i32>} : memref<32x1024xf32, #tpu.memory_space<vmem>>, vector<1x16xf32>,
      %get3A_422 = arith.index_cast %scan3A_44 : i32 to index
      %get3A_423 = arith.constant 432 : index
      %get3A_424 = tpu.vector_load %arg8[%get3A_422, %get3A_423] {strides = array<i32>} : memref<32x1024xf32, #tpu.memory_space<vmem>>, vector<1x16xf32>,
      %get3A_425 = vector.shape_cast %get3A_424 : vector<1x16xf32> to vector<16xf32>
      %get3A_426 = arith.index_cast %scan3A_44 : i32 to index
      %get3A_427 = arith.constant 432 : index
      %get3A_428 = tpu.vector_load %arg9[%get3A_426, %get3A_427] {strides = array<i32>} : memref<32x1024xf32, #tpu.memory_space<vmem>>, vector<1x16xf32>,
      %get3A_429 = vector.shape_cast %get3A_428 : vector<1x16xf32> to vector<16xf32>
      %add3A_430 = arith.addf %get3A_425, %get3A_429 : vector<16xf32>
      %swap3A_431 = arith.index_cast %scan3A_44 : i32 to index
      %swap3A_432 = arith.constant 432 : index
      %swap3A_433 = tpu.vector_load %arg8[%swap3A_431, %swap3A_432] {strides = array<i32>} : memref<32x1024xf32, #tpu.memory_space<vmem>>, vector<1x16xf32>,
      %swap3A_434 = vector.shape_cast %swap3A_433 : vector<1x16xf32> to vector<16xf32>
      %swap3A_435 = vector.shape_cast %add3A_430 : vector<16xf32> to vector<1x16xf32>
      tpu.vector_store %arg8[%swap3A_431, %swap3A_432], %swap3A_435 {strides = array<i32>} : memref<32x1024xf32, #tpu.memory_space<vmem>>, vector<1x16xf32>,
      %get3A_436 = arith.index_cast %scan3A_44 : i32 to index
      %get3A_437 = arith.constant 448 : index
      %get3A_438 = tpu.vector_load %arg8[%get3A_436, %get3A_437] {strides = array<i32>} : memref<32x1024xf32, #tpu.memory_space<vmem>>, vector<1x16xf32>,
      %get3A_439 = vector.shape_cast %get3A_438 : vector<1x16xf32> to vector<16xf32>
      %get3A_440 = arith.index_cast %scan3A_44 : i32 to index
      %get3A_441 = arith.constant 448 : index
      %get3A_442 = tpu.vector_load %arg9[%get3A_440, %get3A_441] {strides = array<i32>} : memref<32x1024xf32, #tpu.memory_space<vmem>>, vector<1x16xf32>,
      %get3A_443 = vector.shape_cast %get3A_442 : vector<1x16xf32> to vector<16xf32>
      %add3A_444 = arith.addf %get3A_439, %get3A_443 : vector<16xf32>
      %swap3A_445 = arith.index_cast %scan3A_44 : i32 to index
      %swap3A_446 = arith.constant 448 : index
      %swap3A_447 = tpu.vector_load %arg8[%swap3A_445, %swap3A_446] {strides = array<i32>} : memref<32x1024xf32, #tpu.memory_space<vmem>>, vector<1x16xf32>,
      %swap3A_448 = vector.shape_cast %swap3A_447 : vector<1x16xf32> to vector<16xf32>
      %swap3A_449 = vector.shape_cast %add3A_444 : vector<16xf32> to vector<1x16xf32>
      tpu.vector_store %arg8[%swap3A_445, %swap3A_446], %swap3A_449 {strides = array<i32>} : memref<32x1024xf32, #tpu.memory_space<vmem>>, vector<1x16xf32>,
      %get3A_450 = arith.index_cast %scan3A_44 : i32 to index
      %get3A_451 = arith.constant 464 : index
      %get3A_452 = tpu.vector_load %arg8[%get3A_450, %get3A_451] {strides = array<i32>} : memref<32x1024xf32, #tpu.memory_space<vmem>>, vector<1x16xf32>,
      %get3A_453 = vector.shape_cast %get3A_452 : vector<1x16xf32> to vector<16xf32>
      %get3A_454 = arith.index_cast %scan3A_44 : i32 to index
      %get3A_455 = arith.constant 464 : index
      %get3A_456 = tpu.vector_load %arg9[%get3A_454, %get3A_455] {strides = array<i32>} : memref<32x1024xf32, #tpu.memory_space<vmem>>, vector<1x16xf32>,
      %get3A_457 = vector.shape_cast %get3A_456 : vector<1x16xf32> to vector<16xf32>
      %add3A_458 = arith.addf %get3A_453, %get3A_457 : vector<16xf32>
      %swap3A_459 = arith.index_cast %scan3A_44 : i32 to index
      %swap3A_460 = arith.constant 464 : index
      %swap3A_461 = tpu.vector_load %arg8[%swap3A_459, %swap3A_460] {strides = array<i32>} : memref<32x1024xf32, #tpu.memory_space<vmem>>, vector<1x16xf32>,
      %swap3A_462 = vector.shape_cast %swap3A_461 : vector<1x16xf32> to vector<16xf32>
      %swap3A_463 = vector.shape_cast %add3A_458 : vector<16xf32> to vector<1x16xf32>
      tpu.vector_store %arg8[%swap3A_459, %swap3A_460], %swap3A_463 {strides = array<i32>} : memref<32x1024xf32, #tpu.memory_space<vmem>>, vector<1x16xf32>,
      %get3A_464 = arith.index_cast %scan3A_44 : i32 to index
      %get3A_465 = arith.constant 480 : index
      %get3A_466 = tpu.vector_load %arg8[%get3A_464, %get3A_465] {strides = array<i32>} : memref<32x1024xf32, #tpu.memory_space<vmem>>, vector<1x16xf32>,
      %get3A_467 = vector.shape_cast %get3A_466 : vector<1x16xf32> to vector<16xf32>
      %get3A_468 = arith.index_cast %scan3A_44 : i32 to index
      %get3A_469 = arith.constant 480 : index
      %get3A_470 = tpu.vector_load %arg9[%get3A_468, %get3A_469] {strides = array<i32>} : memref<32x1024xf32, #tpu.memory_space<vmem>>, vector<1x16xf32>,
      %get3A_471 = vector.shape_cast %get3A_470 : vector<1x16xf32> to vector<16xf32>
      %add3A_472 = arith.addf %get3A_467, %get3A_471 : vector<16xf32>
      %swap3A_473 = arith.index_cast %scan3A_44 : i32 to index
      %swap3A_474 = arith.constant 480 : index
      %swap3A_475 = tpu.vector_load %arg8[%swap3A_473, %swap3A_474] {strides = array<i32>} : memref<32x1024xf32, #tpu.memory_space<vmem>>, vector<1x16xf32>,
      %swap3A_476 = vector.shape_cast %swap3A_475 : vector<1x16xf32> to vector<16xf32>
      %swap3A_477 = vector.shape_cast %add3A_472 : vector<16xf32> to vector<1x16xf32>
      tpu.vector_store %arg8[%swap3A_473, %swap3A_474], %swap3A_477 {strides = array<i32>} : memref<32x1024xf32, #tpu.memory_space<vmem>>, vector<1x16xf32>,
      %get3A_478 = arith.index_cast %scan3A_44 : i32 to index
      %get3A_479 = arith.constant 496 : index
      %get3A_480 = tpu.vector_load %arg8[%get3A_478, %get3A_479] {strides = array<i32>} : memref<32x1024xf32, #tpu.memory_space<vmem>>, vector<1x16xf32>,
      %get3A_481 = vector.shape_cast %get3A_480 : vector<1x16xf32> to vector<16xf32>
      %get3A_482 = arith.index_cast %scan3A_44 : i32 to index
      %get3A_483 = arith.constant 496 : index
      %get3A_484 = tpu.vector_load %arg9[%get3A_482, %get3A_483] {strides = array<i32>} : memref<32x1024xf32, #tpu.memory_space<vmem>>, vector<1x16xf32>,
      %get3A_485 = vector.shape_cast %get3A_484 : vector<1x16xf32> to vector<16xf32>
      %add3A_486 = arith.addf %get3A_481, %get3A_485 : vector<16xf32>
      %swap3A_487 = arith.index_cast %scan3A_44 : i32 to index
      %swap3A_488 = arith.constant 496 : index
      %swap3A_489 = tpu.vector_load %arg8[%swap3A_487, %swap3A_488] {strides = array<i32>} : memref<32x1024xf32, #tpu.memory_space<vmem>>, vector<1x16xf32>,
      %swap3A_490 = vector.shape_cast %swap3A_489 : vector<1x16xf32> to vector<16xf32>
      %swap3A_491 = vector.shape_cast %add3A_486 : vector<16xf32> to vector<1x16xf32>
      tpu.vector_store %arg8[%swap3A_487, %swap3A_488], %swap3A_491 {strides = array<i32>} : memref<32x1024xf32, #tpu.memory_space<vmem>>, vector<1x16xf32>,
      %get3A_492 = arith.index_cast %scan3A_44 : i32 to index
      %get3A_493 = arith.constant 512 : index
      %get3A_494 = tpu.vector_load %arg8[%get3A_492, %get3A_493] {strides = array<i32>} : memref<32x1024xf32, #tpu.memory_space<vmem>>, vector<1x16xf32>,
      %get3A_495 = vector.shape_cast %get3A_494 : vector<1x16xf32> to vector<16xf32>
      %get3A_496 = arith.index_cast %scan3A_44 : i32 to index
      %get3A_497 = arith.constant 512 : index
      %get3A_498 = tpu.vector_load %arg9[%get3A_496, %get3A_497] {strides = array<i32>} : memref<32x1024xf32, #tpu.memory_space<vmem>>, vector<1x16xf32>,
      %get3A_499 = vector.shape_cast %get3A_498 : vector<1x16xf32> to vector<16xf32>
      %add3A_500 = arith.addf %get3A_495, %get3A_499 : vector<16xf32>
      %swap3A_501 = arith.index_cast %scan3A_44 : i32 to index
      %swap3A_502 = arith.constant 512 : index
      %swap3A_503 = tpu.vector_load %arg8[%swap3A_501, %swap3A_502] {strides = array<i32>} : memref<32x1024xf32, #tpu.memory_space<vmem>>, vector<1x16xf32>,
      %swap3A_504 = vector.shape_cast %swap3A_503 : vector<1x16xf32> to vector<16xf32>
      %swap3A_505 = vector.shape_cast %add3A_500 : vector<16xf32> to vector<1x16xf32>
      tpu.vector_store %arg8[%swap3A_501, %swap3A_502], %swap3A_505 {strides = array<i32>} : memref<32x1024xf32, #tpu.memory_space<vmem>>, vector<1x16xf32>,
      %get3A_506 = arith.index_cast %scan3A_44 : i32 to index
      %get3A_507 = arith.constant 528 : index
      %get3A_508 = tpu.vector_load %arg8[%get3A_506, %get3A_507] {strides = array<i32>} : memref<32x1024xf32, #tpu.memory_space<vmem>>, vector<1x16xf32>,
      %get3A_509 = vector.shape_cast %get3A_508 : vector<1x16xf32> to vector<16xf32>
      %get3A_510 = arith.index_cast %scan3A_44 : i32 to index
      %get3A_511 = arith.constant 528 : index
      %get3A_512 = tpu.vector_load %arg9[%get3A_510, %get3A_511] {strides = array<i32>} : memref<32x1024xf32, #tpu.memory_space<vmem>>, vector<1x16xf32>,
      %get3A_513 = vector.shape_cast %get3A_512 : vector<1x16xf32> to vector<16xf32>
      %add3A_514 = arith.addf %get3A_509, %get3A_513 : vector<16xf32>
      %swap3A_515 = arith.index_cast %scan3A_44 : i32 to index
      %swap3A_516 = arith.constant 528 : index
      %swap3A_517 = tpu.vector_load %arg8[%swap3A_515, %swap3A_516] {strides = array<i32>} : memref<32x1024xf32, #tpu.memory_space<vmem>>, vector<1x16xf32>,
      %swap3A_518 = vector.shape_cast %swap3A_517 : vector<1x16xf32> to vector<16xf32>
      %swap3A_519 = vector.shape_cast %add3A_514 : vector<16xf32> to vector<1x16xf32>
      tpu.vector_store %arg8[%swap3A_515, %swap3A_516], %swap3A_519 {strides = array<i32>} : memref<32x1024xf32, #tpu.memory_space<vmem>>, vector<1x16xf32>,
      %get3A_520 = arith.index_cast %scan3A_44 : i32 to index
      %get3A_521 = arith.constant 544 : index
      %get3A_522 = tpu.vector_load %arg8[%get3A_520, %get3A_521] {strides = array<i32>} : memref<32x1024xf32, #tpu.memory_space<vmem>>, vector<1x16xf32>,
      %get3A_523 = vector.shape_cast %get3A_522 : vector<1x16xf32> to vector<16xf32>
      %get3A_524 = arith.index_cast %scan3A_44 : i32 to index
      %get3A_525 = arith.constant 544 : index
      %get3A_526 = tpu.vector_load %arg9[%get3A_524, %get3A_525] {strides = array<i32>} : memref<32x1024xf32, #tpu.memory_space<vmem>>, vector<1x16xf32>,
      %get3A_527 = vector.shape_cast %get3A_526 : vector<1x16xf32> to vector<16xf32>
      %add3A_528 = arith.addf %get3A_523, %get3A_527 : vector<16xf32>
      %swap3A_529 = arith.index_cast %scan3A_44 : i32 to index
      %swap3A_530 = arith.constant 544 : index
      %swap3A_531 = tpu.vector_load %arg8[%swap3A_529, %swap3A_530] {strides = array<i32>} : memref<32x1024xf32, #tpu.memory_space<vmem>>, vector<1x16xf32>,
      %swap3A_532 = vector.shape_cast %swap3A_531 : vector<1x16xf32> to vector<16xf32>
      %swap3A_533 = vector.shape_cast %add3A_528 : vector<16xf32> to vector<1x16xf32>
      tpu.vector_store %arg8[%swap3A_529, %swap3A_530], %swap3A_533 {strides = array<i32>} : memref<32x1024xf32, #tpu.memory_space<vmem>>, vector<1x16xf32>,
      %get3A_534 = arith.index_cast %scan3A_44 : i32 to index
      %get3A_535 = arith.constant 560 : index
      %get3A_536 = tpu.vector_load %arg8[%get3A_534, %get3A_535] {strides = array<i32>} : memref<32x1024xf32, #tpu.memory_space<vmem>>, vector<1x16xf32>,
      %get3A_537 = vector.shape_cast %get3A_536 : vector<1x16xf32> to vector<16xf32>
      %get3A_538 = arith.index_cast %scan3A_44 : i32 to index
      %get3A_539 = arith.constant 560 : index
      %get3A_540 = tpu.vector_load %arg9[%get3A_538, %get3A_539] {strides = array<i32>} : memref<32x1024xf32, #tpu.memory_space<vmem>>, vector<1x16xf32>,
      %get3A_541 = vector.shape_cast %get3A_540 : vector<1x16xf32> to vector<16xf32>
      %add3A_542 = arith.addf %get3A_537, %get3A_541 : vector<16xf32>
      %swap3A_543 = arith.index_cast %scan3A_44 : i32 to index
      %swap3A_544 = arith.constant 560 : index
      %swap3A_545 = tpu.vector_load %arg8[%swap3A_543, %swap3A_544] {strides = array<i32>} : memref<32x1024xf32, #tpu.memory_space<vmem>>, vector<1x16xf32>,
      %swap3A_546 = vector.shape_cast %swap3A_545 : vector<1x16xf32> to vector<16xf32>
      %swap3A_547 = vector.shape_cast %add3A_542 : vector<16xf32> to vector<1x16xf32>
      tpu.vector_store %arg8[%swap3A_543, %swap3A_544], %swap3A_547 {strides = array<i32>} : memref<32x1024xf32, #tpu.memory_space<vmem>>, vector<1x16xf32>,
      %get3A_548 = arith.index_cast %scan3A_44 : i32 to index
      %get3A_549 = arith.constant 576 : index
      %get3A_550 = tpu.vector_load %arg8[%get3A_548, %get3A_549] {strides = array<i32>} : memref<32x1024xf32, #tpu.memory_space<vmem>>, vector<1x16xf32>,
      %get3A_551 = vector.shape_cast %get3A_550 : vector<1x16xf32> to vector<16xf32>
      %get3A_552 = arith.index_cast %scan3A_44 : i32 to index
      %get3A_553 = arith.constant 576 : index
      %get3A_554 = tpu.vector_load %arg9[%get3A_552, %get3A_553] {strides = array<i32>} : memref<32x1024xf32, #tpu.memory_space<vmem>>, vector<1x16xf32>,
      %get3A_555 = vector.shape_cast %get3A_554 : vector<1x16xf32> to vector<16xf32>
      %add3A_556 = arith.addf %get3A_551, %get3A_555 : vector<16xf32>
      %swap3A_557 = arith.index_cast %scan3A_44 : i32 to index
      %swap3A_558 = arith.constant 576 : index
      %swap3A_559 = tpu.vector_load %arg8[%swap3A_557, %swap3A_558] {strides = array<i32>} : memref<32x1024xf32, #tpu.memory_space<vmem>>, vector<1x16xf32>,
      %swap3A_560 = vector.shape_cast %swap3A_559 : vector<1x16xf32> to vector<16xf32>
      %swap3A_561 = vector.shape_cast %add3A_556 : vector<16xf32> to vector<1x16xf32>
      tpu.vector_store %arg8[%swap3A_557, %swap3A_558], %swap3A_561 {strides = array<i32>} : memref<32x1024xf32, #tpu.memory_space<vmem>>, vector<1x16xf32>,
      %get3A_562 = arith.index_cast %scan3A_44 : i32 to index
      %get3A_563 = arith.constant 592 : index
      %get3A_564 = tpu.vector_load %arg8[%get3A_562, %get3A_563] {strides = array<i32>} : memref<32x1024xf32, #tpu.memory_space<vmem>>, vector<1x16xf32>,
      %get3A_565 = vector.shape_cast %get3A_564 : vector<1x16xf32> to vector<16xf32>
      %get3A_566 = arith.index_cast %scan3A_44 : i32 to index
      %get3A_567 = arith.constant 592 : index
      %get3A_568 = tpu.vector_load %arg9[%get3A_566, %get3A_567] {strides = array<i32>} : memref<32x1024xf32, #tpu.memory_space<vmem>>, vector<1x16xf32>,
      %get3A_569 = vector.shape_cast %get3A_568 : vector<1x16xf32> to vector<16xf32>
      %add3A_570 = arith.addf %get3A_565, %get3A_569 : vector<16xf32>
      %swap3A_571 = arith.index_cast %scan3A_44 : i32 to index
      %swap3A_572 = arith.constant 592 : index
      %swap3A_573 = tpu.vector_load %arg8[%swap3A_571, %swap3A_572] {strides = array<i32>} : memref<32x1024xf32, #tpu.memory_space<vmem>>, vector<1x16xf32>,
      %swap3A_574 = vector.shape_cast %swap3A_573 : vector<1x16xf32> to vector<16xf32>
      %swap3A_575 = vector.shape_cast %add3A_570 : vector<16xf32> to vector<1x16xf32>
      tpu.vector_store %arg8[%swap3A_571, %swap3A_572], %swap3A_575 {strides = array<i32>} : memref<32x1024xf32, #tpu.memory_space<vmem>>, vector<1x16xf32>,
      %get3A_576 = arith.index_cast %scan3A_44 : i32 to index
      %get3A_577 = arith.constant 608 : index
      %get3A_578 = tpu.vector_load %arg8[%get3A_576, %get3A_577] {strides = array<i32>} : memref<32x1024xf32, #tpu.memory_space<vmem>>, vector<1x16xf32>,
      %get3A_579 = vector.shape_cast %get3A_578 : vector<1x16xf32> to vector<16xf32>
      %get3A_580 = arith.index_cast %scan3A_44 : i32 to index
      %get3A_581 = arith.constant 608 : index
      %get3A_582 = tpu.vector_load %arg9[%get3A_580, %get3A_581] {strides = array<i32>} : memref<32x1024xf32, #tpu.memory_space<vmem>>, vector<1x16xf32>,
      %get3A_583 = vector.shape_cast %get3A_582 : vector<1x16xf32> to vector<16xf32>
      %add3A_584 = arith.addf %get3A_579, %get3A_583 : vector<16xf32>
      %swap3A_585 = arith.index_cast %scan3A_44 : i32 to index
      %swap3A_586 = arith.constant 608 : index
      %swap3A_587 = tpu.vector_load %arg8[%swap3A_585, %swap3A_586] {strides = array<i32>} : memref<32x1024xf32, #tpu.memory_space<vmem>>, vector<1x16xf32>,
      %swap3A_588 = vector.shape_cast %swap3A_587 : vector<1x16xf32> to vector<16xf32>
      %swap3A_589 = vector.shape_cast %add3A_584 : vector<16xf32> to vector<1x16xf32>
      tpu.vector_store %arg8[%swap3A_585, %swap3A_586], %swap3A_589 {strides = array<i32>} : memref<32x1024xf32, #tpu.memory_space<vmem>>, vector<1x16xf32>,
      %get3A_590 = arith.index_cast %scan3A_44 : i32 to index
      %get3A_591 = arith.constant 624 : index
      %get3A_592 = tpu.vector_load %arg8[%get3A_590, %get3A_591] {strides = array<i32>} : memref<32x1024xf32, #tpu.memory_space<vmem>>, vector<1x16xf32>,
      %get3A_593 = vector.shape_cast %get3A_592 : vector<1x16xf32> to vector<16xf32>
      %get3A_594 = arith.index_cast %scan3A_44 : i32 to index
      %get3A_595 = arith.constant 624 : index
      %get3A_596 = tpu.vector_load %arg9[%get3A_594, %get3A_595] {strides = array<i32>} : memref<32x1024xf32, #tpu.memory_space<vmem>>, vector<1x16xf32>,
      %get3A_597 = vector.shape_cast %get3A_596 : vector<1x16xf32> to vector<16xf32>
      %add3A_598 = arith.addf %get3A_593, %get3A_597 : vector<16xf32>
      %swap3A_599 = arith.index_cast %scan3A_44 : i32 to index
      %swap3A_600 = arith.constant 624 : index
      %swap3A_601 = tpu.vector_load %arg8[%swap3A_599, %swap3A_600] {strides = array<i32>} : memref<32x1024xf32, #tpu.memory_space<vmem>>, vector<1x16xf32>,
      %swap3A_602 = vector.shape_cast %swap3A_601 : vector<1x16xf32> to vector<16xf32>
      %swap3A_603 = vector.shape_cast %add3A_598 : vector<16xf32> to vector<1x16xf32>
      tpu.vector_store %arg8[%swap3A_599, %swap3A_600], %swap3A_603 {strides = array<i32>} : memref<32x1024xf32, #tpu.memory_space<vmem>>, vector<1x16xf32>,
      %get3A_604 = arith.index_cast %scan3A_44 : i32 to index
      %get3A_605 = arith.constant 640 : index
      %get3A_606 = tpu.vector_load %arg8[%get3A_604, %get3A_605] {strides = array<i32>} : memref<32x1024xf32, #tpu.memory_space<vmem>>, vector<1x16xf32>,
      %get3A_607 = vector.shape_cast %get3A_606 : vector<1x16xf32> to vector<16xf32>
      %get3A_608 = arith.index_cast %scan3A_44 : i32 to index
      %get3A_609 = arith.constant 640 : index
      %get3A_610 = tpu.vector_load %arg9[%get3A_608, %get3A_609] {strides = array<i32>} : memref<32x1024xf32, #tpu.memory_space<vmem>>, vector<1x16xf32>,
      %get3A_611 = vector.shape_cast %get3A_610 : vector<1x16xf32> to vector<16xf32>
      %add3A_612 = arith.addf %get3A_607, %get3A_611 : vector<16xf32>
      %swap3A_613 = arith.index_cast %scan3A_44 : i32 to index
      %swap3A_614 = arith.constant 640 : index
      %swap3A_615 = tpu.vector_load %arg8[%swap3A_613, %swap3A_614] {strides = array<i32>} : memref<32x1024xf32, #tpu.memory_space<vmem>>, vector<1x16xf32>,
      %swap3A_616 = vector.shape_cast %swap3A_615 : vector<1x16xf32> to vector<16xf32>
      %swap3A_617 = vector.shape_cast %add3A_612 : vector<16xf32> to vector<1x16xf32>
      tpu.vector_store %arg8[%swap3A_613, %swap3A_614], %swap3A_617 {strides = array<i32>} : memref<32x1024xf32, #tpu.memory_space<vmem>>, vector<1x16xf32>,
      %get3A_618 = arith.index_cast %scan3A_44 : i32 to index
      %get3A_619 = arith.constant 656 : index
      %get3A_620 = tpu.vector_load %arg8[%get3A_618, %get3A_619] {strides = array<i32>} : memref<32x1024xf32, #tpu.memory_space<vmem>>, vector<1x16xf32>,
      %get3A_621 = vector.shape_cast %get3A_620 : vector<1x16xf32> to vector<16xf32>
      %get3A_622 = arith.index_cast %scan3A_44 : i32 to index
      %get3A_623 = arith.constant 656 : index
      %get3A_624 = tpu.vector_load %arg9[%get3A_622, %get3A_623] {strides = array<i32>} : memref<32x1024xf32, #tpu.memory_space<vmem>>, vector<1x16xf32>,
      %get3A_625 = vector.shape_cast %get3A_624 : vector<1x16xf32> to vector<16xf32>
      %add3A_626 = arith.addf %get3A_621, %get3A_625 : vector<16xf32>
      %swap3A_627 = arith.index_cast %scan3A_44 : i32 to index
      %swap3A_628 = arith.constant 656 : index
      %swap3A_629 = tpu.vector_load %arg8[%swap3A_627, %swap3A_628] {strides = array<i32>} : memref<32x1024xf32, #tpu.memory_space<vmem>>, vector<1x16xf32>,
      %swap3A_630 = vector.shape_cast %swap3A_629 : vector<1x16xf32> to vector<16xf32>
      %swap3A_631 = vector.shape_cast %add3A_626 : vector<16xf32> to vector<1x16xf32>
      tpu.vector_store %arg8[%swap3A_627, %swap3A_628], %swap3A_631 {strides = array<i32>} : memref<32x1024xf32, #tpu.memory_space<vmem>>, vector<1x16xf32>,
      %get3A_632 = arith.index_cast %scan3A_44 : i32 to index
      %get3A_633 = arith.constant 672 : index
      %get3A_634 = tpu.vector_load %arg8[%get3A_632, %get3A_633] {strides = array<i32>} : memref<32x1024xf32, #tpu.memory_space<vmem>>, vector<1x16xf32>,
      %get3A_635 = vector.shape_cast %get3A_634 : vector<1x16xf32> to vector<16xf32>
      %get3A_636 = arith.index_cast %scan3A_44 : i32 to index
      %get3A_637 = arith.constant 672 : index
      %get3A_638 = tpu.vector_load %arg9[%get3A_636, %get3A_637] {strides = array<i32>} : memref<32x1024xf32, #tpu.memory_space<vmem>>, vector<1x16xf32>,
      %get3A_639 = vector.shape_cast %get3A_638 : vector<1x16xf32> to vector<16xf32>
      %add3A_640 = arith.addf %get3A_635, %get3A_639 : vector<16xf32>
      %swap3A_641 = arith.index_cast %scan3A_44 : i32 to index
      %swap3A_642 = arith.constant 672 : index
      %swap3A_643 = tpu.vector_load %arg8[%swap3A_641, %swap3A_642] {strides = array<i32>} : memref<32x1024xf32, #tpu.memory_space<vmem>>, vector<1x16xf32>,
      %swap3A_644 = vector.shape_cast %swap3A_643 : vector<1x16xf32> to vector<16xf32>
      %swap3A_645 = vector.shape_cast %add3A_640 : vector<16xf32> to vector<1x16xf32>
      tpu.vector_store %arg8[%swap3A_641, %swap3A_642], %swap3A_645 {strides = array<i32>} : memref<32x1024xf32, #tpu.memory_space<vmem>>, vector<1x16xf32>,
      %get3A_646 = arith.index_cast %scan3A_44 : i32 to index
      %get3A_647 = arith.constant 688 : index
      %get3A_648 = tpu.vector_load %arg8[%get3A_646, %get3A_647] {strides = array<i32>} : memref<32x1024xf32, #tpu.memory_space<vmem>>, vector<1x16xf32>,
      %get3A_649 = vector.shape_cast %get3A_648 : vector<1x16xf32> to vector<16xf32>
      %get3A_650 = arith.index_cast %scan3A_44 : i32 to index
      %get3A_651 = arith.constant 688 : index
      %get3A_652 = tpu.vector_load %arg9[%get3A_650, %get3A_651] {strides = array<i32>} : memref<32x1024xf32, #tpu.memory_space<vmem>>, vector<1x16xf32>,
      %get3A_653 = vector.shape_cast %get3A_652 : vector<1x16xf32> to vector<16xf32>
      %add3A_654 = arith.addf %get3A_649, %get3A_653 : vector<16xf32>
      %swap3A_655 = arith.index_cast %scan3A_44 : i32 to index
      %swap3A_656 = arith.constant 688 : index
      %swap3A_657 = tpu.vector_load %arg8[%swap3A_655, %swap3A_656] {strides = array<i32>} : memref<32x1024xf32, #tpu.memory_space<vmem>>, vector<1x16xf32>,
      %swap3A_658 = vector.shape_cast %swap3A_657 : vector<1x16xf32> to vector<16xf32>
      %swap3A_659 = vector.shape_cast %add3A_654 : vector<16xf32> to vector<1x16xf32>
      tpu.vector_store %arg8[%swap3A_655, %swap3A_656], %swap3A_659 {strides = array<i32>} : memref<32x1024xf32, #tpu.memory_space<vmem>>, vector<1x16xf32>,
      %get3A_660 = arith.index_cast %scan3A_44 : i32 to index
      %get3A_661 = arith.constant 704 : index
      %get3A_662 = tpu.vector_load %arg8[%get3A_660, %get3A_661] {strides = array<i32>} : memref<32x1024xf32, #tpu.memory_space<vmem>>, vector<1x16xf32>,
      %get3A_663 = vector.shape_cast %get3A_662 : vector<1x16xf32> to vector<16xf32>
      %get3A_664 = arith.index_cast %scan3A_44 : i32 to index
      %get3A_665 = arith.constant 704 : index
      %get3A_666 = tpu.vector_load %arg9[%get3A_664, %get3A_665] {strides = array<i32>} : memref<32x1024xf32, #tpu.memory_space<vmem>>, vector<1x16xf32>,
      %get3A_667 = vector.shape_cast %get3A_666 : vector<1x16xf32> to vector<16xf32>
      %add3A_668 = arith.addf %get3A_663, %get3A_667 : vector<16xf32>
      %swap3A_669 = arith.index_cast %scan3A_44 : i32 to index
      %swap3A_670 = arith.constant 704 : index
      %swap3A_671 = tpu.vector_load %arg8[%swap3A_669, %swap3A_670] {strides = array<i32>} : memref<32x1024xf32, #tpu.memory_space<vmem>>, vector<1x16xf32>,
      %swap3A_672 = vector.shape_cast %swap3A_671 : vector<1x16xf32> to vector<16xf32>
      %swap3A_673 = vector.shape_cast %add3A_668 : vector<16xf32> to vector<1x16xf32>
      tpu.vector_store %arg8[%swap3A_669, %swap3A_670], %swap3A_673 {strides = array<i32>} : memref<32x1024xf32, #tpu.memory_space<vmem>>, vector<1x16xf32>,
      %get3A_674 = arith.index_cast %scan3A_44 : i32 to index
      %get3A_675 = arith.constant 720 : index
      %get3A_676 = tpu.vector_load %arg8[%get3A_674, %get3A_675] {strides = array<i32>} : memref<32x1024xf32, #tpu.memory_space<vmem>>, vector<1x16xf32>,
      %get3A_677 = vector.shape_cast %get3A_676 : vector<1x16xf32> to vector<16xf32>
      %get3A_678 = arith.index_cast %scan3A_44 : i32 to index
      %get3A_679 = arith.constant 720 : index
      %get3A_680 = tpu.vector_load %arg9[%get3A_678, %get3A_679] {strides = array<i32>} : memref<32x1024xf32, #tpu.memory_space<vmem>>, vector<1x16xf32>,
      %get3A_681 = vector.shape_cast %get3A_680 : vector<1x16xf32> to vector<16xf32>
      %add3A_682 = arith.addf %get3A_677, %get3A_681 : vector<16xf32>
      %swap3A_683 = arith.index_cast %scan3A_44 : i32 to index
      %swap3A_684 = arith.constant 720 : index
      %swap3A_685 = tpu.vector_load %arg8[%swap3A_683, %swap3A_684] {strides = array<i32>} : memref<32x1024xf32, #tpu.memory_space<vmem>>, vector<1x16xf32>,
      %swap3A_686 = vector.shape_cast %swap3A_685 : vector<1x16xf32> to vector<16xf32>
      %swap3A_687 = vector.shape_cast %add3A_682 : vector<16xf32> to vector<1x16xf32>
      tpu.vector_store %arg8[%swap3A_683, %swap3A_684], %swap3A_687 {strides = array<i32>} : memref<32x1024xf32, #tpu.memory_space<vmem>>, vector<1x16xf32>,
      %get3A_688 = arith.index_cast %scan3A_44 : i32 to index
      %get3A_689 = arith.constant 736 : index
      %get3A_690 = tpu.vector_load %arg8[%get3A_688, %get3A_689] {strides = array<i32>} : memref<32x1024xf32, #tpu.memory_space<vmem>>, vector<1x16xf32>,
      %get3A_691 = vector.shape_cast %get3A_690 : vector<1x16xf32> to vector<16xf32>
      %get3A_692 = arith.index_cast %scan3A_44 : i32 to index
      %get3A_693 = arith.constant 736 : index
      %get3A_694 = tpu.vector_load %arg9[%get3A_692, %get3A_693] {strides = array<i32>} : memref<32x1024xf32, #tpu.memory_space<vmem>>, vector<1x16xf32>,
      %get3A_695 = vector.shape_cast %get3A_694 : vector<1x16xf32> to vector<16xf32>
      %add3A_696 = arith.addf %get3A_691, %get3A_695 : vector<16xf32>
      %swap3A_697 = arith.index_cast %scan3A_44 : i32 to index
      %swap3A_698 = arith.constant 736 : index
      %swap3A_699 = tpu.vector_load %arg8[%swap3A_697, %swap3A_698] {strides = array<i32>} : memref<32x1024xf32, #tpu.memory_space<vmem>>, vector<1x16xf32>,
      %swap3A_700 = vector.shape_cast %swap3A_699 : vector<1x16xf32> to vector<16xf32>
      %swap3A_701 = vector.shape_cast %add3A_696 : vector<16xf32> to vector<1x16xf32>
      tpu.vector_store %arg8[%swap3A_697, %swap3A_698], %swap3A_701 {strides = array<i32>} : memref<32x1024xf32, #tpu.memory_space<vmem>>, vector<1x16xf32>,
      %get3A_702 = arith.index_cast %scan3A_44 : i32 to index
      %get3A_703 = arith.constant 752 : index
      %get3A_704 = tpu.vector_load %arg8[%get3A_702, %get3A_703] {strides = array<i32>} : memref<32x1024xf32, #tpu.memory_space<vmem>>, vector<1x16xf32>,
      %get3A_705 = vector.shape_cast %get3A_704 : vector<1x16xf32> to vector<16xf32>
      %get3A_706 = arith.index_cast %scan3A_44 : i32 to index
      %get3A_707 = arith.constant 752 : index
      %get3A_708 = tpu.vector_load %arg9[%get3A_706, %get3A_707] {strides = array<i32>} : memref<32x1024xf32, #tpu.memory_space<vmem>>, vector<1x16xf32>,
      %get3A_709 = vector.shape_cast %get3A_708 : vector<1x16xf32> to vector<16xf32>
      %add3A_710 = arith.addf %get3A_705, %get3A_709 : vector<16xf32>
      %swap3A_711 = arith.index_cast %scan3A_44 : i32 to index
      %swap3A_712 = arith.constant 752 : index
      %swap3A_713 = tpu.vector_load %arg8[%swap3A_711, %swap3A_712] {strides = array<i32>} : memref<32x1024xf32, #tpu.memory_space<vmem>>, vector<1x16xf32>,
      %swap3A_714 = vector.shape_cast %swap3A_713 : vector<1x16xf32> to vector<16xf32>
      %swap3A_715 = vector.shape_cast %add3A_710 : vector<16xf32> to vector<1x16xf32>
      tpu.vector_store %arg8[%swap3A_711, %swap3A_712], %swap3A_715 {strides = array<i32>} : memref<32x1024xf32, #tpu.memory_space<vmem>>, vector<1x16xf32>,
      %get3A_716 = arith.index_cast %scan3A_44 : i32 to index
      %get3A_717 = arith.constant 768 : index
      %get3A_718 = tpu.vector_load %arg8[%get3A_716, %get3A_717] {strides = array<i32>} : memref<32x1024xf32, #tpu.memory_space<vmem>>, vector<1x16xf32>,
      %get3A_719 = vector.shape_cast %get3A_718 : vector<1x16xf32> to vector<16xf32>
      %get3A_720 = arith.index_cast %scan3A_44 : i32 to index
      %get3A_721 = arith.constant 768 : index
      %get3A_722 = tpu.vector_load %arg9[%get3A_720, %get3A_721] {strides = array<i32>} : memref<32x1024xf32, #tpu.memory_space<vmem>>, vector<1x16xf32>,
      %get3A_723 = vector.shape_cast %get3A_722 : vector<1x16xf32> to vector<16xf32>
      %add3A_724 = arith.addf %get3A_719, %get3A_723 : vector<16xf32>
      %swap3A_725 = arith.index_cast %scan3A_44 : i32 to index
      %swap3A_726 = arith.constant 768 : index
      %swap3A_727 = tpu.vector_load %arg8[%swap3A_725, %swap3A_726] {strides = array<i32>} : memref<32x1024xf32, #tpu.memory_space<vmem>>, vector<1x16xf32>,
      %swap3A_728 = vector.shape_cast %swap3A_727 : vector<1x16xf32> to vector<16xf32>
      %swap3A_729 = vector.shape_cast %add3A_724 : vector<16xf32> to vector<1x16xf32>
      tpu.vector_store %arg8[%swap3A_725, %swap3A_726], %swap3A_729 {strides = array<i32>} : memref<32x1024xf32, #tpu.memory_space<vmem>>, vector<1x16xf32>,
      %get3A_730 = arith.index_cast %scan3A_44 : i32 to index
      %get3A_731 = arith.constant 784 : index
      %get3A_732 = tpu.vector_load %arg8[%get3A_730, %get3A_731] {strides = array<i32>} : memref<32x1024xf32, #tpu.memory_space<vmem>>, vector<1x16xf32>,
      %get3A_733 = vector.shape_cast %get3A_732 : vector<1x16xf32> to vector<16xf32>
      %get3A_734 = arith.index_cast %scan3A_44 : i32 to index
      %get3A_735 = arith.constant 784 : index
      %get3A_736 = tpu.vector_load %arg9[%get3A_734, %get3A_735] {strides = array<i32>} : memref<32x1024xf32, #tpu.memory_space<vmem>>, vector<1x16xf32>,
      %get3A_737 = vector.shape_cast %get3A_736 : vector<1x16xf32> to vector<16xf32>
      %add3A_738 = arith.addf %get3A_733, %get3A_737 : vector<16xf32>
      %swap3A_739 = arith.index_cast %scan3A_44 : i32 to index
      %swap3A_740 = arith.constant 784 : index
      %swap3A_741 = tpu.vector_load %arg8[%swap3A_739, %swap3A_740] {strides = array<i32>} : memref<32x1024xf32, #tpu.memory_space<vmem>>, vector<1x16xf32>,
      %swap3A_742 = vector.shape_cast %swap3A_741 : vector<1x16xf32> to vector<16xf32>
      %swap3A_743 = vector.shape_cast %add3A_738 : vector<16xf32> to vector<1x16xf32>
      tpu.vector_store %arg8[%swap3A_739, %swap3A_740], %swap3A_743 {strides = array<i32>} : memref<32x1024xf32, #tpu.memory_space<vmem>>, vector<1x16xf32>,
      %get3A_744 = arith.index_cast %scan3A_44 : i32 to index
      %get3A_745 = arith.constant 800 : index
      %get3A_746 = tpu.vector_load %arg8[%get3A_744, %get3A_745] {strides = array<i32>} : memref<32x1024xf32, #tpu.memory_space<vmem>>, vector<1x16xf32>,
      %get3A_747 = vector.shape_cast %get3A_746 : vector<1x16xf32> to vector<16xf32>
      %get3A_748 = arith.index_cast %scan3A_44 : i32 to index
      %get3A_749 = arith.constant 800 : index
      %get3A_750 = tpu.vector_load %arg9[%get3A_748, %get3A_749] {strides = array<i32>} : memref<32x1024xf32, #tpu.memory_space<vmem>>, vector<1x16xf32>,
      %get3A_751 = vector.shape_cast %get3A_750 : vector<1x16xf32> to vector<16xf32>
      %add3A_752 = arith.addf %get3A_747, %get3A_751 : vector<16xf32>
      %swap3A_753 = arith.index_cast %scan3A_44 : i32 to index
      %swap3A_754 = arith.constant 800 : index
      %swap3A_755 = tpu.vector_load %arg8[%swap3A_753, %swap3A_754] {strides = array<i32>} : memref<32x1024xf32, #tpu.memory_space<vmem>>, vector<1x16xf32>,
      %swap3A_756 = vector.shape_cast %swap3A_755 : vector<1x16xf32> to vector<16xf32>
      %swap3A_757 = vector.shape_cast %add3A_752 : vector<16xf32> to vector<1x16xf32>
      tpu.vector_store %arg8[%swap3A_753, %swap3A_754], %swap3A_757 {strides = array<i32>} : memref<32x1024xf32, #tpu.memory_space<vmem>>, vector<1x16xf32>,
      %get3A_758 = arith.index_cast %scan3A_44 : i32 to index
      %get3A_759 = arith.constant 816 : index
      %get3A_760 = tpu.vector_load %arg8[%get3A_758, %get3A_759] {strides = array<i32>} : memref<32x1024xf32, #tpu.memory_space<vmem>>, vector<1x16xf32>,
      %get3A_761 = vector.shape_cast %get3A_760 : vector<1x16xf32> to vector<16xf32>
      %get3A_762 = arith.index_cast %scan3A_44 : i32 to index
      %get3A_763 = arith.constant 816 : index
      %get3A_764 = tpu.vector_load %arg9[%get3A_762, %get3A_763] {strides = array<i32>} : memref<32x1024xf32, #tpu.memory_space<vmem>>, vector<1x16xf32>,
      %get3A_765 = vector.shape_cast %get3A_764 : vector<1x16xf32> to vector<16xf32>
      %add3A_766 = arith.addf %get3A_761, %get3A_765 : vector<16xf32>
      %swap3A_767 = arith.index_cast %scan3A_44 : i32 to index
      %swap3A_768 = arith.constant 816 : index
      %swap3A_769 = tpu.vector_load %arg8[%swap3A_767, %swap3A_768] {strides = array<i32>} : memref<32x1024xf32, #tpu.memory_space<vmem>>, vector<1x16xf32>,
      %swap3A_770 = vector.shape_cast %swap3A_769 : vector<1x16xf32> to vector<16xf32>
      %swap3A_771 = vector.shape_cast %add3A_766 : vector<16xf32> to vector<1x16xf32>
      tpu.vector_store %arg8[%swap3A_767, %swap3A_768], %swap3A_771 {strides = array<i32>} : memref<32x1024xf32, #tpu.memory_space<vmem>>, vector<1x16xf32>,
      %get3A_772 = arith.index_cast %scan3A_44 : i32 to index
      %get3A_773 = arith.constant 832 : index
      %get3A_774 = tpu.vector_load %arg8[%get3A_772, %get3A_773] {strides = array<i32>} : memref<32x1024xf32, #tpu.memory_space<vmem>>, vector<1x16xf32>,
      %get3A_775 = vector.shape_cast %get3A_774 : vector<1x16xf32> to vector<16xf32>
      %get3A_776 = arith.index_cast %scan3A_44 : i32 to index
      %get3A_777 = arith.constant 832 : index
      %get3A_778 = tpu.vector_load %arg9[%get3A_776, %get3A_777] {strides = array<i32>} : memref<32x1024xf32, #tpu.memory_space<vmem>>, vector<1x16xf32>,
      %get3A_779 = vector.shape_cast %get3A_778 : vector<1x16xf32> to vector<16xf32>
      %add3A_780 = arith.addf %get3A_775, %get3A_779 : vector<16xf32>
      %swap3A_781 = arith.index_cast %scan3A_44 : i32 to index
      %swap3A_782 = arith.constant 832 : index
      %swap3A_783 = tpu.vector_load %arg8[%swap3A_781, %swap3A_782] {strides = array<i32>} : memref<32x1024xf32, #tpu.memory_space<vmem>>, vector<1x16xf32>,
      %swap3A_784 = vector.shape_cast %swap3A_783 : vector<1x16xf32> to vector<16xf32>
      %swap3A_785 = vector.shape_cast %add3A_780 : vector<16xf32> to vector<1x16xf32>
      tpu.vector_store %arg8[%swap3A_781, %swap3A_782], %swap3A_785 {strides = array<i32>} : memref<32x1024xf32, #tpu.memory_space<vmem>>, vector<1x16xf32>,
      %get3A_786 = arith.index_cast %scan3A_44 : i32 to index
      %get3A_787 = arith.constant 848 : index
      %get3A_788 = tpu.vector_load %arg8[%get3A_786, %get3A_787] {strides = array<i32>} : memref<32x1024xf32, #tpu.memory_space<vmem>>, vector<1x16xf32>,
      %get3A_789 = vector.shape_cast %get3A_788 : vector<1x16xf32> to vector<16xf32>
      %get3A_790 = arith.index_cast %scan3A_44 : i32 to index
      %get3A_791 = arith.constant 848 : index
      %get3A_792 = tpu.vector_load %arg9[%get3A_790, %get3A_791] {strides = array<i32>} : memref<32x1024xf32, #tpu.memory_space<vmem>>, vector<1x16xf32>,
      %get3A_793 = vector.shape_cast %get3A_792 : vector<1x16xf32> to vector<16xf32>
      %add3A_794 = arith.addf %get3A_789, %get3A_793 : vector<16xf32>
      %swap3A_795 = arith.index_cast %scan3A_44 : i32 to index
      %swap3A_796 = arith.constant 848 : index
      %swap3A_797 = tpu.vector_load %arg8[%swap3A_795, %swap3A_796] {strides = array<i32>} : memref<32x1024xf32, #tpu.memory_space<vmem>>, vector<1x16xf32>,
      %swap3A_798 = vector.shape_cast %swap3A_797 : vector<1x16xf32> to vector<16xf32>
      %swap3A_799 = vector.shape_cast %add3A_794 : vector<16xf32> to vector<1x16xf32>
      tpu.vector_store %arg8[%swap3A_795, %swap3A_796], %swap3A_799 {strides = array<i32>} : memref<32x1024xf32, #tpu.memory_space<vmem>>, vector<1x16xf32>,
      %get3A_800 = arith.index_cast %scan3A_44 : i32 to index
      %get3A_801 = arith.constant 864 : index
      %get3A_802 = tpu.vector_load %arg8[%get3A_800, %get3A_801] {strides = array<i32>} : memref<32x1024xf32, #tpu.memory_space<vmem>>, vector<1x16xf32>,
      %get3A_803 = vector.shape_cast %get3A_802 : vector<1x16xf32> to vector<16xf32>
      %get3A_804 = arith.index_cast %scan3A_44 : i32 to index
      %get3A_805 = arith.constant 864 : index
      %get3A_806 = tpu.vector_load %arg9[%get3A_804, %get3A_805] {strides = array<i32>} : memref<32x1024xf32, #tpu.memory_space<vmem>>, vector<1x16xf32>,
      %get3A_807 = vector.shape_cast %get3A_806 : vector<1x16xf32> to vector<16xf32>
      %add3A_808 = arith.addf %get3A_803, %get3A_807 : vector<16xf32>
      %swap3A_809 = arith.index_cast %scan3A_44 : i32 to index
      %swap3A_810 = arith.constant 864 : index
      %swap3A_811 = tpu.vector_load %arg8[%swap3A_809, %swap3A_810] {strides = array<i32>} : memref<32x1024xf32, #tpu.memory_space<vmem>>, vector<1x16xf32>,
      %swap3A_812 = vector.shape_cast %swap3A_811 : vector<1x16xf32> to vector<16xf32>
      %swap3A_813 = vector.shape_cast %add3A_808 : vector<16xf32> to vector<1x16xf32>
      tpu.vector_store %arg8[%swap3A_809, %swap3A_810], %swap3A_813 {strides = array<i32>} : memref<32x1024xf32, #tpu.memory_space<vmem>>, vector<1x16xf32>,
      %get3A_814 = arith.index_cast %scan3A_44 : i32 to index
      %get3A_815 = arith.constant 880 : index
      %get3A_816 = tpu.vector_load %arg8[%get3A_814, %get3A_815] {strides = array<i32>} : memref<32x1024xf32, #tpu.memory_space<vmem>>, vector<1x16xf32>,
      %get3A_817 = vector.shape_cast %get3A_816 : vector<1x16xf32> to vector<16xf32>
      %get3A_818 = arith.index_cast %scan3A_44 : i32 to index
      %get3A_819 = arith.constant 880 : index
      %get3A_820 = tpu.vector_load %arg9[%get3A_818, %get3A_819] {strides = array<i32>} : memref<32x1024xf32, #tpu.memory_space<vmem>>, vector<1x16xf32>,
      %get3A_821 = vector.shape_cast %get3A_820 : vector<1x16xf32> to vector<16xf32>
      %add3A_822 = arith.addf %get3A_817, %get3A_821 : vector<16xf32>
      %swap3A_823 = arith.index_cast %scan3A_44 : i32 to index
      %swap3A_824 = arith.constant 880 : index
      %swap3A_825 = tpu.vector_load %arg8[%swap3A_823, %swap3A_824] {strides = array<i32>} : memref<32x1024xf32, #tpu.memory_space<vmem>>, vector<1x16xf32>,
      %swap3A_826 = vector.shape_cast %swap3A_825 : vector<1x16xf32> to vector<16xf32>
      %swap3A_827 = vector.shape_cast %add3A_822 : vector<16xf32> to vector<1x16xf32>
      tpu.vector_store %arg8[%swap3A_823, %swap3A_824], %swap3A_827 {strides = array<i32>} : memref<32x1024xf32, #tpu.memory_space<vmem>>, vector<1x16xf32>,
      %get3A_828 = arith.index_cast %scan3A_44 : i32 to index
      %get3A_829 = arith.constant 896 : index
      %get3A_830 = tpu.vector_load %arg8[%get3A_828, %get3A_829] {strides = array<i32>} : memref<32x1024xf32, #tpu.memory_space<vmem>>, vector<1x16xf32>,
      %get3A_831 = vector.shape_cast %get3A_830 : vector<1x16xf32> to vector<16xf32>
      %get3A_832 = arith.index_cast %scan3A_44 : i32 to index
      %get3A_833 = arith.constant 896 : index
      %get3A_834 = tpu.vector_load %arg9[%get3A_832, %get3A_833] {strides = array<i32>} : memref<32x1024xf32, #tpu.memory_space<vmem>>, vector<1x16xf32>,
      %get3A_835 = vector.shape_cast %get3A_834 : vector<1x16xf32> to vector<16xf32>
      %add3A_836 = arith.addf %get3A_831, %get3A_835 : vector<16xf32>
      %swap3A_837 = arith.index_cast %scan3A_44 : i32 to index
      %swap3A_838 = arith.constant 896 : index
      %swap3A_839 = tpu.vector_load %arg8[%swap3A_837, %swap3A_838] {strides = array<i32>} : memref<32x1024xf32, #tpu.memory_space<vmem>>, vector<1x16xf32>,
      %swap3A_840 = vector.shape_cast %swap3A_839 : vector<1x16xf32> to vector<16xf32>
      %swap3A_841 = vector.shape_cast %add3A_836 : vector<16xf32> to vector<1x16xf32>
      tpu.vector_store %arg8[%swap3A_837, %swap3A_838], %swap3A_841 {strides = array<i32>} : memref<32x1024xf32, #tpu.memory_space<vmem>>, vector<1x16xf32>,
      %get3A_842 = arith.index_cast %scan3A_44 : i32 to index
      %get3A_843 = arith.constant 912 : index
      %get3A_844 = tpu.vector_load %arg8[%get3A_842, %get3A_843] {strides = array<i32>} : memref<32x1024xf32, #tpu.memory_space<vmem>>, vector<1x16xf32>,
      %get3A_845 = vector.shape_cast %get3A_844 : vector<1x16xf32> to vector<16xf32>
      %get3A_846 = arith.index_cast %scan3A_44 : i32 to index
      %get3A_847 = arith.constant 912 : index
      %get3A_848 = tpu.vector_load %arg9[%get3A_846, %get3A_847] {strides = array<i32>} : memref<32x1024xf32, #tpu.memory_space<vmem>>, vector<1x16xf32>,
      %get3A_849 = vector.shape_cast %get3A_848 : vector<1x16xf32> to vector<16xf32>
      %add3A_850 = arith.addf %get3A_845, %get3A_849 : vector<16xf32>
      %swap3A_851 = arith.index_cast %scan3A_44 : i32 to index
      %swap3A_852 = arith.constant 912 : index
      %swap3A_853 = tpu.vector_load %arg8[%swap3A_851, %swap3A_852] {strides = array<i32>} : memref<32x1024xf32, #tpu.memory_space<vmem>>, vector<1x16xf32>,
      %swap3A_854 = vector.shape_cast %swap3A_853 : vector<1x16xf32> to vector<16xf32>
      %swap3A_855 = vector.shape_cast %add3A_850 : vector<16xf32> to vector<1x16xf32>
      tpu.vector_store %arg8[%swap3A_851, %swap3A_852], %swap3A_855 {strides = array<i32>} : memref<32x1024xf32, #tpu.memory_space<vmem>>, vector<1x16xf32>,
      %get3A_856 = arith.index_cast %scan3A_44 : i32 to index
      %get3A_857 = arith.constant 928 : index
      %get3A_858 = tpu.vector_load %arg8[%get3A_856, %get3A_857] {strides = array<i32>} : memref<32x1024xf32, #tpu.memory_space<vmem>>, vector<1x16xf32>,
      %get3A_859 = vector.shape_cast %get3A_858 : vector<1x16xf32> to vector<16xf32>
      %get3A_860 = arith.index_cast %scan3A_44 : i32 to index
      %get3A_861 = arith.constant 928 : index
      %get3A_862 = tpu.vector_load %arg9[%get3A_860, %get3A_861] {strides = array<i32>} : memref<32x1024xf32, #tpu.memory_space<vmem>>, vector<1x16xf32>,
      %get3A_863 = vector.shape_cast %get3A_862 : vector<1x16xf32> to vector<16xf32>
      %add3A_864 = arith.addf %get3A_859, %get3A_863 : vector<16xf32>
      %swap3A_865 = arith.index_cast %scan3A_44 : i32 to index
      %swap3A_866 = arith.constant 928 : index
      %swap3A_867 = tpu.vector_load %arg8[%swap3A_865, %swap3A_866] {strides = array<i32>} : memref<32x1024xf32, #tpu.memory_space<vmem>>, vector<1x16xf32>,
      %swap3A_868 = vector.shape_cast %swap3A_867 : vector<1x16xf32> to vector<16xf32>
      %swap3A_869 = vector.shape_cast %add3A_864 : vector<16xf32> to vector<1x16xf32>
      tpu.vector_store %arg8[%swap3A_865, %swap3A_866], %swap3A_869 {strides = array<i32>} : memref<32x1024xf32, #tpu.memory_space<vmem>>, vector<1x16xf32>,
      %get3A_870 = arith.index_cast %scan3A_44 : i32 to index
      %get3A_871 = arith.constant 944 : index
      %get3A_872 = tpu.vector_load %arg8[%get3A_870, %get3A_871] {strides = array<i32>} : memref<32x1024xf32, #tpu.memory_space<vmem>>, vector<1x16xf32>,
      %get3A_873 = vector.shape_cast %get3A_872 : vector<1x16xf32> to vector<16xf32>
      %get3A_874 = arith.index_cast %scan3A_44 : i32 to index
      %get3A_875 = arith.constant 944 : index
      %get3A_876 = tpu.vector_load %arg9[%get3A_874, %get3A_875] {strides = array<i32>} : memref<32x1024xf32, #tpu.memory_space<vmem>>, vector<1x16xf32>,
      %get3A_877 = vector.shape_cast %get3A_876 : vector<1x16xf32> to vector<16xf32>
      %add3A_878 = arith.addf %get3A_873, %get3A_877 : vector<16xf32>
      %swap3A_879 = arith.index_cast %scan3A_44 : i32 to index
      %swap3A_880 = arith.constant 944 : index
      %swap3A_881 = tpu.vector_load %arg8[%swap3A_879, %swap3A_880] {strides = array<i32>} : memref<32x1024xf32, #tpu.memory_space<vmem>>, vector<1x16xf32>,
      %swap3A_882 = vector.shape_cast %swap3A_881 : vector<1x16xf32> to vector<16xf32>
      %swap3A_883 = vector.shape_cast %add3A_878 : vector<16xf32> to vector<1x16xf32>
      tpu.vector_store %arg8[%swap3A_879, %swap3A_880], %swap3A_883 {strides = array<i32>} : memref<32x1024xf32, #tpu.memory_space<vmem>>, vector<1x16xf32>,
      %get3A_884 = arith.index_cast %scan3A_44 : i32 to index
      %get3A_885 = arith.constant 960 : index
      %get3A_886 = tpu.vector_load %arg8[%get3A_884, %get3A_885] {strides = array<i32>} : memref<32x1024xf32, #tpu.memory_space<vmem>>, vector<1x16xf32>,
      %get3A_887 = vector.shape_cast %get3A_886 : vector<1x16xf32> to vector<16xf32>
      %get3A_888 = arith.index_cast %scan3A_44 : i32 to index
      %get3A_889 = arith.constant 960 : index
      %get3A_890 = tpu.vector_load %arg9[%get3A_888, %get3A_889] {strides = array<i32>} : memref<32x1024xf32, #tpu.memory_space<vmem>>, vector<1x16xf32>,
      %get3A_891 = vector.shape_cast %get3A_890 : vector<1x16xf32> to vector<16xf32>
      %add3A_892 = arith.addf %get3A_887, %get3A_891 : vector<16xf32>
      %swap3A_893 = arith.index_cast %scan3A_44 : i32 to index
      %swap3A_894 = arith.constant 960 : index
      %swap3A_895 = tpu.vector_load %arg8[%swap3A_893, %swap3A_894] {strides = array<i32>} : memref<32x1024xf32, #tpu.memory_space<vmem>>, vector<1x16xf32>,
      %swap3A_896 = vector.shape_cast %swap3A_895 : vector<1x16xf32> to vector<16xf32>
      %swap3A_897 = vector.shape_cast %add3A_892 : vector<16xf32> to vector<1x16xf32>
      tpu.vector_store %arg8[%swap3A_893, %swap3A_894], %swap3A_897 {strides = array<i32>} : memref<32x1024xf32, #tpu.memory_space<vmem>>, vector<1x16xf32>,
      %get3A_898 = arith.index_cast %scan3A_44 : i32 to index
      %get3A_899 = arith.constant 976 : index
      %get3A_900 = tpu.vector_load %arg8[%get3A_898, %get3A_899] {strides = array<i32>} : memref<32x1024xf32, #tpu.memory_space<vmem>>, vector<1x16xf32>,
      %get3A_901 = vector.shape_cast %get3A_900 : vector<1x16xf32> to vector<16xf32>
      %get3A_902 = arith.index_cast %scan3A_44 : i32 to index
      %get3A_903 = arith.constant 976 : index
      %get3A_904 = tpu.vector_load %arg9[%get3A_902, %get3A_903] {strides = array<i32>} : memref<32x1024xf32, #tpu.memory_space<vmem>>, vector<1x16xf32>,
      %get3A_905 = vector.shape_cast %get3A_904 : vector<1x16xf32> to vector<16xf32>
      %add3A_906 = arith.addf %get3A_901, %get3A_905 : vector<16xf32>
      %swap3A_907 = arith.index_cast %scan3A_44 : i32 to index
      %swap3A_908 = arith.constant 976 : index
      %swap3A_909 = tpu.vector_load %arg8[%swap3A_907, %swap3A_908] {strides = array<i32>} : memref<32x1024xf32, #tpu.memory_space<vmem>>, vector<1x16xf32>,
      %swap3A_910 = vector.shape_cast %swap3A_909 : vector<1x16xf32> to vector<16xf32>
      %swap3A_911 = vector.shape_cast %add3A_906 : vector<16xf32> to vector<1x16xf32>
      tpu.vector_store %arg8[%swap3A_907, %swap3A_908], %swap3A_911 {strides = array<i32>} : memref<32x1024xf32, #tpu.memory_space<vmem>>, vector<1x16xf32>,
      %get3A_912 = arith.index_cast %scan3A_44 : i32 to index
      %get3A_913 = arith.constant 992 : index
      %get3A_914 = tpu.vector_load %arg8[%get3A_912, %get3A_913] {strides = array<i32>} : memref<32x1024xf32, #tpu.memory_space<vmem>>, vector<1x16xf32>,
      %get3A_915 = vector.shape_cast %get3A_914 : vector<1x16xf32> to vector<16xf32>
      %get3A_916 = arith.index_cast %scan3A_44 : i32 to index
      %get3A_917 = arith.constant 992 : index
      %get3A_918 = tpu.vector_load %arg9[%get3A_916, %get3A_917] {strides = array<i32>} : memref<32x1024xf32, #tpu.memory_space<vmem>>, vector<1x16xf32>,
      %get3A_919 = vector.shape_cast %get3A_918 : vector<1x16xf32> to vector<16xf32>
      %add3A_920 = arith.addf %get3A_915, %get3A_919 : vector<16xf32>
      %swap3A_921 = arith.index_cast %scan3A_44 : i32 to index
      %swap3A_922 = arith.constant 992 : index
      %swap3A_923 = tpu.vector_load %arg8[%swap3A_921, %swap3A_922] {strides = array<i32>} : memref<32x1024xf32, #tpu.memory_space<vmem>>, vector<1x16xf32>,
      %swap3A_924 = vector.shape_cast %swap3A_923 : vector<1x16xf32> to vector<16xf32>
      %swap3A_925 = vector.shape_cast %add3A_920 : vector<16xf32> to vector<1x16xf32>
      tpu.vector_store %arg8[%swap3A_921, %swap3A_922], %swap3A_925 {strides = array<i32>} : memref<32x1024xf32, #tpu.memory_space<vmem>>, vector<1x16xf32>,
      %get3A_926 = arith.index_cast %scan3A_44 : i32 to index
      %get3A_927 = arith.constant 1008 : index
      %get3A_928 = tpu.vector_load %arg8[%get3A_926, %get3A_927] {strides = array<i32>} : memref<32x1024xf32, #tpu.memory_space<vmem>>, vector<1x16xf32>,
      %get3A_929 = vector.shape_cast %get3A_928 : vector<1x16xf32> to vector<16xf32>
      %get3A_930 = arith.index_cast %scan3A_44 : i32 to index
      %get3A_931 = arith.constant 1008 : index
      %get3A_932 = tpu.vector_load %arg9[%get3A_930, %get3A_931] {strides = array<i32>} : memref<32x1024xf32, #tpu.memory_space<vmem>>, vector<1x16xf32>,
      %get3A_933 = vector.shape_cast %get3A_932 : vector<1x16xf32> to vector<16xf32>
      %add3A_934 = arith.addf %get3A_929, %get3A_933 : vector<16xf32>
      %swap3A_935 = arith.index_cast %scan3A_44 : i32 to index
      %swap3A_936 = arith.constant 1008 : index
      %swap3A_937 = tpu.vector_load %arg8[%swap3A_935, %swap3A_936] {strides = array<i32>} : memref<32x1024xf32, #tpu.memory_space<vmem>>, vector<1x16xf32>,
      %swap3A_938 = vector.shape_cast %swap3A_937 : vector<1x16xf32> to vector<16xf32>
      %swap3A_939 = vector.shape_cast %add3A_934 : vector<16xf32> to vector<1x16xf32>
      tpu.vector_store %arg8[%swap3A_935, %swap3A_936], %swap3A_939 {strides = array<i32>} : memref<32x1024xf32, #tpu.memory_space<vmem>>, vector<1x16xf32>,
      %scan3A_940 = arith.constant 0 : i32
      scf.yield %scan3A_940 : i32
    }
    %scan3A_43 = arith.constant 32 : i32
    "tpu.region"() ({
      %run_scoped3A = tpu.sem_alloc : memref<!tpu.dma_semaphore, #tpu.memory_space<semaphore_mem>>
      %dma_start3A_44 = arith.constant 0 : i32
      %dma_start3A_45 = tpu.memref_slice %arg5[%add3A_24, %dma_start3A_44] : memref<2048x1024xf32, #tpu.memory_space<hbm>> -> memref<32x1024xf32, #tpu.memory_space<hbm>>
      %dma_start3A_46 = arith.constant 0 : i32
      %dma_start3A_47 = tpu.memref_slice %arg5[%add3A_24, %dma_start3A_46] : memref<2048x1024xf32, #tpu.memory_space<hbm>> -> memref<32x1024xf32, #tpu.memory_space<hbm>>
      tpu.enqueue_dma source(%arg8 : memref<32x1024xf32, #tpu.memory_space<vmem>>) target(%dma_start3A_47 : memref<32x1024xf32, #tpu.memory_space<hbm>>) target_semaphore(%run_scoped3A : memref<!tpu.dma_semaphore, #tpu.memory_space<semaphore_mem>>)
      %dma_wait3A_48 = arith.constant 0 : i32
      %dma_wait3A_49 = tpu.memref_slice %arg5[%add3A_24, %dma_wait3A_48] : memref<2048x1024xf32, #tpu.memory_space<hbm>> -> memref<32x1024xf32, #tpu.memory_space<hbm>>
      %dma_wait3A_50 = arith.constant 0 : i32
      %dma_wait3A_51 = tpu.memref_slice %arg5[%add3A_24, %dma_wait3A_50] : memref<2048x1024xf32, #tpu.memory_space<hbm>> -> memref<32x1024xf32, #tpu.memory_space<hbm>>
      tpu.wait_dma2 semaphore(%run_scoped3A : memref<!tpu.dma_semaphore, #tpu.memory_space<semaphore_mem>>) src(%arg8 : memref<32x1024xf32, #tpu.memory_space<vmem>>) dst(%dma_wait3A_51 : memref<32x1024xf32, #tpu.memory_space<hbm>>)
      tpu.yield
    }) : () -> ()
    return
  }
}

module attributes {stable_mosaic.version = 14 : i64} {
  func.func @_router_kernel(%arg0: memref<2048x1024xf32, #tpu.memory_space<vmem>>, %arg1: memref<1024x128xf32, #tpu.memory_space<vmem>>, %arg2: memref<128xf32, #tpu.memory_space<vmem>>, %arg3: memref<2048x1xi32, #tpu.memory_space<vmem>>, %arg4: memref<2048x1xi32, #tpu.memory_space<vmem>>, %arg5: memref<2048x1xf32, #tpu.memory_space<vmem>>, %arg6: memref<2048x1xf32, #tpu.memory_space<vmem>>) attributes {dimension_semantics = [], scalar_prefetch = 0 : i64, scratch_operands = 0 : i64, tpu.core_type = #tpu.core_type<tc>} {
    %get3A = arith.constant 0 : index
    %get3A_0 = arith.constant 0 : index
    %get3A_1 = vector.load %arg0[%get3A, %get3A_0] : memref<2048x1024xf32, #tpu.memory_space<vmem>>, vector<2048x1024xf32>
    %get3A_2 = arith.constant 0 : index
    %get3A_3 = arith.constant 0 : index
    %get3A_4 = vector.load %arg1[%get3A_2, %get3A_3] : memref<1024x128xf32, #tpu.memory_space<vmem>>, vector<1024x128xf32>
    %dot_general3A = arith.constant dense<0.000000e+00> : vector<2048x128xf32>
    %dot_general3A_5 = tpu.matmul %get3A_1, %get3A_4, %dot_general3A {dimension_numbers = #tpu.dot_dimension_numbers<[1], [0], [0], [1], [0, 0, 1, 1], [], []>, transpose_lhs_hint = false} : vector<2048x1024xf32>, vector<1024x128xf32>, vector<2048x128xf32> -> vector<2048x128xf32>
    %get3A_6 = arith.constant 0 : index
    %get3A_7 = vector.load %arg2[%get3A_6] : memref<128xf32, #tpu.memory_space<vmem>>, vector<128xf32>
    %broadcast_in_dim3A = vector.shape_cast %get3A_7 : vector<128xf32> to vector<1x128xf32>
    %add3A = vector.broadcast %broadcast_in_dim3A : vector<1x128xf32> to vector<2048x128xf32>
    %add3A_8 = arith.addf %dot_general3A_5, %add3A : vector<2048x128xf32>
    %reduce_max3A = arith.constant dense<0xFF800000> : vector<2048xf32>
    %reduce_max3A_9 = vector.multi_reduction <maximumf>, %add3A_8, %reduce_max3A [1] : vector<2048x128xf32> to vector<2048xf32>
    %argmax3A = tpu.reduce_index %add3A_8 {axis = 1 : i32, kind = #tpu.reduction_kind<arg_max>} : vector<2048x128xf32> -> vector<2048xi32>
    %iota3A = tpu.iota {dimensions = array<i32: 1>} : vector<2048x128xi32>
    %broadcast_in_dim3A_10 = vector.shape_cast %argmax3A : vector<2048xi32> to vector<2048x1xi32>
    %eq3A = vector.broadcast %broadcast_in_dim3A_10 : vector<2048x1xi32> to vector<2048x128xi32>
    %eq3A_11 = arith.cmpi eq, %iota3A, %eq3A : vector<2048x128xi32>
    %jit3A = arith.constant 0xFF800000 : f32
    %broadcast_in_dim3A_12 = vector.broadcast %jit3A : f32 to vector<2048x128xf32>
    %select_n3A = arith.select %eq3A_11, %broadcast_in_dim3A_12, %add3A_8 : vector<2048x128xi1>, vector<2048x128xf32>
    %reduce_max3A_13 = arith.constant dense<0xFF800000> : vector<2048xf32>
    %reduce_max3A_14 = vector.multi_reduction <maximumf>, %select_n3A, %reduce_max3A_13 [1] : vector<2048x128xf32> to vector<2048xf32>
    %argmax3A_15 = tpu.reduce_index %select_n3A {axis = 1 : i32, kind = #tpu.reduction_kind<arg_max>} : vector<2048x128xf32> -> vector<2048xi32>
    %sub3A = arith.subf %reduce_max3A_9, %reduce_max3A_14 : vector<2048xf32>
    %logistic3A = arith.negf %sub3A : vector<2048xf32>
    %logistic3A_16 = math.exp %logistic3A : vector<2048xf32>
    %logistic3A_17 = arith.constant 1.000000e+00 : f32
    %logistic3A_18 = vector.broadcast %logistic3A_17 : f32 to vector<2048xf32>
    %logistic3A_19 = arith.addf %logistic3A_18, %logistic3A_16 : vector<2048xf32>
    %logistic3A_20 = arith.divf %logistic3A_18, %logistic3A_19 : vector<2048xf32>
    %broadcast_in_dim3A_21 = vector.shape_cast %argmax3A : vector<2048xi32> to vector<2048x1xi32>
    %swap3A = arith.constant 0 : index
    %swap3A_22 = arith.constant 0 : index
    %swap3A_23 = vector.load %arg3[%swap3A, %swap3A_22] : memref<2048x1xi32, #tpu.memory_space<vmem>>, vector<2048x1xi32>
    tpu.vector_store %arg3[%swap3A, %swap3A_22], %broadcast_in_dim3A_21 {strides = array<i32>} : memref<2048x1xi32, #tpu.memory_space<vmem>>, vector<2048x1xi32>,
    %broadcast_in_dim3A_24 = vector.shape_cast %argmax3A_15 : vector<2048xi32> to vector<2048x1xi32>
    %swap3A_25 = arith.constant 0 : index
    %swap3A_26 = arith.constant 0 : index
    %swap3A_27 = vector.load %arg4[%swap3A_25, %swap3A_26] : memref<2048x1xi32, #tpu.memory_space<vmem>>, vector<2048x1xi32>
    tpu.vector_store %arg4[%swap3A_25, %swap3A_26], %broadcast_in_dim3A_24 {strides = array<i32>} : memref<2048x1xi32, #tpu.memory_space<vmem>>, vector<2048x1xi32>,
    %broadcast_in_dim3A_28 = vector.shape_cast %logistic3A_20 : vector<2048xf32> to vector<2048x1xf32>
    %swap3A_29 = arith.constant 0 : index
    %swap3A_30 = arith.constant 0 : index
    %swap3A_31 = vector.load %arg5[%swap3A_29, %swap3A_30] : memref<2048x1xf32, #tpu.memory_space<vmem>>, vector<2048x1xf32>
    tpu.vector_store %arg5[%swap3A_29, %swap3A_30], %broadcast_in_dim3A_28 {strides = array<i32>} : memref<2048x1xf32, #tpu.memory_space<vmem>>, vector<2048x1xf32>,
    %sub3A_32 = arith.constant 1.000000e+00 : f32
    %sub3A_33 = vector.broadcast %sub3A_32 : f32 to vector<2048xf32>
    %sub3A_34 = arith.subf %sub3A_33, %logistic3A_20 : vector<2048xf32>
    %broadcast_in_dim3A_35 = vector.shape_cast %sub3A_34 : vector<2048xf32> to vector<2048x1xf32>
    %swap3A_36 = arith.constant 0 : index
    %swap3A_37 = arith.constant 0 : index
    %swap3A_38 = vector.load %arg6[%swap3A_36, %swap3A_37] : memref<2048x1xf32, #tpu.memory_space<vmem>>, vector<2048x1xf32>
    tpu.vector_store %arg6[%swap3A_36, %swap3A_37], %broadcast_in_dim3A_35 {strides = array<i32>} : memref<2048x1xf32, #tpu.memory_space<vmem>>, vector<2048x1xf32>,
    return
  }
}

module attributes {stable_mosaic.version = 14 : i64} {
  func.func @_ffn_kernel0(%arg0: i32, %arg1: memref<15xi32, #tpu.memory_space<smem>>, %arg2: memref<1xi32, #tpu.memory_space<smem>>, %arg3: memref<512x1024xf32, #tpu.memory_space<vmem>>, %arg4: memref<1x512x1xf32, #tpu.memory_space<vmem>>, %arg5: memref<1x1024x1408xf32, #tpu.memory_space<vmem>>, %arg6: memref<1x1024x1408xf32, #tpu.memory_space<vmem>>, %arg7: memref<1x1408x1024xf32, #tpu.memory_space<vmem>>, %arg8: memref<512x1024xf32, #tpu.memory_space<vmem>>) attributes {dimension_semantics = [#tpu.dimension_semantics<arbitrary>], iteration_bounds = array<i64: 15>, scalar_prefetch = 2 : i64, scratch_operands = 0 : i64, tpu.core_type = #tpu.core_type<tc>, window_params = [{transform_indices = @transform_0, window_bounds = array<i64: 512, 1024>}, {transform_indices = @transform_1, window_bounds = array<i64: 1, 512, 1>}, {transform_indices = @transform_2, window_bounds = array<i64: 1, 1024, 1408>}, {transform_indices = @transform_3, window_bounds = array<i64: 1, 1024, 1408>}, {transform_indices = @transform_4, window_bounds = array<i64: 1, 1408, 1024>}, {transform_indices = @transform_5, window_bounds = array<i64: 512, 1024>}]} {
    %get3A = arith.constant 0 : index
    %get3A_0 = memref.load %arg2[%get3A] : memref<1xi32, #tpu.memory_space<smem>>
    %lt3A = arith.cmpi slt, %arg0, %get3A_0 : i32
    %convert_element_type3A = arith.extui %lt3A : i1 to i32
    %cond3A = arith.constant 0 : i32
    %cond3A_1 = arith.cmpi ne, %convert_element_type3A, %cond3A : i32
    scf.if %cond3A_1 {
      %get3A_2 = arith.constant 0 : index
      %get3A_3 = arith.constant 0 : index
      %get3A_4 = vector.load %arg3[%get3A_2, %get3A_3] : memref<512x1024xf32, #tpu.memory_space<vmem>>, vector<512x1024xf32>
      %convert_element_type3A_5 = arith.truncf %get3A_4 : vector<512x1024xf32> to vector<512x1024xbf16>
      %get3A_6 = arith.constant 0 : index
      %get3A_7 = arith.constant 0 : index
      %get3A_8 = arith.constant 0 : index
      %get3A_9 = vector.load %arg5[%get3A_6, %get3A_7, %get3A_8] : memref<1x1024x1408xf32, #tpu.memory_space<vmem>>, vector<1x1024x1408xf32>
      %get3A_10 = vector.shape_cast %get3A_9 : vector<1x1024x1408xf32> to vector<1024x1408xf32>
      %convert_element_type3A_11 = arith.truncf %get3A_10 : vector<1024x1408xf32> to vector<1024x1408xbf16>
      %dot_general3A = arith.constant dense<0.000000e+00> : vector<512x1408xf32>
      %dot_general3A_12 = tpu.matmul %convert_element_type3A_5, %convert_element_type3A_11, %dot_general3A {dimension_numbers = #tpu.dot_dimension_numbers<[1], [0], [0], [1], [0, 0, 1, 1], [], []>, transpose_lhs_hint = false} : vector<512x1024xbf16>, vector<1024x1408xbf16>, vector<512x1408xf32> -> vector<512x1408xf32>
      %get3A_13 = arith.constant 0 : index
      %get3A_14 = arith.constant 0 : index
      %get3A_15 = arith.constant 0 : index
      %get3A_16 = vector.load %arg6[%get3A_13, %get3A_14, %get3A_15] : memref<1x1024x1408xf32, #tpu.memory_space<vmem>>, vector<1x1024x1408xf32>
      %get3A_17 = vector.shape_cast %get3A_16 : vector<1x1024x1408xf32> to vector<1024x1408xf32>
      %convert_element_type3A_18 = arith.truncf %get3A_17 : vector<1024x1408xf32> to vector<1024x1408xbf16>
      %dot_general3A_19 = arith.constant dense<0.000000e+00> : vector<512x1408xf32>
      %dot_general3A_20 = tpu.matmul %convert_element_type3A_5, %convert_element_type3A_18, %dot_general3A_19 {dimension_numbers = #tpu.dot_dimension_numbers<[1], [0], [0], [1], [0, 0, 1, 1], [], []>, transpose_lhs_hint = false} : vector<512x1024xbf16>, vector<1024x1408xbf16>, vector<512x1408xf32> -> vector<512x1408xf32>
      %logistic3A = arith.negf %dot_general3A_12 : vector<512x1408xf32>
      %logistic3A_21 = math.exp %logistic3A : vector<512x1408xf32>
      %logistic3A_22 = arith.constant 1.000000e+00 : f32
      %logistic3A_23 = vector.broadcast %logistic3A_22 : f32 to vector<512x1408xf32>
      %logistic3A_24 = arith.addf %logistic3A_23, %logistic3A_21 : vector<512x1408xf32>
      %logistic3A_25 = arith.divf %logistic3A_23, %logistic3A_24 : vector<512x1408xf32>
      %mul3A = arith.mulf %dot_general3A_12, %logistic3A_25 : vector<512x1408xf32>
      %mul3A_26 = arith.mulf %mul3A, %dot_general3A_20 : vector<512x1408xf32>
      %convert_element_type3A_27 = arith.truncf %mul3A_26 : vector<512x1408xf32> to vector<512x1408xbf16>
      %get3A_28 = arith.constant 0 : index
      %get3A_29 = arith.constant 0 : index
      %get3A_30 = arith.constant 0 : index
      %get3A_31 = vector.load %arg7[%get3A_28, %get3A_29, %get3A_30] : memref<1x1408x1024xf32, #tpu.memory_space<vmem>>, vector<1x1408x1024xf32>
      %get3A_32 = vector.shape_cast %get3A_31 : vector<1x1408x1024xf32> to vector<1408x1024xf32>
      %convert_element_type3A_33 = arith.truncf %get3A_32 : vector<1408x1024xf32> to vector<1408x1024xbf16>
      %dot_general3A_34 = arith.constant dense<0.000000e+00> : vector<512x1024xf32>
      %dot_general3A_35 = tpu.matmul %convert_element_type3A_27, %convert_element_type3A_33, %dot_general3A_34 {dimension_numbers = #tpu.dot_dimension_numbers<[1], [0], [0], [1], [0, 0, 1, 1], [], []>, transpose_lhs_hint = false} : vector<512x1408xbf16>, vector<1408x1024xbf16>, vector<512x1024xf32> -> vector<512x1024xf32>
      %get3A_36 = arith.constant 0 : index
      %get3A_37 = arith.constant 0 : index
      %get3A_38 = arith.constant 0 : index
      %get3A_39 = vector.load %arg4[%get3A_36, %get3A_37, %get3A_38] : memref<1x512x1xf32, #tpu.memory_space<vmem>>, vector<1x512x1xf32>
      %get3A_40 = vector.shape_cast %get3A_39 : vector<1x512x1xf32> to vector<512x1xf32>
      %mul3A_41 = vector.broadcast %get3A_40 : vector<512x1xf32> to vector<512x1024xf32>
      %mul3A_42 = arith.mulf %dot_general3A_35, %mul3A_41 : vector<512x1024xf32>
      %swap3A = arith.constant 0 : index
      %swap3A_43 = arith.constant 0 : index
      %swap3A_44 = vector.load %arg8[%swap3A, %swap3A_43] : memref<512x1024xf32, #tpu.memory_space<vmem>>, vector<512x1024xf32>
      tpu.vector_store %arg8[%swap3A, %swap3A_43], %mul3A_42 {strides = array<i32>} : memref<512x1024xf32, #tpu.memory_space<vmem>>, vector<512x1024xf32>,
    } else {
    }
    return
  }
  func.func @transform_0(%arg0: i32, %arg1: memref<15xi32, #tpu.memory_space<smem>>, %arg2: memref<1xi32, #tpu.memory_space<smem>>) -> (i32, i32) {
    %c0_i32 = arith.constant 0 : i32
    %c0_i32_0 = arith.constant 0 : i32
    return %arg0, %c0_i32 : i32, i32
  }
  func.func @transform_1(%arg0: i32, %arg1: memref<15xi32, #tpu.memory_space<smem>>, %arg2: memref<1xi32, #tpu.memory_space<smem>>) -> (i32, i32, i32) {
    %c0_i32 = arith.constant 0 : i32
    %c0_i32_0 = arith.constant 0 : i32
    %c0_i32_1 = arith.constant 0 : i32
    return %arg0, %c0_i32, %c0_i32_0 : i32, i32, i32
  }
  func.func @transform_2(%arg0: i32, %arg1: memref<15xi32, #tpu.memory_space<smem>>, %arg2: memref<1xi32, #tpu.memory_space<smem>>) -> (i32, i32, i32) {
    %get3A = arith.index_cast %arg0 : i32 to index
    %get3A_0 = memref.load %arg1[%get3A] : memref<15xi32, #tpu.memory_space<smem>>
    %c0_i32 = arith.constant 0 : i32
    %c0_i32_1 = arith.constant 0 : i32
    %c0_i32_2 = arith.constant 0 : i32
    return %get3A_0, %c0_i32, %c0_i32_1 : i32, i32, i32
  }
  func.func @transform_3(%arg0: i32, %arg1: memref<15xi32, #tpu.memory_space<smem>>, %arg2: memref<1xi32, #tpu.memory_space<smem>>) -> (i32, i32, i32) {
    %get3A = arith.index_cast %arg0 : i32 to index
    %get3A_0 = memref.load %arg1[%get3A] : memref<15xi32, #tpu.memory_space<smem>>
    %c0_i32 = arith.constant 0 : i32
    %c0_i32_1 = arith.constant 0 : i32
    %c0_i32_2 = arith.constant 0 : i32
    return %get3A_0, %c0_i32, %c0_i32_1 : i32, i32, i32
  }
  func.func @transform_4(%arg0: i32, %arg1: memref<15xi32, #tpu.memory_space<smem>>, %arg2: memref<1xi32, #tpu.memory_space<smem>>) -> (i32, i32, i32) {
    %get3A = arith.index_cast %arg0 : i32 to index
    %get3A_0 = memref.load %arg1[%get3A] : memref<15xi32, #tpu.memory_space<smem>>
    %c0_i32 = arith.constant 0 : i32
    %c0_i32_1 = arith.constant 0 : i32
    %c0_i32_2 = arith.constant 0 : i32
    return %get3A_0, %c0_i32, %c0_i32_1 : i32, i32, i32
  }
  func.func @transform_5(%arg0: i32, %arg1: memref<15xi32, #tpu.memory_space<smem>>, %arg2: memref<1xi32, #tpu.memory_space<smem>>) -> (i32, i32) {
    %c0_i32 = arith.constant 0 : i32
    %c0_i32_0 = arith.constant 0 : i32
    return %arg0, %c0_i32 : i32, i32
  }
}

module attributes {stable_mosaic.version = 14 : i64} {
  func.func @_ffn_kernel1(%arg0: i32, %arg1: memref<15xi32, #tpu.memory_space<smem>>, %arg2: memref<1xi32, #tpu.memory_space<smem>>, %arg3: memref<512x1024xf32, #tpu.memory_space<vmem>>, %arg4: memref<1x512x1xf32, #tpu.memory_space<vmem>>, %arg5: memref<512x1024xf32, #tpu.memory_space<vmem>>, %arg6: memref<1x1024x1408xf32, #tpu.memory_space<vmem>>, %arg7: memref<1x1024x1408xf32, #tpu.memory_space<vmem>>, %arg8: memref<1x1408x1024xf32, #tpu.memory_space<vmem>>, %arg9: memref<512x1024xf32, #tpu.memory_space<vmem>>) attributes {dimension_semantics = [#tpu.dimension_semantics<arbitrary>], iteration_bounds = array<i64: 15>, scalar_prefetch = 2 : i64, scratch_operands = 0 : i64, tpu.core_type = #tpu.core_type<tc>, window_params = [{transform_indices = @transform_0, window_bounds = array<i64: 512, 1024>}, {transform_indices = @transform_1, window_bounds = array<i64: 1, 512, 1>}, {transform_indices = @transform_2, window_bounds = array<i64: 512, 1024>}, {transform_indices = @transform_3, window_bounds = array<i64: 1, 1024, 1408>}, {transform_indices = @transform_4, window_bounds = array<i64: 1, 1024, 1408>}, {transform_indices = @transform_5, window_bounds = array<i64: 1, 1408, 1024>}, {transform_indices = @transform_6, window_bounds = array<i64: 512, 1024>}]} {
    %get3A = arith.constant 0 : index
    %get3A_0 = memref.load %arg2[%get3A] : memref<1xi32, #tpu.memory_space<smem>>
    %lt3A = arith.cmpi slt, %arg0, %get3A_0 : i32
    %convert_element_type3A = arith.extui %lt3A : i1 to i32
    %cond3A = arith.constant 0 : i32
    %cond3A_1 = arith.cmpi ne, %convert_element_type3A, %cond3A : i32
    scf.if %cond3A_1 {
      %get3A_2 = arith.constant 0 : index
      %get3A_3 = arith.constant 0 : index
      %get3A_4 = vector.load %arg3[%get3A_2, %get3A_3] : memref<512x1024xf32, #tpu.memory_space<vmem>>, vector<512x1024xf32>
      %convert_element_type3A_5 = arith.truncf %get3A_4 : vector<512x1024xf32> to vector<512x1024xbf16>
      %get3A_6 = arith.constant 0 : index
      %get3A_7 = arith.constant 0 : index
      %get3A_8 = arith.constant 0 : index
      %get3A_9 = vector.load %arg6[%get3A_6, %get3A_7, %get3A_8] : memref<1x1024x1408xf32, #tpu.memory_space<vmem>>, vector<1x1024x1408xf32>
      %get3A_10 = vector.shape_cast %get3A_9 : vector<1x1024x1408xf32> to vector<1024x1408xf32>
      %convert_element_type3A_11 = arith.truncf %get3A_10 : vector<1024x1408xf32> to vector<1024x1408xbf16>
      %dot_general3A = arith.constant dense<0.000000e+00> : vector<512x1408xf32>
      %dot_general3A_12 = tpu.matmul %convert_element_type3A_5, %convert_element_type3A_11, %dot_general3A {dimension_numbers = #tpu.dot_dimension_numbers<[1], [0], [0], [1], [0, 0, 1, 1], [], []>, transpose_lhs_hint = false} : vector<512x1024xbf16>, vector<1024x1408xbf16>, vector<512x1408xf32> -> vector<512x1408xf32>
      %get3A_13 = arith.constant 0 : index
      %get3A_14 = arith.constant 0 : index
      %get3A_15 = arith.constant 0 : index
      %get3A_16 = vector.load %arg7[%get3A_13, %get3A_14, %get3A_15] : memref<1x1024x1408xf32, #tpu.memory_space<vmem>>, vector<1x1024x1408xf32>
      %get3A_17 = vector.shape_cast %get3A_16 : vector<1x1024x1408xf32> to vector<1024x1408xf32>
      %convert_element_type3A_18 = arith.truncf %get3A_17 : vector<1024x1408xf32> to vector<1024x1408xbf16>
      %dot_general3A_19 = arith.constant dense<0.000000e+00> : vector<512x1408xf32>
      %dot_general3A_20 = tpu.matmul %convert_element_type3A_5, %convert_element_type3A_18, %dot_general3A_19 {dimension_numbers = #tpu.dot_dimension_numbers<[1], [0], [0], [1], [0, 0, 1, 1], [], []>, transpose_lhs_hint = false} : vector<512x1024xbf16>, vector<1024x1408xbf16>, vector<512x1408xf32> -> vector<512x1408xf32>
      %logistic3A = arith.negf %dot_general3A_12 : vector<512x1408xf32>
      %logistic3A_21 = math.exp %logistic3A : vector<512x1408xf32>
      %logistic3A_22 = arith.constant 1.000000e+00 : f32
      %logistic3A_23 = vector.broadcast %logistic3A_22 : f32 to vector<512x1408xf32>
      %logistic3A_24 = arith.addf %logistic3A_23, %logistic3A_21 : vector<512x1408xf32>
      %logistic3A_25 = arith.divf %logistic3A_23, %logistic3A_24 : vector<512x1408xf32>
      %mul3A = arith.mulf %dot_general3A_12, %logistic3A_25 : vector<512x1408xf32>
      %mul3A_26 = arith.mulf %mul3A, %dot_general3A_20 : vector<512x1408xf32>
      %convert_element_type3A_27 = arith.truncf %mul3A_26 : vector<512x1408xf32> to vector<512x1408xbf16>
      %get3A_28 = arith.constant 0 : index
      %get3A_29 = arith.constant 0 : index
      %get3A_30 = arith.constant 0 : index
      %get3A_31 = vector.load %arg8[%get3A_28, %get3A_29, %get3A_30] : memref<1x1408x1024xf32, #tpu.memory_space<vmem>>, vector<1x1408x1024xf32>
      %get3A_32 = vector.shape_cast %get3A_31 : vector<1x1408x1024xf32> to vector<1408x1024xf32>
      %convert_element_type3A_33 = arith.truncf %get3A_32 : vector<1408x1024xf32> to vector<1408x1024xbf16>
      %dot_general3A_34 = arith.constant dense<0.000000e+00> : vector<512x1024xf32>
      %dot_general3A_35 = tpu.matmul %convert_element_type3A_27, %convert_element_type3A_33, %dot_general3A_34 {dimension_numbers = #tpu.dot_dimension_numbers<[1], [0], [0], [1], [0, 0, 1, 1], [], []>, transpose_lhs_hint = false} : vector<512x1408xbf16>, vector<1408x1024xbf16>, vector<512x1024xf32> -> vector<512x1024xf32>
      %get3A_36 = arith.constant 0 : index
      %get3A_37 = arith.constant 0 : index
      %get3A_38 = vector.load %arg5[%get3A_36, %get3A_37] : memref<512x1024xf32, #tpu.memory_space<vmem>>, vector<512x1024xf32>
      %get3A_39 = arith.constant 0 : index
      %get3A_40 = arith.constant 0 : index
      %get3A_41 = arith.constant 0 : index
      %get3A_42 = vector.load %arg4[%get3A_39, %get3A_40, %get3A_41] : memref<1x512x1xf32, #tpu.memory_space<vmem>>, vector<1x512x1xf32>
      %get3A_43 = vector.shape_cast %get3A_42 : vector<1x512x1xf32> to vector<512x1xf32>
      %mul3A_44 = vector.broadcast %get3A_43 : vector<512x1xf32> to vector<512x1024xf32>
      %mul3A_45 = arith.mulf %dot_general3A_35, %mul3A_44 : vector<512x1024xf32>
      %add3A = arith.addf %get3A_38, %mul3A_45 : vector<512x1024xf32>
      %swap3A = arith.constant 0 : index
      %swap3A_46 = arith.constant 0 : index
      %swap3A_47 = vector.load %arg9[%swap3A, %swap3A_46] : memref<512x1024xf32, #tpu.memory_space<vmem>>, vector<512x1024xf32>
      tpu.vector_store %arg9[%swap3A, %swap3A_46], %add3A {strides = array<i32>} : memref<512x1024xf32, #tpu.memory_space<vmem>>, vector<512x1024xf32>,
    } else {
    }
    return
  }
  func.func @transform_0(%arg0: i32, %arg1: memref<15xi32, #tpu.memory_space<smem>>, %arg2: memref<1xi32, #tpu.memory_space<smem>>) -> (i32, i32) {
    %c0_i32 = arith.constant 0 : i32
    %c0_i32_0 = arith.constant 0 : i32
    return %arg0, %c0_i32 : i32, i32
  }
  func.func @transform_1(%arg0: i32, %arg1: memref<15xi32, #tpu.memory_space<smem>>, %arg2: memref<1xi32, #tpu.memory_space<smem>>) -> (i32, i32, i32) {
    %c0_i32 = arith.constant 0 : i32
    %c0_i32_0 = arith.constant 0 : i32
    %c0_i32_1 = arith.constant 0 : i32
    return %arg0, %c0_i32, %c0_i32_0 : i32, i32, i32
  }
  func.func @transform_2(%arg0: i32, %arg1: memref<15xi32, #tpu.memory_space<smem>>, %arg2: memref<1xi32, #tpu.memory_space<smem>>) -> (i32, i32) {
    %c0_i32 = arith.constant 0 : i32
    %c0_i32_0 = arith.constant 0 : i32
    return %arg0, %c0_i32 : i32, i32
  }
  func.func @transform_3(%arg0: i32, %arg1: memref<15xi32, #tpu.memory_space<smem>>, %arg2: memref<1xi32, #tpu.memory_space<smem>>) -> (i32, i32, i32) {
    %get3A = arith.index_cast %arg0 : i32 to index
    %get3A_0 = memref.load %arg1[%get3A] : memref<15xi32, #tpu.memory_space<smem>>
    %c0_i32 = arith.constant 0 : i32
    %c1_i32 = arith.constant 1 : i32
    %c0_i32_1 = arith.constant 0 : i32
    return %get3A_0, %c0_i32, %c1_i32 : i32, i32, i32
  }
  func.func @transform_4(%arg0: i32, %arg1: memref<15xi32, #tpu.memory_space<smem>>, %arg2: memref<1xi32, #tpu.memory_space<smem>>) -> (i32, i32, i32) {
    %get3A = arith.index_cast %arg0 : i32 to index
    %get3A_0 = memref.load %arg1[%get3A] : memref<15xi32, #tpu.memory_space<smem>>
    %c0_i32 = arith.constant 0 : i32
    %c1_i32 = arith.constant 1 : i32
    %c0_i32_1 = arith.constant 0 : i32
    return %get3A_0, %c0_i32, %c1_i32 : i32, i32, i32
  }
  func.func @transform_5(%arg0: i32, %arg1: memref<15xi32, #tpu.memory_space<smem>>, %arg2: memref<1xi32, #tpu.memory_space<smem>>) -> (i32, i32, i32) {
    %get3A = arith.index_cast %arg0 : i32 to index
    %get3A_0 = memref.load %arg1[%get3A] : memref<15xi32, #tpu.memory_space<smem>>
    %c1_i32 = arith.constant 1 : i32
    %c0_i32 = arith.constant 0 : i32
    %c0_i32_1 = arith.constant 0 : i32
    return %get3A_0, %c1_i32, %c0_i32 : i32, i32, i32
  }
  func.func @transform_6(%arg0: i32, %arg1: memref<15xi32, #tpu.memory_space<smem>>, %arg2: memref<1xi32, #tpu.memory_space<smem>>) -> (i32, i32) {
    %c0_i32 = arith.constant 0 : i32
    %c0_i32_0 = arith.constant 0 : i32
    return %arg0, %c0_i32 : i32, i32
  }
}

</mosaic_0001>

<sc_bundles>
// kernel: kernel.10.cloned.1.call-start
scs
__scs_entry_jumppad:
0x0: {  	(pc) =	sbr.rel $0x88, $3  }
0x1: {  	(tag) =	ssettag $0x0;
	lr =	simm.s32 $0x1  }
0x2: {  	[smem:$0x3F9B] =	sst lr;
	_ =	strace $0xD0000000  }
0x3: {  	_ = 	snop  }
0x4: {  	_ = 	snop  }
0x5: {  	_ = 	snop  }
0x6: {  	_ = 	snop  }
0x7: {  	_ = 	snop  }
__scs_overlays_trampoline_lowered:
0x8: {  	[smem:$0x3FAA] =	sst s0  }
0x9: {  	[smem:$0x3FAB] =	sst s1  }
0xa: {  	[smem:$0x3FAC] =	sst s2  }
0xb: {  	[smem:$0x3FAD] =	sst s3  }
0xc: {  	[smem:$0x3FAE] =	sst s4  }
0xd: {  	[smem:$0x3FAF] =	sst s5  }
0xe: {  	[smem:$0x3FB0] =	sst s6  }
0xf: {  	[smem:$0x3FB1] =	sst s7  }
0x10: {  	[smem:$0x3FB2] =	sst s8  }
0x11: {  	[smem:$0x3FB3] =	sst s9;
	s0 =	simm.s32 @!p0 $0x0  }
0x12: {  	s1 =	sld [smem:$0x3F99];
	s0 =	simm.s32 @p0 $0x1  }
0x13: {  	[smem:$0x3FB4] =	sst s0;
	s0 =	simm.s32 @!p1 $0x0  }
0x14: {  	s2 =	sld [smem:$0x3F98];
	s0 =	simm.s32 @p1 $0x1  }
0x15: {  	[smem:$0x3FB5] =	sst s0;
	s0 =	simm.s32 @!p2 $0x0  }
0x16: {  	s3 =	sld [smem:$0x3FDB];
	s0 =	simm.s32 @p2 $0x1  }
0x17: {  	s4 =	simm.s32 $0x1BF5;
	[smem:$0x3FB7] =	sst s0  }
0x18: {  	s0 =	sld [smem:$0x3F9A];
	_ =	swait.ge [sflag:s4], $0x0  }
0x19: {  	s7 =	sld [smem:$0x3F9B]  }
0x1a: {  	s8 =	sadd.s32 $0xFFFFE003, lr  }
0x1b: {  	s9 =	sadd.s32 $0xFFFFFEF7, lr;
	s5 =	simm.s32 $0xFFFFFFFF;
	p2 =	slt.u32 s8, $0xFFFFF086  }
0x1c: {  	p1 =	slt.u32 s9, $0xF7A;
	s5 =	simm.s32 @!p2 $0x0  }
0x1d: {  	s5 =	simm.s32 @p1 $0x1;
	p0 =	seq.s32 s7, s2  }
0x1e: {  	s7 =	smul.u32 @!p0 $0xF7A, s2;
	p2 =	seq.s32 @!p0 s5, $0x0  }
0x1f: {  	s9 =	smul.u32 $0xF7A, s1;
	s8 =	simm.s32 @!p0 $0x1BF5;
	p2 =	por !p2, p0  }
0x20: {  	[sflag:s8] =	ssyncset.s32 @!p0 $0xFFFFF086;
	s6 =	sadd.s32 @!p0 s3, s7;
	s7 =	simm.s32 @!p0 $0x108  }
0x21: {  	s3 =	sadd.s32 s3, s9;
	s6 =	sadd.s32 @!p0 $0x88, s6;
	s7 =	simm.s32 @p2 $0x1082  }
0x22: {  	[simem:s7], [sflag:s8] =	dma.local @!p0 [hbm:s6], $0xF7A  }
0x23: {  	s9 =	sor.u32 $0xD0000000, s2;
	s6 =	simm.s32 $0x108;
	_ =	swait.ge @!p0 [sflag:s8], $0x0  }
0x24: {  	s3 =	sadd.s32 $0x88, s3;
	s6 =	simm.s32 @!p1 $0x1082;
	[sflag:s4] =	ssyncset.s32 $0xFFFFF086  }
0x25: {  	[simem:s6], [sflag:s4] =	dma.local [hbm:s3], $0xF7A  }
0x26: {  	[smem:$0x3F9B] =	sst s1;
	(tag) =	ssettag s2;
	_ =	strace s9  }
0x27: {  	s1 =	sld [smem:$0x3FAB]  }
0x28: {  	s2 =	sld [smem:$0x3FAC]  }
0x29: {  	s4 =	sld [smem:$0x3FAE]  }
0x2a: {  	p0 =	seq.s32 s5, $0x0;
	s5 =	sld [smem:$0x3FAF]  }
0x2b: {  	s6 =	sld [smem:$0x3FB0]  }
0x2c: {  	s7 =	sld [smem:$0x3FB1]  }
0x2d: {  	s3 =	simm.s32 $0x108;
	s8 =	sld [smem:$0x3FB2]  }
0x2e: {  	s3 =	simm.s32 @!p0 $0x1082;
	s9 =	sld [smem:$0x3FB3]  }
0x2f: {  	lr =	sadd.s32 s0, s3;
	s0 =	sld [smem:$0x3FAA]  }
0x30: {  	s3 =	sld [smem:$0x3FAD]  }
0x31: {  	[smem:$0x3FB6] =	sst s10  }
0x32: {  	s10 =	sld [smem:$0x3FB4];
	_ =	sdelay $0x3  }
0x33: {  	p0 =	seq.s32 s10, $0x1;
	s10 =	sld [smem:$0x3FB6];
	_ =	sdelay $0x3  }
0x34: {  	[smem:$0x3FB6] =	sst s10  }
0x35: {  	s10 =	sld [smem:$0x3FB5];
	_ =	sdelay $0x3  }
0x36: {  	p1 =	seq.s32 s10, $0x1;
	s10 =	sld [smem:$0x3FB6];
	_ =	sdelay $0x3  }
0x37: {  	[smem:$0x3FB6] =	sst s10  }
0x38: {  	s10 =	sld [smem:$0x3FB7]  }
0x39: {  	_ = 	snop;
	(pc) =	sbr.ind lr, $3  }
0x3a: {  	_ = 	snop  }
0x3b: {  	_ = 	snop  }
0x3c: {  	p2 =	seq.s32 s10, $0x1;
	s10 =	sld [smem:$0x3FB6]  }
0x3d: {  	_ =	shalt  }
0x3e: {  	_ =	shalt  }
0x3f: {  	_ =	shalt  }
0x40: {  	_ =	shalt  }
0x41: {  	_ =	shalt  }
0x42: {  	_ =	shalt  }
0x43: {  	_ =	shalt  }
0x44: {  	_ =	shalt  }
0x45: {  	_ =	shalt  }
0x46: {  	_ =	shalt  }
0x47: {  	_ =	shalt  }
0x48: {  	_ =	shalt  }
0x49: {  	_ =	shalt  }
0x4a: {  	_ =	shalt  }
0x4b: {  	_ =	shalt  }
0x4c: {  	_ =	shalt  }
0x4d: {  	_ =	shalt  }
0x4e: {  	_ =	shalt  }
0x4f: {  	_ =	shalt  }
0x50: {  	_ =	shalt  }
0x51: {  	_ =	shalt  }
0x52: {  	_ =	shalt  }
0x53: {  	_ =	shalt  }
0x54: {  	_ =	shalt  }
0x55: {  	_ =	shalt  }
0x56: {  	_ =	shalt  }
0x57: {  	_ =	shalt  }
0x58: {  	_ =	shalt  }
0x59: {  	_ =	shalt  }
0x5a: {  	_ =	shalt  }
0x5b: {  	_ =	shalt  }
0x5c: {  	_ =	shalt  }
0x5d: {  	_ =	shalt  }
0x5e: {  	_ =	shalt  }
0x5f: {  	_ =	shalt  }
0x60: {  	_ =	shalt  }
0x61: {  	_ =	shalt  }
0x62: {  	_ =	shalt  }
0x63: {  	_ =	shalt  }
0x64: {  	_ =	shalt  }
0x65: {  	_ =	shalt  }
0x66: {  	_ =	shalt  }
0x67: {  	_ =	shalt  }
0x68: {  	_ =	shalt  }
0x69: {  	_ =	shalt  }
0x6a: {  	_ =	shalt  }
0x6b: {  	_ =	shalt  }
0x6c: {  	_ =	shalt  }
0x6d: {  	_ =	shalt  }
0x6e: {  	_ =	shalt  }
0x6f: {  	_ =	shalt  }
0x70: {  	_ =	shalt  }
0x71: {  	_ =	shalt  }
0x72: {  	_ =	shalt  }
0x73: {  	_ =	shalt  }
0x74: {  	_ =	shalt  }
0x75: {  	_ =	shalt  }
0x76: {  	_ =	shalt  }
0x77: {  	_ =	shalt  }
0x78: {  	_ =	shalt  }
0x79: {  	_ =	shalt  }
0x7a: {  	_ =	shalt  }
0x7b: {  	_ =	shalt  }
0x7c: {  	_ =	shalt  }
0x7d: {  	_ =	shalt  }
0x7e: {  	_ =	shalt  }
0x7f: {  	_ =	shalt  }
0x80: {  	_ =	shalt  }
0x81: {  	_ =	shalt  }
0x82: {  	_ =	shalt  }
0x83: {  	_ =	shalt  }
0x84: {  	_ =	shalt  }
0x85: {  	_ =	shalt  }
0x86: {  	_ =	shalt  }
0x87: {  	_ =	shalt  }
.Lfunc_end0:
.L_simem_size_0:
called_computation.1_lowered:
.L_overlay_start_0:
0x88: {  	s2 =	sld [smem:$0x3FD9]  }
0x89: {  	s3 =	sld [smem:$0x3FFE];
	_ =	sdelay $0x1  }
0x8a: {  	s1 =	srdreg.scid  }
0x8b: {  	s0 =	sand.u32 $0x1, s1  }
0x8c: {  	s17 =	sshll.u32 s0, $0xA;
	s2 =	sadd.s32 s3, s2  }
0x8d: {  	s2 =	sadd.s32 s2, s17  }
0x8e: {  	[smem:$0x3FC2] =	sst s2  }
0x8f: {  	_ = 	snop  }
0x90: {  	s2 =	sld [smem:$0x3FD0];
	(tm) =	ssettm $0x1  }
0x91: {  	s18 =	sld [smem:$0x3FFB];
	_ =	sdelay $0x3  }
0x92: {  	_ =	strace s18  }
0x93: {  	s3 =	sld [smem:$0x3FFC];
	_ =	sdelay $0x3  }
0x94: {  	_ =	strace s3  }
0x95: {  	s3 =	sld [smem:$0x3FFD];
	_ =	sdelay $0x3  }
0x96: {  	_ =	strace s3  }
0x97: {  	_ =	strace $0x8FFFFFFF  }
0x98: {  	s19 =	sld [smem:$0x3FDB];
	_ =	sdelay $0x1  }
0x99: {  	s4 =	simm.s32 $_scs_section_size  }
0x9a: {  	s5 =	simm.s32 $_size__tile_overlayer_lowered;
	s6 =	simm.s32 $_tile_overlayer_lowered  }
0x9b: {  	s22 =	simm.s32 $0x1BFF;
	s21 =	sshll.u32 s6, $0x1;
	s3 =	sadd.s32 s4, s19  }
0x9c: {  	s7 =	simm.s32 $0x0;
	s20 =	sshll.u32 s5, $0x1;
	s5 =	sadd.s32 s21, s3  }
0x9d: {  	[timem:s7], [sflag:s22] =	dma.local [hbm:s5], s20  }
0x9e: {  	_ =	swait.ge [sflag:s22], s20  }
0x9f: {  	s4 =	ssub.s32 $0x0, s20;
	[sflag:s22] =	ssyncset.done $0x0  }
0xa0: {  	[sflag:s22] =	ssyncadd.s32 s4;
	_ =	sdelay $0x1  }
0xa1: {  	s23 =	simm.s32 $0x1B8B  }
0xa2: {  	_ =	swait.ge [sflag:s23], $0x1  }
0xa3: {  	[sflag:s23] =	ssyncset.done $0x0  }
0xa4: {  	s25 =	simm.s32 $0x1B8E;
	s24 =	sld [smem:$0x3FFE];
	[sflag:s23] =	ssyncadd.s32 $0xFFFFFFFF  }
0xa5: {  	s26 =	simm.s32 $execute0_lowered;
	[smem:$0x3FD2] =	sst s25  }
0xa6: {  	s5 =	sshll.u32 s26, $0x1;
	_ =	strace $0x80000049;
	[dreg:$0x1] =	wrdreg $0xFFFFFFFF  }
0xa7: {  	s28 =	simm.s32 $_size_execute0_lowered;
	s3 =	sadd.s32 s3, s5;
	[dreg:$0x0] =	wrdreg $0x0  }
0xa8: {  	s5 =	sshll.u32 s28, $0x1;
	[dreg:$0x2] =	wrdreg s3  }
0xa9: {  	[dreg:$0x3] =	wrdreg s5  }
0xaa: {  	[dreg:$0x4] =	wrdreg $0xC0  }
0xab: {  	_ =	task [dreg:s7], $0x5FFFF  }
0xac: {  	[dreg:$0x1] =	wrdreg $0xFFFFFFFF  }
0xad: {  	[dreg:$0x0] =	wrdreg $0x60  }
0xae: {  	[dreg:$0x2] =	wrdreg s24  }
0xaf: {  	[dreg:$0x3] =	wrdreg s2  }
0xb0: {  	[dreg:$0x4] =	wrdreg $0x9  }
0xb1: {  	_ =	task.clear_ibuf [dreg:s7], $0x5FFFF;
	_ =	strace $0x90000049  }
0xb2: {  	s29 =	simm.s32 $0x9;
	_ =	strace $0x8000004B  }
0xb3: {  	_ =	swait.ge [sflag:s29], $0x1  }
0xb4: {  	[sflag:s29] =	ssyncadd.s32 $0xFFFFFFFF  }
0xb5: {  	_ =	strace $0x9000004B  }
0xb6: {  	_ =	sfence  }
0xb7: {  	s30 =	sld [smem:$0x0];
	_ =	sdelay $0x2  }
0xb8: {  	s31 =	sshll.u32 s1, $0xD;
	s1 =	sshrl.u32 s1, $0x2  }
0xb9: {  	s3 =	sand.u32 $0x4000, s31;
	s1 =	sadd.s32 s1, s30  }
0xba: {  	s0 =	sor.u32 s3, s0;
	s1 =	sshll.u32 s1, $0x11  }
0xbb: {  	s0 =	sor.u32 s1, s0  }
0xbc: {  	s0 =	sadd.s32 $0x8F2B, s0  }
0xbd: {  	[sflag:s0] =	ssyncadd.remote.s32 $0x1  }
0xbe: {  	_ =	sfence.sel $0xFFFF  }
0xbf: {  	[dreg:$0x0] =	wrdreg $0xFFFFFFFF;
	(pc) =	sbr.abs _section_cstart, $3  }
0xc0: {  	[dreg:$0x1] =	wrdreg $0xFFFFFFFF  }
0xc1: {  	_ =	task.clear_ibuf [dreg:s7], $0x2FFFF;
	_ =	strace $0x9FFFFFFF  }
0xc2: {  	(tm) =	ssettm $0x7FFFFFFF  }
0xc3: {  	_ =	shalt  }
tec
execute0_lowered:
.L_overlay_start_1:
0x0: {  	(tag) =	ssettag $0x1  }
0x1: {  	s0 =	rddreg [dreg:$0x0]  }
0x2: {  	s1 =	rddreg [dreg:$0x1];
	s2 =	simm.s32 $0x0  }
0x3: {  	s3 =	srdreg.scid;
	s5 =	stileid.u32;
	s14 =	simm.s32 $0x3  }
0x4: {  	s16 =	simm.s32 $0x100;
	s15 =	simm.s32 $0x9900;
	s17 =	simm.s32 $0xA100  }
0x5: {  	s18 =	simm.s32 $0xA900;
	s19 =	simm.s32 $0xB100;
	s20 =	simm.s32 $0xC100  }
0x6: {  	s21 =	simm.s32 $0xC900;
	s22 =	simm.s32 $0xD900;
	s11 =	simm.s32 $0xE100  }
0x7: {  	s23 =	simm.s32 $0xE900;
	s24 =	simm.s32 $0xF100;
	s12 =	simm.s32 $0xF900  }
0x8: {  	s25 =	simm.s32 $0x1;
	s13 =	simm.s32 $0x2;
	s26 =	simm.s32 $0x0  }
0x9: {  	[smem:$0x7FF] =	sst s2;
	s3 =	sand.u32 $0x1, s3;
	s5 =	sshll.u32 s5, $0x7  }
0xa: {  	s9 =	sadd.s32 $0x200, s0;
	s8 =	sadd.s32 $0xF0B00, s0;
	s6 =	sshll.u32 s3, $0x6  }
0xb: {  	_ =	strace $0x8000004A;
	s4 =	ssub.s32 $0x2, s3;
	s5 =	sor.u32 s6, s5  }
0xc: {  	s3 =	sadd.s32 $0xF0800, s0;
	s7 =	sshrl.u32 s4, $0x1;
	s6 =	sshrl.u32 s5, $0x3  }
0xd: {  	s4 =	ssub.s32 s4, s7;
	s7 =	sadd.s32 $0xF0A00, s0;
	s28 =	sadd.s32 s9, s6  }
0xe: {  	s10 =	sshll.u32 s5, $0x7;
	s6 =	sadd.s32 s0, s6;
	[dreg:$0x3] =	wrdreg s28  }
0xf: {  	s5 =	sor.u32 $0x20, s5;
	s10 =	sadd.s32 s1, s10;
	[dreg:$0x4] =	wrdreg s6  }
0x10: {  	s29 =	sshrl.u32 s5, $0x3;
	s31 =	smax.u32 s4, $0x1;
	[dreg:$0x5] =	wrdreg s10  }
0x11: {  	s30 =	sshll.u32 s5, $0x7;
	s9 =	sadd.s32 s9, s29;
	[dreg:$0x9] =	wrdreg s31  }
0x12: {  	v2 =	vlaneseq.u32;
	s6 =	sadd.s32 $0xF0900, s0;
	s0 =	sadd.s32 s0, s29;
	[dreg:$0x6] =	wrdreg s9  }
0x13: {  	vm0 =	vmmov $0xffff;
	v1 =	vshrl.u32 v2, $0x3;
	s5 =	simm.s32 $0x9100;
	[dreg:$0x7] =	wrdreg s0;
	s0 =	sadd.s32 s1, s30  }
0x14: {  	v0 =	vand.u32 $0x7, v2;
	v2 =	vor.u32 $0x8, v2;
	v1 =	vmul.u32 $0x8, v1;
	s10 =	simm.s32 $0xD100;
	s9 =	simm.s32 $0xB900;
	[dreg:$0x8] =	wrdreg s0  }
.LBB2_1:
0x15: {  	s0 =	rddreg [dreg:$0x3]  }
0x16: {  	[tilespmem:s2], [sflag:$0x3] =	stream.linear.gather [hbm4b:s0+s2], $0x20, $0x38;
	[tilespmem:$0x10100] =	vst v63  }
0x17: {  	_ =	swait.ge [sflag:s14], $0x20  }
0x18: {  	[sflag:s14] =	ssyncset.done $0x0  }
0x19: {  	s1 =	simm.s32 $0x80;
	s4 =	rddreg [dreg:$0x4];
	[sflag:s14] =	ssyncadd.s32 $0xFFFFFFE0  }
0x1a: {  	[tilespmem:s1], [sflag:$0x3] =	stream.linear.gather [hbm4b:s4+s2], $0x20, $0x38;
	[tilespmem:$0x10100] =	vst v63  }
0x1b: {  	_ =	swait.ge [sflag:s14], $0x20  }
0x1c: {  	[sflag:s14] =	ssyncset.done $0x0  }
0x1d: {  	[sflag:s14] =	ssyncadd.s32 $0xFFFFFFE0  }
0x1e: {  	v3 =	vld [tilespmem:$0x0];
	_ =	sdelay $0x4  }
0x1f: {  	v4 =	vshll.u32 v3, $0x3  }
0x20: {  	v3 =	vand.u32 $0x7, v3;
	v4 =	vand.u32 $0xFFFFFFC0, v4  }
0x21: {  	v3 =	vor.u32 v3, v4  }
0x22: {  	v4 =	vperm.xlane v3, v0;
	_ =	sdelay $0x1  }
0x23: {  	v4 =	vadd.s32 v1, v4;
	_ =	sdelay $0x4  }
0x24: {  	[tilespmem:s16], [sflag:$0x1] =	stream.indirect_vreg.gather [hbm4b:s3+s2], $0x80, v4, vm0, $0xb8;
	[tilespmem:$0x10100] =	vst v63  }
0x25: {  	s4 =	simm.s32 $0x900;
	v3 =	vperm.xlane v3, v2  }
0x26: {  	[tilespmem:s4], [sflag:$0x1] =	stream.indirect_vreg.gather [hbm4b:s6+s2], $0x80, v4, vm0, $0xb8;
	[tilespmem:$0x10100] =	vst v63  }
0x27: {  	s1 =	simm.s32 $0x1100;
	v3 =	vadd.s32 v1, v3  }
0x28: {  	[tilespmem:s1], [sflag:$0x1] =	stream.indirect_vreg.gather [hbm4b:s7+s2], $0x80, v4, vm0, $0xb8;
	[tilespmem:$0x10100] =	vst v63  }
0x29: {  	s4 =	simm.s32 $0x1900  }
0x2a: {  	[tilespmem:s4], [sflag:$0x1] =	stream.indirect_vreg.gather [hbm4b:s8+s2], $0x80, v4, vm0, $0xb8;
	[tilespmem:$0x10100] =	vst v63  }
0x2b: {  	s1 =	simm.s32 $0x2100  }
0x2c: {  	[tilespmem:s1], [sflag:$0x1] =	stream.indirect_vreg.gather [hbm4b:s3+s2], $0x80, v3, vm0, $0xb8;
	[tilespmem:$0x10100] =	vst v63  }
0x2d: {  	s4 =	simm.s32 $0x2900  }
0x2e: {  	[tilespmem:s4], [sflag:$0x1] =	stream.indirect_vreg.gather [hbm4b:s6+s2], $0x80, v3, vm0, $0xb8;
	[tilespmem:$0x10100] =	vst v63  }
0x2f: {  	s1 =	simm.s32 $0x3100  }
0x30: {  	[tilespmem:s1], [sflag:$0x1] =	stream.indirect_vreg.gather [hbm4b:s7+s2], $0x80, v3, vm0, $0xb8;
	[tilespmem:$0x10100] =	vst v63  }
0x31: {  	s4 =	simm.s32 $0x3900  }
0x32: {  	[tilespmem:s4], [sflag:$0x1] =	stream.indirect_vreg.gather [hbm4b:s8+s2], $0x80, v3, vm0, $0xb8;
	[tilespmem:$0x10100] =	vst v63  }
0x33: {  	v3 =	vld [tilespmem:$0x10];
	_ =	sdelay $0x4  }
0x34: {  	v61 =	vshll.u32 v3, $0x3  }
0x35: {  	v3 =	vand.u32 $0x7, v3;
	v4 =	vand.u32 $0xFFFFFFC0, v61  }
0x36: {  	v3 =	vor.u32 v3, v4  }
0x37: {  	v4 =	vperm.xlane v3, v0;
	_ =	sdelay $0x1  }
0x38: {  	v4 =	vadd.s32 v1, v4;
	_ =	sdelay $0x3  }
0x39: {  	s1 =	simm.s32 $0x4100  }
0x3a: {  	[tilespmem:s1], [sflag:$0x1] =	stream.indirect_vreg.gather [hbm4b:s3+s2], $0x80, v4, vm0, $0xb8;
	[tilespmem:$0x10100] =	vst v63  }
0x3b: {  	s4 =	simm.s32 $0x4900;
	v3 =	vperm.xlane v3, v2  }
0x3c: {  	[tilespmem:s4], [sflag:$0x1] =	stream.indirect_vreg.gather [hbm4b:s6+s2], $0x80, v4, vm0, $0xb8;
	[tilespmem:$0x10100] =	vst v63  }
0x3d: {  	v3 =	vadd.s32 v1, v3;
	s1 =	simm.s32 $0x5100  }
0x3e: {  	[tilespmem:s1], [sflag:$0x1] =	stream.indirect_vreg.gather [hbm4b:s7+s2], $0x80, v4, vm0, $0xb8;
	[tilespmem:$0x10100] =	vst v63  }
0x3f: {  	s4 =	simm.s32 $0x5900  }
0x40: {  	[tilespmem:s4], [sflag:$0x1] =	stream.indirect_vreg.gather [hbm4b:s8+s2], $0x80, v4, vm0, $0xb8;
	[tilespmem:$0x10100] =	vst v63  }
0x41: {  	s1 =	simm.s32 $0x6100  }
0x42: {  	[tilespmem:s1], [sflag:$0x1] =	stream.indirect_vreg.gather [hbm4b:s3+s2], $0x80, v3, vm0, $0xb8;
	[tilespmem:$0x10100] =	vst v63  }
0x43: {  	s4 =	simm.s32 $0x6900  }
0x44: {  	[tilespmem:s4], [sflag:$0x1] =	stream.indirect_vreg.gather [hbm4b:s6+s2], $0x80, v3, vm0, $0xb8;
	[tilespmem:$0x10100] =	vst v63  }
0x45: {  	s1 =	simm.s32 $0x7100  }
0x46: {  	[tilespmem:s1], [sflag:$0x1] =	stream.indirect_vreg.gather [hbm4b:s7+s2], $0x80, v3, vm0, $0xb8;
	[tilespmem:$0x10100] =	vst v63  }
0x47: {  	s4 =	simm.s32 $0x7900  }
0x48: {  	[tilespmem:s4], [sflag:$0x1] =	stream.indirect_vreg.gather [hbm4b:s8+s2], $0x80, v3, vm0, $0xb8;
	[tilespmem:$0x10100] =	vst v63  }
0x49: {  	v3 =	vld [tilespmem:$0x80];
	_ =	sdelay $0x4  }
0x4a: {  	v62 =	vshll.u32 v3, $0x3  }
0x4b: {  	v3 =	vand.u32 $0x7, v3;
	v4 =	vand.u32 $0xFFFFFFC0, v62  }
0x4c: {  	v3 =	vor.u32 v3, v4  }
0x4d: {  	v4 =	vperm.xlane v3, v0;
	_ =	sdelay $0x1  }
0x4e: {  	v4 =	vadd.s32 v1, v4;
	_ =	sdelay $0x3  }
0x4f: {  	s1 =	simm.s32 $0x8100  }
0x50: {  	[tilespmem:s1], [sflag:$0x2] =	stream.indirect_vreg.gather [hbm4b:s3+s2], $0x80, v4, vm0, $0xb8;
	[tilespmem:$0x10100] =	vst v63  }
0x51: {  	s4 =	simm.s32 $0x8900;
	v3 =	vperm.xlane v3, v2  }
0x52: {  	[tilespmem:s4], [sflag:$0x2] =	stream.indirect_vreg.gather [hbm4b:s6+s2], $0x80, v4, vm0, $0xb8;
	[tilespmem:$0x10100] =	vst v63  }
0x53: {  	v3 =	vadd.s32 v1, v3  }
0x54: {  	[tilespmem:s5], [sflag:$0x2] =	stream.indirect_vreg.gather [hbm4b:s7+s2], $0x80, v4, vm0, $0xb8;
	[tilespmem:$0x10100] =	vst v63  }
0x55: {  	_ = 	snop  }
0x56: {  	[tilespmem:s15], [sflag:$0x2] =	stream.indirect_vreg.gather [hbm4b:s8+s2], $0x80, v4, vm0, $0xb8;
	[tilespmem:$0x10100] =	vst v63  }
0x57: {  	_ = 	snop  }
0x58: {  	[tilespmem:s17], [sflag:$0x2] =	stream.indirect_vreg.gather [hbm4b:s3+s2], $0x80, v3, vm0, $0xb8;
	[tilespmem:$0x10100] =	vst v63  }
0x59: {  	_ = 	snop  }
0x5a: {  	[tilespmem:s18], [sflag:$0x2] =	stream.indirect_vreg.gather [hbm4b:s6+s2], $0x80, v3, vm0, $0xb8;
	[tilespmem:$0x10100] =	vst v63  }
0x5b: {  	_ = 	snop  }
0x5c: {  	[tilespmem:s19], [sflag:$0x2] =	stream.indirect_vreg.gather [hbm4b:s7+s2], $0x80, v3, vm0, $0xb8;
	[tilespmem:$0x10100] =	vst v63  }
0x5d: {  	_ = 	snop  }
0x5e: {  	[tilespmem:s9], [sflag:$0x2] =	stream.indirect_vreg.gather [hbm4b:s8+s2], $0x80, v3, vm0, $0xb8;
	[tilespmem:$0x10100] =	vst v63  }
0x5f: {  	v3 =	vld [tilespmem:$0x90];
	_ =	sdelay $0x4  }
0x60: {  	v63 =	vshll.u32 v3, $0x3  }
0x61: {  	v3 =	vand.u32 $0x7, v3;
	v4 =	vand.u32 $0xFFFFFFC0, v63  }
0x62: {  	v3 =	vor.u32 v3, v4  }
0x63: {  	v4 =	vperm.xlane v3, v0;
	_ =	sdelay $0x1  }
0x64: {  	v4 =	vadd.s32 v1, v4;
	_ =	sdelay $0x4  }
0x65: {  	[tilespmem:s20], [sflag:$0x2] =	stream.indirect_vreg.gather [hbm4b:s3+s2], $0x80, v4, vm0, $0xb8;
	[tilespmem:$0x10100] =	vst v63  }
0x66: {  	v3 =	vperm.xlane v3, v2  }
0x67: {  	[tilespmem:s21], [sflag:$0x2] =	stream.indirect_vreg.gather [hbm4b:s6+s2], $0x80, v4, vm0, $0xb8;
	[tilespmem:$0x10100] =	vst v63  }
0x68: {  	v3 =	vadd.s32 v1, v3  }
0x69: {  	[tilespmem:s10], [sflag:$0x2] =	stream.indirect_vreg.gather [hbm4b:s7+s2], $0x80, v4, vm0, $0xb8;
	[tilespmem:$0x10100] =	vst v63  }
0x6a: {  	_ = 	snop  }
0x6b: {  	[tilespmem:s22], [sflag:$0x2] =	stream.indirect_vreg.gather [hbm4b:s8+s2], $0x80, v4, vm0, $0xb8;
	[tilespmem:$0x10100] =	vst v63  }
0x6c: {  	_ = 	snop  }
0x6d: {  	[tilespmem:s11], [sflag:$0x2] =	stream.indirect_vreg.gather [hbm4b:s3+s2], $0x80, v3, vm0, $0xb8;
	[tilespmem:$0x10100] =	vst v63  }
0x6e: {  	_ = 	snop  }
0x6f: {  	[tilespmem:s23], [sflag:$0x2] =	stream.indirect_vreg.gather [hbm4b:s6+s2], $0x80, v3, vm0, $0xb8;
	[tilespmem:$0x10100] =	vst v63  }
0x70: {  	_ = 	snop  }
0x71: {  	[tilespmem:s24], [sflag:$0x2] =	stream.indirect_vreg.gather [hbm4b:s7+s2], $0x80, v3, vm0, $0xb8;
	[tilespmem:$0x10100] =	vst v63  }
0x72: {  	_ = 	snop  }
0x73: {  	[tilespmem:s12], [sflag:$0x2] =	stream.indirect_vreg.gather [hbm4b:s8+s2], $0x80, v3, vm0, $0xb8;
	[tilespmem:$0x10100] =	vst v63  }
0x74: {  	_ =	swait.ge [sflag:s25], $0x8000  }
0x75: {  	[sflag:s25] =	ssyncset.done $0x0  }
0x76: {  	[sflag:s25] =	ssyncadd.s32 $0xFFFF8000  }
0x77: {  	_ =	swait.ge [sflag:s13], $0x8000  }
0x78: {  	s28 =	simm.s32 $0xFFFF8000;
	s29 =	simm.s32 $0x0;
	[sflag:s13] =	ssyncset.done $0x0  }
0x79: {  	s30 =	simm.s32 $0x0;
	s31 =	simm.s32 $0x0;
	[sflag:s13] =	ssyncadd.s32 $0xFFFF8000  }
.LBB2_2:
0x7a: {  	s0 =	sadd.s32 $0x8000, s28  }
0x7b: {  	s1 =	sand.u32 $0x380, s31;
	s0 =	sand.u32 $0x6000, s0  }
0x7c: {  	s0 =	sor.u32 s1, s0  }
0x7d: {  	v3 =	vld [tilespmem:s0+$0x100]  }
0x7e: {  	v4 =	vld [tilespmem:s0+$0x8100]  }
0x7f: {  	v5 =	vld [tilespmem:s0+$0x110]  }
0x80: {  	v6 =	vld [tilespmem:s0+$0x8110]  }
0x81: {  	v7 =	vld [tilespmem:s0+$0x120]  }
0x82: {  	v8 =	vld [tilespmem:s0+$0x8120]  }
0x83: {  	v9 =	vld [tilespmem:s0+$0x130]  }
0x84: {  	v10 =	vld [tilespmem:s0+$0x8130]  }
0x85: {  	v11 =	vld [tilespmem:s0+$0x140]  }
0x86: {  	v12 =	vld [tilespmem:s0+$0x8140]  }
0x87: {  	v13 =	vld [tilespmem:s0+$0x150]  }
0x88: {  	v14 =	vld [tilespmem:s0+$0x8150]  }
0x89: {  	v15 =	vld [tilespmem:s0+$0x160]  }
0x8a: {  	v16 =	vld [tilespmem:s0+$0x8160]  }
0x8b: {  	v17 =	vld [tilespmem:s0+$0x170]  }
0x8c: {  	v18 =	vld [tilespmem:s0+$0x8170]  }
0x8d: {  	v19 =	vld [tilespmem:s0+$0x500]  }
0x8e: {  	v20 =	vld [tilespmem:s0+$0x8500]  }
0x8f: {  	v21 =	vld [tilespmem:s0+$0x510]  }
0x90: {  	v22 =	vld [tilespmem:s0+$0x8510]  }
0x91: {  	v23 =	vld [tilespmem:s0+$0x520]  }
0x92: {  	v24 =	vld [tilespmem:s0+$0x8520]  }
0x93: {  	v25 =	vld [tilespmem:s0+$0x530]  }
0x94: {  	v26 =	vld [tilespmem:s0+$0x8530]  }
0x95: {  	v27 =	vld [tilespmem:s0+$0x540]  }
0x96: {  	v28 =	vld [tilespmem:s0+$0x8540]  }
0x97: {  	v29 =	vld [tilespmem:s0+$0x550]  }
0x98: {  	v30 =	vld [tilespmem:s0+$0x8550]  }
0x99: {  	v31 =	vld [tilespmem:s0+$0x560]  }
0x9a: {  	v32 =	vld [tilespmem:s0+$0x8560]  }
0x9b: {  	v33 =	vld [tilespmem:s0+$0x570]  }
0x9c: {  	v34 =	vld [tilespmem:s0+$0x8570]  }
0x9d: {  	v35 =	vld [tilespmem:s0+$0x900]  }
0x9e: {  	v36 =	vld [tilespmem:s0+$0x8900]  }
0x9f: {  	v37 =	vld [tilespmem:s0+$0x910]  }
0xa0: {  	v38 =	vld [tilespmem:s0+$0x8910]  }
0xa1: {  	v39 =	vld [tilespmem:s0+$0x920]  }
0xa2: {  	v40 =	vld [tilespmem:s0+$0x8920]  }
0xa3: {  	v41 =	vld [tilespmem:s0+$0x930]  }
0xa4: {  	v42 =	vld [tilespmem:s0+$0x8930]  }
0xa5: {  	v43 =	vld [tilespmem:s0+$0x940]  }
0xa6: {  	v44 =	vld [tilespmem:s0+$0x8940]  }
0xa7: {  	v45 =	vld [tilespmem:s0+$0x950]  }
0xa8: {  	v46 =	vld [tilespmem:s0+$0x8950]  }
0xa9: {  	v47 =	vld [tilespmem:s0+$0x960]  }
0xaa: {  	v48 =	vld [tilespmem:s0+$0x8960]  }
0xab: {  	v49 =	vld [tilespmem:s0+$0x970]  }
0xac: {  	v50 =	vld [tilespmem:s0+$0x8970]  }
0xad: {  	v51 =	vld [tilespmem:s0+$0xD00]  }
0xae: {  	v52 =	vld [tilespmem:s0+$0x8D00]  }
0xaf: {  	v53 =	vld [tilespmem:s0+$0xD10]  }
0xb0: {  	v54 =	vld [tilespmem:s0+$0x8D10]  }
0xb1: {  	v55 =	vld [tilespmem:s0+$0xD20]  }
0xb2: {  	v56 =	vld [tilespmem:s0+$0x8D20]  }
0xb3: {  	v57 =	vld [tilespmem:s0+$0xD30]  }
0xb4: {  	v58 =	vld [tilespmem:s0+$0x8D30]  }
0xb5: {  	v59 =	vld [tilespmem:s0+$0xD40]  }
0xb6: {  	v60 =	vld [tilespmem:s0+$0x8D40]  }
0xb7: {  	v61 =	vld [tilespmem:s0+$0xD50]  }
0xb8: {  	v62 =	vld [tilespmem:s0+$0x8D50]  }
0xb9: {  	v63 =	vld [tilespmem:s0+$0xD60]  }
0xba: {  	v3 =	vadd.f32 v4, v3;
	v4 =	vld [tilespmem:s0+$0x8D60]  }
0xbb: {  	v5 =	vadd.f32 v6, v5;
	v6 =	vld [tilespmem:s0+$0xD70]  }
0xbc: {  	v14 =	vadd.f32 v14, v13;
	v13 =	vld [tilespmem:s0+$0x9120];
	[tilespmem:s0+$0x100] =	vst v3;
	v3 =	vadd.f32 v8, v7  }
0xbd: {  	v18 =	vadd.f32 v18, v17;
	v17 =	vld [tilespmem:s0+$0x9140];
	[tilespmem:s0+$0x110] =	vst v5  }
0xbe: {  	v22 =	vadd.f32 v22, v21;
	v21 =	vld [tilespmem:s0+$0x9160];
	[tilespmem:s0+$0x120] =	vst v3;
	v3 =	vadd.f32 v12, v11  }
0xbf: {  	v7 =	vld [tilespmem:s0+$0x8D70];
	[tilespmem:s0+$0x150] =	vst v14  }
0xc0: {  	v8 =	vld [tilespmem:s0+$0x1100];
	[tilespmem:s0+$0x140] =	vst v3;
	v3 =	vadd.f32 v16, v15  }
0xc1: {  	v5 =	vadd.f32 v10, v9;
	v9 =	vld [tilespmem:s0+$0x9100];
	[tilespmem:s0+$0x170] =	vst v18  }
0xc2: {  	v10 =	vld [tilespmem:s0+$0x1110];
	[tilespmem:s0+$0x160] =	vst v3;
	v3 =	vadd.f32 v20, v19  }
0xc3: {  	v26 =	vadd.f32 v26, v25;
	v14 =	vld [tilespmem:s0+$0x1130];
	[tilespmem:s0+$0x510] =	vst v22  }
0xc4: {  	v18 =	vld [tilespmem:s0+$0x1150];
	[tilespmem:s0+$0x500] =	vst v3;
	v3 =	vadd.f32 v24, v23  }
0xc5: {  	v30 =	vadd.f32 v30, v29;
	[tilespmem:s0+$0x530] =	vst v26;
	v22 =	vld [tilespmem:s0+$0x1170]  }
0xc6: {  	v19 =	vld [tilespmem:s0+$0x9150];
	[tilespmem:s0+$0x520] =	vst v3;
	v3 =	vadd.f32 v28, v27  }
0xc7: {  	v34 =	vadd.f32 v34, v33;
	[tilespmem:s0+$0x550] =	vst v30;
	v11 =	vld [tilespmem:s0+$0x9110]  }
0xc8: {  	v12 =	vld [tilespmem:s0+$0x1120];
	[tilespmem:s0+$0x540] =	vst v3;
	v3 =	vadd.f32 v32, v31  }
0xc9: {  	[tilespmem:s0+$0x570] =	vst v34;
	v15 =	vld [tilespmem:s0+$0x9130]  }
0xca: {  	v16 =	vld [tilespmem:s0+$0x1140];
	[tilespmem:s0+$0x560] =	vst v3;
	v3 =	vadd.f32 v36, v35  }
0xcb: {  	[tilespmem:s0+$0x130] =	vst v5;
	v20 =	vld [tilespmem:s0+$0x1160];
	v19 =	vadd.f32 v19, v18  }
0xcc: {  	v24 =	vld [tilespmem:s0+$0x1500];
	[tilespmem:s0+$0x900] =	vst v3;
	v3 =	vadd.f32 v40, v39  }
0xcd: {  	[tilespmem:s0+$0x1150] =	vst v19;
	v36 =	vadd.f32 v38, v37;
	v37 =	vld [tilespmem:s0+$0x9170]  }
0xce: {  	v38 =	vadd.f32 v42, v41;
	v41 =	vld [tilespmem:s0+$0x1510];
	[tilespmem:s0+$0x920] =	vst v3;
	v3 =	vadd.f32 v44, v43  }
0xcf: {  	v42 =	vld [tilespmem:s0+$0x9510];
	[tilespmem:s0+$0x910] =	vst v36  }
0xd0: {  	v35 =	vld [tilespmem:s0+$0x1910];
	[tilespmem:s0+$0x940] =	vst v3;
	v3 =	vadd.f32 v48, v47  }
0xd1: {  	v39 =	vld [tilespmem:s0+$0x9500];
	[tilespmem:s0+$0x930] =	vst v38;
	v40 =	vadd.f32 v46, v45  }
0xd2: {  	v45 =	vld [tilespmem:s0+$0x9520];
	[tilespmem:s0+$0x960] =	vst v3;
	v3 =	vadd.f32 v52, v51  }
0xd3: {  	v46 =	vadd.f32 v54, v53;
	v53 =	vld [tilespmem:s0+$0x1550];
	[tilespmem:s0+$0x950] =	vst v40  }
0xd4: {  	v54 =	vld [tilespmem:s0+$0x9550];
	[tilespmem:s0+$0xD00] =	vst v3;
	v3 =	vadd.f32 v56, v55  }
0xd5: {  	v36 =	vld [tilespmem:s0+$0x9910];
	v43 =	vadd.f32 v50, v49;
	[tilespmem:s0+$0xD10] =	vst v46  }
0xd6: {  	v38 =	vld [tilespmem:s0+$0x1920];
	[tilespmem:s0+$0xD20] =	vst v3;
	v3 =	vadd.f32 v60, v59  }
0xd7: {  	v44 =	vld [tilespmem:s0+$0x1520];
	v49 =	vadd.f32 v58, v57;
	[tilespmem:s0+$0x970] =	vst v43  }
0xd8: {  	v50 =	vld [tilespmem:s0+$0x1540];
	[tilespmem:s0+$0xD40] =	vst v3;
	v3 =	vadd.f32 v4, v63  }
0xd9: {  	v57 =	vld [tilespmem:s0+$0x9560];
	v58 =	vadd.f32 v11, v10;
	[tilespmem:s0+$0xD30] =	vst v49  }
0xda: {  	v46 =	vld [tilespmem:s0+$0x9950];
	[tilespmem:s0+$0xD60] =	vst v3;
	v3 =	vadd.f32 v9, v8  }
0xdb: {  	v37 =	vadd.f32 v37, v22;
	v40 =	vadd.f32 v42, v41;
	v41 =	vld [tilespmem:s0+$0x1930];
	[tilespmem:s0+$0x1110] =	vst v58  }
0xdc: {  	v42 =	vld [tilespmem:s0+$0x9930];
	[tilespmem:s0+$0x1100] =	vst v3;
	v3 =	vadd.f32 v13, v12  }
0xdd: {  	v47 =	vld [tilespmem:s0+$0x1530];
	[tilespmem:s0+$0x1170] =	vst v37  }
0xde: {  	v48 =	vld [tilespmem:s0+$0x9530];
	[tilespmem:s0+$0x1120] =	vst v3;
	v3 =	vadd.f32 v17, v16  }
0xdf: {  	v49 =	vld [tilespmem:s0+$0x9960];
	[tilespmem:s0+$0x1510] =	vst v40;
	v52 =	vadd.f32 v62, v61  }
0xe0: {  	v51 =	vld [tilespmem:s0+$0x9540];
	[tilespmem:s0+$0x1140] =	vst v3;
	v3 =	vadd.f32 v21, v20  }
0xe1: {  	v61 =	vadd.f32 v15, v14;
	v62 =	vld [tilespmem:s0+$0x1900];
	[tilespmem:s0+$0xD50] =	vst v52  }
0xe2: {  	v56 =	vld [tilespmem:s0+$0x1560];
	[tilespmem:s0+$0x1160] =	vst v3;
	v3 =	vadd.f32 v39, v24  }
0xe3: {  	v55 =	vadd.f32 v7, v6;
	[tilespmem:s0+$0x1130] =	vst v61;
	v52 =	vld [tilespmem:s0+$0x9970]  }
0xe4: {  	v43 =	vadd.f32 v48, v47;
	v47 =	vld [tilespmem:s0+$0x1960];
	[tilespmem:s0+$0x1500] =	vst v3;
	v3 =	vadd.f32 v45, v44  }
0xe5: {  	[tilespmem:s0+$0xD70] =	vst v55;
	v63 =	vld [tilespmem:s0+$0x9900]  }
0xe6: {  	v59 =	vld [tilespmem:s0+$0x1570];
	[tilespmem:s0+$0x1520] =	vst v3;
	v3 =	vadd.f32 v51, v50  }
0xe7: {  	[tilespmem:s0+$0x1530] =	vst v43;
	v4 =	vadd.f32 v54, v53;
	v39 =	vld [tilespmem:s0+$0x9920]  }
0xe8: {  	v60 =	vld [tilespmem:s0+$0x9570];
	[tilespmem:s0+$0x1540] =	vst v3;
	v3 =	vadd.f32 v57, v56  }
0xe9: {  	v54 =	vadd.f32 v42, v41;
	[tilespmem:s0+$0x1550] =	vst v4;
	v45 =	vld [tilespmem:s0+$0x1950]  }
0xea: {  	v53 =	vld [tilespmem:s0+$0x9940];
	[tilespmem:s0+$0x1560] =	vst v3;
	v3 =	vadd.f32 v63, v62  }
0xeb: {  	[tilespmem:s0+$0x1930] =	vst v54;
	v55 =	vadd.f32 v49, v47;
	v50 =	vld [tilespmem:s0+$0x1970]  }
0xec: {  	v44 =	vld [tilespmem:s0+$0x1940];
	[tilespmem:s0+$0x1900] =	vst v3;
	v3 =	vadd.f32 v39, v38  }
0xed: {  	v48 =	vadd.f32 v60, v59;
	[tilespmem:s0+$0x1960] =	vst v55  }
0xee: {  	[tilespmem:s0+$0x1920] =	vst v3;
	v3 =	vadd.f32 v46, v45  }
0xef: {  	s4 =	sand.u32 $0x7, s29;
	[tilespmem:s0+$0x1570] =	vst v48;
	v51 =	vadd.f32 v36, v35  }
0xf0: {  	s1 =	sshll.u32 s4, $0x7;
	[tilespmem:s0+$0x1950] =	vst v3;
	v3 =	vadd.f32 v52, v50  }
0xf1: {  	s1 =	sadd.s32 s1, s30;
	[tilespmem:s0+$0x1910] =	vst v51;
	v56 =	vadd.f32 v53, v44  }
0xf2: {  	s4 =	sor.u32 $0x1C00, s1;
	[tilespmem:s0+$0x1970] =	vst v3  }
0xf3: {  	[tilespmem:s0+$0x1940] =	vst v56;
	v3 =	vld [tilespmem:s4+$0x100]  }
0xf4: {  	v4 =	vld [tilespmem:s4+$0x8100];
	_ =	sdelay $0x4  }
0xf5: {  	v3 =	vadd.f32 v4, v3;
	_ =	sdelay $0x1  }
0xf6: {  	[tilespmem:s4+$0x100] =	vst v3;
	s4 =	sor.u32 $0x1C10, s1  }
0xf7: {  	v3 =	vld [tilespmem:s4+$0x100]  }
0xf8: {  	v57 =	vld [tilespmem:s4+$0x8100];
	_ =	sdelay $0x4  }
0xf9: {  	v3 =	vadd.f32 v57, v3;
	_ =	sdelay $0x1  }
0xfa: {  	[tilespmem:s4+$0x100] =	vst v3;
	s4 =	sor.u32 $0x1C20, s1  }
0xfb: {  	v3 =	vld [tilespmem:s4+$0x100]  }
0xfc: {  	v58 =	vld [tilespmem:s4+$0x8100];
	_ =	sdelay $0x4  }
0xfd: {  	v3 =	vadd.f32 v58, v3;
	_ =	sdelay $0x1  }
0xfe: {  	[tilespmem:s4+$0x100] =	vst v3;
	s4 =	sor.u32 $0x1C30, s1  }
0xff: {  	v3 =	vld [tilespmem:s4+$0x100]  }
0x100: {  	v59 =	vld [tilespmem:s4+$0x8100];
	_ =	sdelay $0x4  }
0x101: {  	v3 =	vadd.f32 v59, v3;
	_ =	sdelay $0x1  }
0x102: {  	[tilespmem:s4+$0x100] =	vst v3;
	s4 =	sor.u32 $0x1C40, s1  }
0x103: {  	v3 =	vld [tilespmem:s4+$0x100]  }
0x104: {  	v60 =	vld [tilespmem:s4+$0x8100];
	_ =	sdelay $0x4  }
0x105: {  	v3 =	vadd.f32 v60, v3;
	_ =	sdelay $0x1  }
0x106: {  	[tilespmem:s4+$0x100] =	vst v3;
	s4 =	sor.u32 $0x1C50, s1  }
0x107: {  	v3 =	vld [tilespmem:s4+$0x100]  }
0x108: {  	v61 =	vld [tilespmem:s4+$0x8100];
	_ =	sdelay $0x4  }
0x109: {  	v3 =	vadd.f32 v61, v3;
	_ =	sdelay $0x1  }
0x10a: {  	[tilespmem:s4+$0x100] =	vst v3;
	s4 =	sor.u32 $0x1C60, s1  }
0x10b: {  	v3 =	vld [tilespmem:s4+$0x100]  }
0x10c: {  	v62 =	vld [tilespmem:s4+$0x8100];
	_ =	sdelay $0x4  }
0x10d: {  	v3 =	vadd.f32 v62, v3;
	_ =	sdelay $0x1  }
0x10e: {  	[tilespmem:s4+$0x100] =	vst v3;
	s4 =	sor.u32 $0x1C70, s1  }
0x10f: {  	v3 =	vld [tilespmem:s4+$0x100]  }
0x110: {  	v63 =	vld [tilespmem:s4+$0x8100];
	_ =	sdelay $0x1  }
0x111: {  	p0 =	sne.s32 s31, $0xF80  }
.Ltmp0:
0x112: {  	_ = 	snop;
	(pc) =	sbr.rel @p0 .LBB2_2-.Ltmp0, $4  }
0x113: {  	_ = 	snop  }
0x114: {  	v3 =	vadd.f32 v63, v3  }
0x115: {  	s29 =	sadd.s32 $0x1, s29  }
0x116: {  	s28 =	sadd.s32 $0x400, s28;
	s31 =	sadd.s32 $0x80, s31;
	s30 =	sadd.s32 $0x400, s30;
	[tilespmem:s4+$0x100] =	vst v3  }
0x117: {  	s28 =	simm.s32 $0x0;
	s0 =	rddreg [dreg:$0x5]  }
0x118: {  	[hbm4b:s0+s28] =	stream.linear.scatter [tilespmem:s16], [sflag:$0x3], $0x8000, $0x38;
	[tilespmem:$0x10100] =	vst v63  }
0x119: {  	_ =	swait.ge [sflag:s14], $0x8000  }
0x11a: {  	[sflag:s14] =	ssyncset.done $0x0  }
0x11b: {  	s1 =	rddreg [dreg:$0x6];
	[sflag:s14] =	ssyncadd.s32 $0xFFFF8000  }
0x11c: {  	[tilespmem:s28], [sflag:$0x3] =	stream.linear.gather [hbm4b:s1+s28], $0x20, $0x38;
	[tilespmem:$0x10100] =	vst v63  }
0x11d: {  	_ =	swait.ge [sflag:s14], $0x20  }
0x11e: {  	[sflag:s14] =	ssyncset.done $0x0  }
0x11f: {  	s1 =	simm.s32 $0x80;
	s4 =	rddreg [dreg:$0x7];
	[sflag:s14] =	ssyncadd.s32 $0xFFFFFFE0  }
0x120: {  	[tilespmem:s1], [sflag:$0x3] =	stream.linear.gather [hbm4b:s4+s28], $0x20, $0x38;
	[tilespmem:$0x10100] =	vst v63  }
0x121: {  	_ =	swait.ge [sflag:s14], $0x20  }
0x122: {  	[sflag:s14] =	ssyncset.done $0x0  }
0x123: {  	[sflag:s14] =	ssyncadd.s32 $0xFFFFFFE0  }
0x124: {  	v3 =	vld [tilespmem:$0x0];
	_ =	sdelay $0x4  }
0x125: {  	v4 =	vshll.u32 v3, $0x3  }
0x126: {  	v3 =	vand.u32 $0x7, v3;
	v4 =	vand.u32 $0xFFFFFFC0, v4  }
0x127: {  	v3 =	vor.u32 v3, v4  }
0x128: {  	v4 =	vperm.xlane v3, v0;
	_ =	sdelay $0x1  }
0x129: {  	v4 =	vadd.s32 v1, v4;
	_ =	sdelay $0x4  }
0x12a: {  	[tilespmem:s16], [sflag:$0x1] =	stream.indirect_vreg.gather [hbm4b:s3+s28], $0x80, v4, vm0, $0xb8;
	[tilespmem:$0x10100] =	vst v63  }
0x12b: {  	s4 =	simm.s32 $0x900;
	v3 =	vperm.xlane v3, v2  }
0x12c: {  	[tilespmem:s4], [sflag:$0x1] =	stream.indirect_vreg.gather [hbm4b:s6+s28], $0x80, v4, vm0, $0xb8;
	[tilespmem:$0x10100] =	vst v63  }
0x12d: {  	s1 =	simm.s32 $0x1100;
	v3 =	vadd.s32 v1, v3  }
0x12e: {  	[tilespmem:s1], [sflag:$0x1] =	stream.indirect_vreg.gather [hbm4b:s7+s28], $0x80, v4, vm0, $0xb8;
	[tilespmem:$0x10100] =	vst v63  }
0x12f: {  	s4 =	simm.s32 $0x1900  }
0x130: {  	[tilespmem:s4], [sflag:$0x1] =	stream.indirect_vreg.gather [hbm4b:s8+s28], $0x80, v4, vm0, $0xb8;
	[tilespmem:$0x10100] =	vst v63  }
0x131: {  	s1 =	simm.s32 $0x2100  }
0x132: {  	[tilespmem:s1], [sflag:$0x1] =	stream.indirect_vreg.gather [hbm4b:s3+s28], $0x80, v3, vm0, $0xb8;
	[tilespmem:$0x10100] =	vst v63  }
0x133: {  	s4 =	simm.s32 $0x2900  }
0x134: {  	[tilespmem:s4], [sflag:$0x1] =	stream.indirect_vreg.gather [hbm4b:s6+s28], $0x80, v3, vm0, $0xb8;
	[tilespmem:$0x10100] =	vst v63  }
0x135: {  	s1 =	simm.s32 $0x3100  }
0x136: {  	[tilespmem:s1], [sflag:$0x1] =	stream.indirect_vreg.gather [hbm4b:s7+s28], $0x80, v3, vm0, $0xb8;
	[tilespmem:$0x10100] =	vst v63  }
0x137: {  	s4 =	simm.s32 $0x3900  }
0x138: {  	[tilespmem:s4], [sflag:$0x1] =	stream.indirect_vreg.gather [hbm4b:s8+s28], $0x80, v3, vm0, $0xb8;
	[tilespmem:$0x10100] =	vst v63  }
0x139: {  	v3 =	vld [tilespmem:$0x10];
	_ =	sdelay $0x4  }
0x13a: {  	v61 =	vshll.u32 v3, $0x3  }
0x13b: {  	v3 =	vand.u32 $0x7, v3;
	v4 =	vand.u32 $0xFFFFFFC0, v61  }
0x13c: {  	v3 =	vor.u32 v3, v4  }
0x13d: {  	v4 =	vperm.xlane v3, v0;
	_ =	sdelay $0x1  }
0x13e: {  	v4 =	vadd.s32 v1, v4;
	_ =	sdelay $0x3  }
0x13f: {  	s1 =	simm.s32 $0x4100  }
0x140: {  	[tilespmem:s1], [sflag:$0x1] =	stream.indirect_vreg.gather [hbm4b:s3+s28], $0x80, v4, vm0, $0xb8;
	[tilespmem:$0x10100] =	vst v63  }
0x141: {  	s4 =	simm.s32 $0x4900;
	v3 =	vperm.xlane v3, v2  }
0x142: {  	[tilespmem:s4], [sflag:$0x1] =	stream.indirect_vreg.gather [hbm4b:s6+s28], $0x80, v4, vm0, $0xb8;
	[tilespmem:$0x10100] =	vst v63  }
0x143: {  	v3 =	vadd.s32 v1, v3;
	s1 =	simm.s32 $0x5100  }
0x144: {  	[tilespmem:s1], [sflag:$0x1] =	stream.indirect_vreg.gather [hbm4b:s7+s28], $0x80, v4, vm0, $0xb8;
	[tilespmem:$0x10100] =	vst v63  }
0x145: {  	s4 =	simm.s32 $0x5900  }
0x146: {  	[tilespmem:s4], [sflag:$0x1] =	stream.indirect_vreg.gather [hbm4b:s8+s28], $0x80, v4, vm0, $0xb8;
	[tilespmem:$0x10100] =	vst v63  }
0x147: {  	s1 =	simm.s32 $0x6100  }
0x148: {  	[tilespmem:s1], [sflag:$0x1] =	stream.indirect_vreg.gather [hbm4b:s3+s28], $0x80, v3, vm0, $0xb8;
	[tilespmem:$0x10100] =	vst v63  }
0x149: {  	s4 =	simm.s32 $0x6900  }
0x14a: {  	[tilespmem:s4], [sflag:$0x1] =	stream.indirect_vreg.gather [hbm4b:s6+s28], $0x80, v3, vm0, $0xb8;
	[tilespmem:$0x10100] =	vst v63  }
0x14b: {  	s1 =	simm.s32 $0x7100  }
0x14c: {  	[tilespmem:s1], [sflag:$0x1] =	stream.indirect_vreg.gather [hbm4b:s7+s28], $0x80, v3, vm0, $0xb8;
	[tilespmem:$0x10100] =	vst v63  }
0x14d: {  	s4 =	simm.s32 $0x7900  }
0x14e: {  	[tilespmem:s4], [sflag:$0x1] =	stream.indirect_vreg.gather [hbm4b:s8+s28], $0x80, v3, vm0, $0xb8;
	[tilespmem:$0x10100] =	vst v63  }
0x14f: {  	v3 =	vld [tilespmem:$0x80];
	_ =	sdelay $0x4  }
0x150: {  	v62 =	vshll.u32 v3, $0x3  }
0x151: {  	v3 =	vand.u32 $0x7, v3;
	v4 =	vand.u32 $0xFFFFFFC0, v62  }
0x152: {  	v3 =	vor.u32 v3, v4  }
0x153: {  	v4 =	vperm.xlane v3, v0;
	_ =	sdelay $0x1  }
0x154: {  	v4 =	vadd.s32 v1, v4;
	_ =	sdelay $0x3  }
0x155: {  	s1 =	simm.s32 $0x8100  }
0x156: {  	[tilespmem:s1], [sflag:$0x2] =	stream.indirect_vreg.gather [hbm4b:s3+s28], $0x80, v4, vm0, $0xb8;
	[tilespmem:$0x10100] =	vst v63  }
0x157: {  	s4 =	simm.s32 $0x8900;
	v3 =	vperm.xlane v3, v2  }
0x158: {  	[tilespmem:s4], [sflag:$0x2] =	stream.indirect_vreg.gather [hbm4b:s6+s28], $0x80, v4, vm0, $0xb8;
	[tilespmem:$0x10100] =	vst v63  }
0x159: {  	v3 =	vadd.s32 v1, v3  }
0x15a: {  	[tilespmem:s5], [sflag:$0x2] =	stream.indirect_vreg.gather [hbm4b:s7+s28], $0x80, v4, vm0, $0xb8;
	[tilespmem:$0x10100] =	vst v63  }
0x15b: {  	_ = 	snop  }
0x15c: {  	[tilespmem:s15], [sflag:$0x2] =	stream.indirect_vreg.gather [hbm4b:s8+s28], $0x80, v4, vm0, $0xb8;
	[tilespmem:$0x10100] =	vst v63  }
0x15d: {  	_ = 	snop  }
0x15e: {  	[tilespmem:s17], [sflag:$0x2] =	stream.indirect_vreg.gather [hbm4b:s3+s28], $0x80, v3, vm0, $0xb8;
	[tilespmem:$0x10100] =	vst v63  }
0x15f: {  	_ = 	snop  }
0x160: {  	[tilespmem:s18], [sflag:$0x2] =	stream.indirect_vreg.gather [hbm4b:s6+s28], $0x80, v3, vm0, $0xb8;
	[tilespmem:$0x10100] =	vst v63  }
0x161: {  	_ = 	snop  }
0x162: {  	[tilespmem:s19], [sflag:$0x2] =	stream.indirect_vreg.gather [hbm4b:s7+s28], $0x80, v3, vm0, $0xb8;
	[tilespmem:$0x10100] =	vst v63  }
0x163: {  	_ = 	snop  }
0x164: {  	[tilespmem:s9], [sflag:$0x2] =	stream.indirect_vreg.gather [hbm4b:s8+s28], $0x80, v3, vm0, $0xb8;
	[tilespmem:$0x10100] =	vst v63  }
0x165: {  	v3 =	vld [tilespmem:$0x90];
	_ =	sdelay $0x4  }
0x166: {  	v63 =	vshll.u32 v3, $0x3  }
0x167: {  	v3 =	vand.u32 $0x7, v3;
	v4 =	vand.u32 $0xFFFFFFC0, v63  }
0x168: {  	v3 =	vor.u32 v3, v4  }
0x169: {  	v4 =	vperm.xlane v3, v0;
	_ =	sdelay $0x1  }
0x16a: {  	v4 =	vadd.s32 v1, v4;
	_ =	sdelay $0x4  }
0x16b: {  	[tilespmem:s20], [sflag:$0x2] =	stream.indirect_vreg.gather [hbm4b:s3+s28], $0x80, v4, vm0, $0xb8;
	[tilespmem:$0x10100] =	vst v63  }
0x16c: {  	v3 =	vperm.xlane v3, v2  }
0x16d: {  	[tilespmem:s21], [sflag:$0x2] =	stream.indirect_vreg.gather [hbm4b:s6+s28], $0x80, v4, vm0, $0xb8;
	[tilespmem:$0x10100] =	vst v63  }
0x16e: {  	v3 =	vadd.s32 v1, v3  }
0x16f: {  	[tilespmem:s10], [sflag:$0x2] =	stream.indirect_vreg.gather [hbm4b:s7+s28], $0x80, v4, vm0, $0xb8;
	[tilespmem:$0x10100] =	vst v63  }
0x170: {  	_ = 	snop  }
0x171: {  	[tilespmem:s22], [sflag:$0x2] =	stream.indirect_vreg.gather [hbm4b:s8+s28], $0x80, v4, vm0, $0xb8;
	[tilespmem:$0x10100] =	vst v63  }
0x172: {  	_ = 	snop  }
0x173: {  	[tilespmem:s11], [sflag:$0x2] =	stream.indirect_vreg.gather [hbm4b:s3+s28], $0x80, v3, vm0, $0xb8;
	[tilespmem:$0x10100] =	vst v63  }
0x174: {  	_ = 	snop  }
0x175: {  	[tilespmem:s23], [sflag:$0x2] =	stream.indirect_vreg.gather [hbm4b:s6+s28], $0x80, v3, vm0, $0xb8;
	[tilespmem:$0x10100] =	vst v63  }
0x176: {  	_ = 	snop  }
0x177: {  	[tilespmem:s24], [sflag:$0x2] =	stream.indirect_vreg.gather [hbm4b:s7+s28], $0x80, v3, vm0, $0xb8;
	[tilespmem:$0x10100] =	vst v63  }
0x178: {  	_ = 	snop  }
0x179: {  	[tilespmem:s12], [sflag:$0x2] =	stream.indirect_vreg.gather [hbm4b:s8+s28], $0x80, v3, vm0, $0xb8;
	[tilespmem:$0x10100] =	vst v63  }
0x17a: {  	_ =	swait.ge [sflag:s25], $0x8000  }
0x17b: {  	[sflag:s25] =	ssyncset.done $0x0  }
0x17c: {  	[sflag:s25] =	ssyncadd.s32 $0xFFFF8000  }
0x17d: {  	_ =	swait.ge [sflag:s13], $0x8000  }
0x17e: {  	s29 =	simm.s32 $0xFFFF8000;
	[sflag:s13] =	ssyncset.done $0x0  }
0x17f: {  	s30 =	simm.s32 $0x0;
	s31 =	simm.s32 $0x0;
	[sflag:s13] =	ssyncadd.s32 $0xFFFF8000  }
.LBB2_4:
0x180: {  	s0 =	sadd.s32 $0x8000, s29  }
0x181: {  	s1 =	sand.u32 $0x380, s31;
	s0 =	sand.u32 $0x6000, s0  }
0x182: {  	s0 =	sor.u32 s1, s0  }
0x183: {  	v3 =	vld [tilespmem:s0+$0x100]  }
0x184: {  	v4 =	vld [tilespmem:s0+$0x8100]  }
0x185: {  	v5 =	vld [tilespmem:s0+$0x110]  }
0x186: {  	v6 =	vld [tilespmem:s0+$0x8110]  }
0x187: {  	v7 =	vld [tilespmem:s0+$0x120]  }
0x188: {  	v8 =	vld [tilespmem:s0+$0x8120]  }
0x189: {  	v9 =	vld [tilespmem:s0+$0x130]  }
0x18a: {  	v10 =	vld [tilespmem:s0+$0x8130]  }
0x18b: {  	v11 =	vld [tilespmem:s0+$0x140]  }
0x18c: {  	v12 =	vld [tilespmem:s0+$0x8140]  }
0x18d: {  	v13 =	vld [tilespmem:s0+$0x150]  }
0x18e: {  	v14 =	vld [tilespmem:s0+$0x8150]  }
0x18f: {  	v15 =	vld [tilespmem:s0+$0x160]  }
0x190: {  	v16 =	vld [tilespmem:s0+$0x8160]  }
0x191: {  	v17 =	vld [tilespmem:s0+$0x170]  }
0x192: {  	v18 =	vld [tilespmem:s0+$0x8170]  }
0x193: {  	v19 =	vld [tilespmem:s0+$0x500]  }
0x194: {  	v20 =	vld [tilespmem:s0+$0x8500]  }
0x195: {  	v21 =	vld [tilespmem:s0+$0x510]  }
0x196: {  	v22 =	vld [tilespmem:s0+$0x8510]  }
0x197: {  	v23 =	vld [tilespmem:s0+$0x520]  }
0x198: {  	v24 =	vld [tilespmem:s0+$0x8520]  }
0x199: {  	v25 =	vld [tilespmem:s0+$0x530]  }
0x19a: {  	v26 =	vld [tilespmem:s0+$0x8530]  }
0x19b: {  	v27 =	vld [tilespmem:s0+$0x540]  }
0x19c: {  	v28 =	vld [tilespmem:s0+$0x8540]  }
0x19d: {  	v29 =	vld [tilespmem:s0+$0x550]  }
0x19e: {  	v30 =	vld [tilespmem:s0+$0x8550]  }
0x19f: {  	v31 =	vld [tilespmem:s0+$0x560]  }
0x1a0: {  	v32 =	vld [tilespmem:s0+$0x8560]  }
0x1a1: {  	v33 =	vld [tilespmem:s0+$0x570]  }
0x1a2: {  	v34 =	vld [tilespmem:s0+$0x8570]  }
0x1a3: {  	v35 =	vld [tilespmem:s0+$0x900]  }
0x1a4: {  	v36 =	vld [tilespmem:s0+$0x8900]  }
0x1a5: {  	v37 =	vld [tilespmem:s0+$0x910]  }
0x1a6: {  	v38 =	vld [tilespmem:s0+$0x8910]  }
0x1a7: {  	v39 =	vld [tilespmem:s0+$0x920]  }
0x1a8: {  	v40 =	vld [tilespmem:s0+$0x8920]  }
0x1a9: {  	v41 =	vld [tilespmem:s0+$0x930]  }
0x1aa: {  	v42 =	vld [tilespmem:s0+$0x8930]  }
0x1ab: {  	v43 =	vld [tilespmem:s0+$0x940]  }
0x1ac: {  	v44 =	vld [tilespmem:s0+$0x8940]  }
0x1ad: {  	v45 =	vld [tilespmem:s0+$0x950]  }
0x1ae: {  	v46 =	vld [tilespmem:s0+$0x8950]  }
0x1af: {  	v47 =	vld [tilespmem:s0+$0x960]  }
0x1b0: {  	v48 =	vld [tilespmem:s0+$0x8960]  }
0x1b1: {  	v49 =	vld [tilespmem:s0+$0x970]  }
0x1b2: {  	v50 =	vld [tilespmem:s0+$0x8970]  }
0x1b3: {  	v51 =	vld [tilespmem:s0+$0xD00]  }
0x1b4: {  	v52 =	vld [tilespmem:s0+$0x8D00]  }
0x1b5: {  	v53 =	vld [tilespmem:s0+$0xD10]  }
0x1b6: {  	v54 =	vld [tilespmem:s0+$0x8D10]  }
0x1b7: {  	v55 =	vld [tilespmem:s0+$0xD20]  }
0x1b8: {  	v56 =	vld [tilespmem:s0+$0x8D20]  }
0x1b9: {  	v57 =	vld [tilespmem:s0+$0xD30]  }
0x1ba: {  	v58 =	vld [tilespmem:s0+$0x8D30]  }
0x1bb: {  	v59 =	vld [tilespmem:s0+$0xD40]  }
0x1bc: {  	v60 =	vld [tilespmem:s0+$0x8D40]  }
0x1bd: {  	v61 =	vld [tilespmem:s0+$0xD50]  }
0x1be: {  	v62 =	vld [tilespmem:s0+$0x8D50]  }
0x1bf: {  	v63 =	vld [tilespmem:s0+$0xD60]  }
0x1c0: {  	v3 =	vadd.f32 v4, v3;
	v4 =	vld [tilespmem:s0+$0x8D60]  }
0x1c1: {  	v5 =	vadd.f32 v6, v5;
	v6 =	vld [tilespmem:s0+$0xD70]  }
0x1c2: {  	v14 =	vadd.f32 v14, v13;
	v13 =	vld [tilespmem:s0+$0x9120];
	[tilespmem:s0+$0x100] =	vst v3;
	v3 =	vadd.f32 v8, v7  }
0x1c3: {  	v18 =	vadd.f32 v18, v17;
	v17 =	vld [tilespmem:s0+$0x9140];
	[tilespmem:s0+$0x110] =	vst v5  }
0x1c4: {  	v22 =	vadd.f32 v22, v21;
	v21 =	vld [tilespmem:s0+$0x9160];
	[tilespmem:s0+$0x120] =	vst v3;
	v3 =	vadd.f32 v12, v11  }
0x1c5: {  	v7 =	vld [tilespmem:s0+$0x8D70];
	[tilespmem:s0+$0x150] =	vst v14  }
0x1c6: {  	v8 =	vld [tilespmem:s0+$0x1100];
	[tilespmem:s0+$0x140] =	vst v3;
	v3 =	vadd.f32 v16, v15  }
0x1c7: {  	v5 =	vadd.f32 v10, v9;
	v9 =	vld [tilespmem:s0+$0x9100];
	[tilespmem:s0+$0x170] =	vst v18  }
0x1c8: {  	v10 =	vld [tilespmem:s0+$0x1110];
	[tilespmem:s0+$0x160] =	vst v3;
	v3 =	vadd.f32 v20, v19  }
0x1c9: {  	v26 =	vadd.f32 v26, v25;
	v14 =	vld [tilespmem:s0+$0x1130];
	[tilespmem:s0+$0x510] =	vst v22  }
0x1ca: {  	v18 =	vld [tilespmem:s0+$0x1150];
	[tilespmem:s0+$0x500] =	vst v3;
	v3 =	vadd.f32 v24, v23  }
0x1cb: {  	v30 =	vadd.f32 v30, v29;
	[tilespmem:s0+$0x530] =	vst v26;
	v22 =	vld [tilespmem:s0+$0x1170]  }
0x1cc: {  	v19 =	vld [tilespmem:s0+$0x9150];
	[tilespmem:s0+$0x520] =	vst v3;
	v3 =	vadd.f32 v28, v27  }
0x1cd: {  	v34 =	vadd.f32 v34, v33;
	[tilespmem:s0+$0x550] =	vst v30;
	v11 =	vld [tilespmem:s0+$0x9110]  }
0x1ce: {  	v12 =	vld [tilespmem:s0+$0x1120];
	[tilespmem:s0+$0x540] =	vst v3;
	v3 =	vadd.f32 v32, v31  }
0x1cf: {  	[tilespmem:s0+$0x570] =	vst v34;
	v15 =	vld [tilespmem:s0+$0x9130]  }
0x1d0: {  	v16 =	vld [tilespmem:s0+$0x1140];
	[tilespmem:s0+$0x560] =	vst v3;
	v3 =	vadd.f32 v36, v35  }
0x1d1: {  	[tilespmem:s0+$0x130] =	vst v5;
	v20 =	vld [tilespmem:s0+$0x1160];
	v19 =	vadd.f32 v19, v18  }
0x1d2: {  	v24 =	vld [tilespmem:s0+$0x1500];
	[tilespmem:s0+$0x900] =	vst v3;
	v3 =	vadd.f32 v40, v39  }
0x1d3: {  	[tilespmem:s0+$0x1150] =	vst v19;
	v36 =	vadd.f32 v38, v37;
	v37 =	vld [tilespmem:s0+$0x9170]  }
0x1d4: {  	v38 =	vadd.f32 v42, v41;
	v41 =	vld [tilespmem:s0+$0x1510];
	[tilespmem:s0+$0x920] =	vst v3;
	v3 =	vadd.f32 v44, v43  }
0x1d5: {  	v42 =	vld [tilespmem:s0+$0x9510];
	[tilespmem:s0+$0x910] =	vst v36  }
0x1d6: {  	v35 =	vld [tilespmem:s0+$0x1910];
	[tilespmem:s0+$0x940] =	vst v3;
	v3 =	vadd.f32 v48, v47  }
0x1d7: {  	v39 =	vld [tilespmem:s0+$0x9500];
	[tilespmem:s0+$0x930] =	vst v38;
	v40 =	vadd.f32 v46, v45  }
0x1d8: {  	v45 =	vld [tilespmem:s0+$0x9520];
	[tilespmem:s0+$0x960] =	vst v3;
	v3 =	vadd.f32 v52, v51  }
0x1d9: {  	v46 =	vadd.f32 v54, v53;
	v53 =	vld [tilespmem:s0+$0x1550];
	[tilespmem:s0+$0x950] =	vst v40  }
0x1da: {  	v54 =	vld [tilespmem:s0+$0x9550];
	[tilespmem:s0+$0xD00] =	vst v3;
	v3 =	vadd.f32 v56, v55  }
0x1db: {  	v36 =	vld [tilespmem:s0+$0x9910];
	v43 =	vadd.f32 v50, v49;
	[tilespmem:s0+$0xD10] =	vst v46  }
0x1dc: {  	v38 =	vld [tilespmem:s0+$0x1920];
	[tilespmem:s0+$0xD20] =	vst v3;
	v3 =	vadd.f32 v60, v59  }
0x1dd: {  	v44 =	vld [tilespmem:s0+$0x1520];
	v49 =	vadd.f32 v58, v57;
	[tilespmem:s0+$0x970] =	vst v43  }
0x1de: {  	v50 =	vld [tilespmem:s0+$0x1540];
	[tilespmem:s0+$0xD40] =	vst v3;
	v3 =	vadd.f32 v4, v63  }
0x1df: {  	v57 =	vld [tilespmem:s0+$0x9560];
	v58 =	vadd.f32 v11, v10;
	[tilespmem:s0+$0xD30] =	vst v49  }
0x1e0: {  	v46 =	vld [tilespmem:s0+$0x9950];
	[tilespmem:s0+$0xD60] =	vst v3;
	v3 =	vadd.f32 v9, v8  }
0x1e1: {  	v37 =	vadd.f32 v37, v22;
	v40 =	vadd.f32 v42, v41;
	v41 =	vld [tilespmem:s0+$0x1930];
	[tilespmem:s0+$0x1110] =	vst v58  }
0x1e2: {  	v42 =	vld [tilespmem:s0+$0x9930];
	[tilespmem:s0+$0x1100] =	vst v3;
	v3 =	vadd.f32 v13, v12  }
0x1e3: {  	v47 =	vld [tilespmem:s0+$0x1530];
	[tilespmem:s0+$0x1170] =	vst v37  }
0x1e4: {  	v48 =	vld [tilespmem:s0+$0x9530];
	[tilespmem:s0+$0x1120] =	vst v3;
	v3 =	vadd.f32 v17, v16  }
0x1e5: {  	v49 =	vld [tilespmem:s0+$0x9960];
	[tilespmem:s0+$0x1510] =	vst v40;
	v52 =	vadd.f32 v62, v61  }
0x1e6: {  	v51 =	vld [tilespmem:s0+$0x9540];
	[tilespmem:s0+$0x1140] =	vst v3;
	v3 =	vadd.f32 v21, v20  }
0x1e7: {  	v61 =	vadd.f32 v15, v14;
	v62 =	vld [tilespmem:s0+$0x1900];
	[tilespmem:s0+$0xD50] =	vst v52  }
0x1e8: {  	v56 =	vld [tilespmem:s0+$0x1560];
	[tilespmem:s0+$0x1160] =	vst v3;
	v3 =	vadd.f32 v39, v24  }
0x1e9: {  	v55 =	vadd.f32 v7, v6;
	[tilespmem:s0+$0x1130] =	vst v61;
	v52 =	vld [tilespmem:s0+$0x9970]  }
0x1ea: {  	v43 =	vadd.f32 v48, v47;
	v47 =	vld [tilespmem:s0+$0x1960];
	[tilespmem:s0+$0x1500] =	vst v3;
	v3 =	vadd.f32 v45, v44  }
0x1eb: {  	[tilespmem:s0+$0xD70] =	vst v55;
	v63 =	vld [tilespmem:s0+$0x9900]  }
0x1ec: {  	v59 =	vld [tilespmem:s0+$0x1570];
	[tilespmem:s0+$0x1520] =	vst v3;
	v3 =	vadd.f32 v51, v50  }
0x1ed: {  	[tilespmem:s0+$0x1530] =	vst v43;
	v4 =	vadd.f32 v54, v53;
	v39 =	vld [tilespmem:s0+$0x9920]  }
0x1ee: {  	v60 =	vld [tilespmem:s0+$0x9570];
	[tilespmem:s0+$0x1540] =	vst v3;
	v3 =	vadd.f32 v57, v56  }
0x1ef: {  	v54 =	vadd.f32 v42, v41;
	[tilespmem:s0+$0x1550] =	vst v4;
	v45 =	vld [tilespmem:s0+$0x1950]  }
0x1f0: {  	v53 =	vld [tilespmem:s0+$0x9940];
	[tilespmem:s0+$0x1560] =	vst v3;
	v3 =	vadd.f32 v63, v62  }
0x1f1: {  	[tilespmem:s0+$0x1930] =	vst v54;
	v55 =	vadd.f32 v49, v47;
	v50 =	vld [tilespmem:s0+$0x1970]  }
0x1f2: {  	v44 =	vld [tilespmem:s0+$0x1940];
	[tilespmem:s0+$0x1900] =	vst v3;
	v3 =	vadd.f32 v39, v38  }
0x1f3: {  	v48 =	vadd.f32 v60, v59;
	[tilespmem:s0+$0x1960] =	vst v55  }
0x1f4: {  	[tilespmem:s0+$0x1920] =	vst v3;
	v3 =	vadd.f32 v46, v45  }
0x1f5: {  	s4 =	sand.u32 $0x7, s28;
	[tilespmem:s0+$0x1570] =	vst v48;
	v51 =	vadd.f32 v36, v35  }
0x1f6: {  	s1 =	sshll.u32 s4, $0x7;
	[tilespmem:s0+$0x1950] =	vst v3;
	v3 =	vadd.f32 v52, v50  }
0x1f7: {  	s1 =	sadd.s32 s1, s30;
	[tilespmem:s0+$0x1910] =	vst v51;
	v56 =	vadd.f32 v53, v44  }
0x1f8: {  	s4 =	sor.u32 $0x1C00, s1;
	[tilespmem:s0+$0x1970] =	vst v3  }
0x1f9: {  	[tilespmem:s0+$0x1940] =	vst v56;
	v3 =	vld [tilespmem:s4+$0x100]  }
0x1fa: {  	v4 =	vld [tilespmem:s4+$0x8100];
	_ =	sdelay $0x4  }
0x1fb: {  	v3 =	vadd.f32 v4, v3;
	_ =	sdelay $0x1  }
0x1fc: {  	[tilespmem:s4+$0x100] =	vst v3;
	s4 =	sor.u32 $0x1C10, s1  }
0x1fd: {  	v3 =	vld [tilespmem:s4+$0x100]  }
0x1fe: {  	v57 =	vld [tilespmem:s4+$0x8100];
	_ =	sdelay $0x4  }
0x1ff: {  	v3 =	vadd.f32 v57, v3;
	_ =	sdelay $0x1  }
0x200: {  	[tilespmem:s4+$0x100] =	vst v3;
	s4 =	sor.u32 $0x1C20, s1  }
0x201: {  	v3 =	vld [tilespmem:s4+$0x100]  }
0x202: {  	v58 =	vld [tilespmem:s4+$0x8100];
	_ =	sdelay $0x4  }
0x203: {  	v3 =	vadd.f32 v58, v3;
	_ =	sdelay $0x1  }
0x204: {  	[tilespmem:s4+$0x100] =	vst v3;
	s4 =	sor.u32 $0x1C30, s1  }
0x205: {  	v3 =	vld [tilespmem:s4+$0x100]  }
0x206: {  	v59 =	vld [tilespmem:s4+$0x8100];
	_ =	sdelay $0x4  }
0x207: {  	v3 =	vadd.f32 v59, v3;
	_ =	sdelay $0x1  }
0x208: {  	[tilespmem:s4+$0x100] =	vst v3;
	s4 =	sor.u32 $0x1C40, s1  }
0x209: {  	v3 =	vld [tilespmem:s4+$0x100]  }
0x20a: {  	v60 =	vld [tilespmem:s4+$0x8100];
	_ =	sdelay $0x4  }
0x20b: {  	v3 =	vadd.f32 v60, v3;
	_ =	sdelay $0x1  }
0x20c: {  	[tilespmem:s4+$0x100] =	vst v3;
	s4 =	sor.u32 $0x1C50, s1  }
0x20d: {  	v3 =	vld [tilespmem:s4+$0x100]  }
0x20e: {  	v61 =	vld [tilespmem:s4+$0x8100];
	_ =	sdelay $0x4  }
0x20f: {  	v3 =	vadd.f32 v61, v3;
	_ =	sdelay $0x1  }
0x210: {  	[tilespmem:s4+$0x100] =	vst v3;
	s4 =	sor.u32 $0x1C60, s1  }
0x211: {  	v3 =	vld [tilespmem:s4+$0x100]  }
0x212: {  	v62 =	vld [tilespmem:s4+$0x8100];
	_ =	sdelay $0x4  }
0x213: {  	v3 =	vadd.f32 v62, v3;
	_ =	sdelay $0x1  }
0x214: {  	[tilespmem:s4+$0x100] =	vst v3;
	s4 =	sor.u32 $0x1C70, s1  }
0x215: {  	v3 =	vld [tilespmem:s4+$0x100]  }
0x216: {  	v63 =	vld [tilespmem:s4+$0x8100];
	_ =	sdelay $0x1  }
0x217: {  	p0 =	sne.s32 s31, $0xF80  }
.Ltmp1:
0x218: {  	_ = 	snop;
	(pc) =	sbr.rel @p0 .LBB2_4-.Ltmp1, $4  }
0x219: {  	_ = 	snop  }
0x21a: {  	v3 =	vadd.f32 v63, v3  }
0x21b: {  	s28 =	sadd.s32 $0x1, s28  }
0x21c: {  	s29 =	sadd.s32 $0x400, s29;
	s31 =	sadd.s32 $0x80, s31;
	s30 =	sadd.s32 $0x400, s30;
	[tilespmem:s4+$0x100] =	vst v3  }
0x21d: {  	s0 =	rddreg [dreg:$0x8]  }
0x21e: {  	[hbm4b:s0+s2] =	stream.linear.scatter [tilespmem:s16], [sflag:$0x3], $0x8000, $0x38;
	[tilespmem:$0x10100] =	vst v63  }
0x21f: {  	_ =	swait.ge [sflag:s14], $0x8000  }
0x220: {  	s26 =	sadd.s32 $0x1, s26;
	s31 =	rddreg [dreg:$0x9]  }
0x221: {  	p0 =	sne.s32 s26, s31  }
.Ltmp2:
0x222: {  	_ = 	snop;
	(pc) =	sbr.rel @p0 .LBB2_1-.Ltmp2, $3  }
0x223: {  	_ =	sdelay $0x1  }
0x224: {  	[sflag:s14] =	ssyncset.done $0x0  }
0x225: {  	[sflag:s14] =	ssyncadd.s32 $0xFFFF8000  }
0x226: {  	_ =	sfence.sel $0x180000  }
0x227: {  	[bflag:$0x0] =	sbarrier.arrive $0xFFFF  }
0x228: {  	_ =	strace $0x9000004A  }
0x229: {  	s0 =	stileid.u32;
	[bflag:$0x2] =	sbarrier.arrive $0xFFFF  }
0x22a: {  	p0 =	sne.s32 s0, $0x0;
	s0 =	rddreg [dreg:$0x2]  }
0x22b: {  	s0 =	sadd.s32 @!p0 $0x100000, s0  }
0x22c: {  	[sflag:s0] =	ssyncadd.tile.s32 @!p0 $0x1;
	_ =	shalt  }
.Lfunc_end2:
_tile_overlayer_lowered:
.L_overlay_start_2:
0x22d: {  	(tag) =	ssettag $0x2  }
0x22e: {  	s0 =	rddreg [dreg:$0x0];
	s2 =	stileid.u32  }
0x22f: {  	s1 =	rddreg [dreg:$0x1];
	p0 =	sne.s32 s2, $0x0  }
0x230: {  	s3 =	rddreg [dreg:$0x2];
	[bflag:$0x3] =	sbarrier.arrive $0xFFFF;
	s2 =	simm.s32 @!p0 $0x1C03  }
0x231: {  	[timem:s3], [sflag:s2] =	dma.local @!p0 [hbm:s0], s1  }
0x232: {  	s0 =	simm.s32 @!p0 $0x3  }
0x233: {  	_ =	swait.ge @!p0 [sflag:s0], s1  }
0x234: {  	s1 =	ssub.s32 @!p0 $0x0, s1;
	[sflag:s0] =	ssyncset.done @!p0 $0x0  }
0x235: {  	[sflag:s0] =	ssyncadd.s32 @!p0 s1  }
0x236: {  	[bflag:$0x3] =	sbarrier.arrive $0xFFFF  }
0x237: {  	_ =	shalt  }

// kernel: kernel.7.cloned.1.call-start
scs
__scs_entry_jumppad:
0x0: {  	(pc) =	sbr.rel $0x88, $3  }
0x1: {  	(tag) =	ssettag $0x0;
	lr =	simm.s32 $0x1  }
0x2: {  	[smem:$0x3F9B] =	sst lr;
	_ =	strace $0xD0000000  }
0x3: {  	_ = 	snop  }
0x4: {  	_ = 	snop  }
0x5: {  	_ = 	snop  }
0x6: {  	_ = 	snop  }
0x7: {  	_ = 	snop  }
__scs_overlays_trampoline_lowered:
0x8: {  	[smem:$0x3FAA] =	sst s0  }
0x9: {  	[smem:$0x3FAB] =	sst s1  }
0xa: {  	[smem:$0x3FAC] =	sst s2  }
0xb: {  	[smem:$0x3FAD] =	sst s3  }
0xc: {  	[smem:$0x3FAE] =	sst s4  }
0xd: {  	[smem:$0x3FAF] =	sst s5  }
0xe: {  	[smem:$0x3FB0] =	sst s6  }
0xf: {  	[smem:$0x3FB1] =	sst s7  }
0x10: {  	[smem:$0x3FB2] =	sst s8  }
0x11: {  	[smem:$0x3FB3] =	sst s9;
	s0 =	simm.s32 @!p0 $0x0  }
0x12: {  	s1 =	sld [smem:$0x3F99];
	s0 =	simm.s32 @p0 $0x1  }
0x13: {  	[smem:$0x3FB4] =	sst s0;
	s0 =	simm.s32 @!p1 $0x0  }
0x14: {  	s2 =	sld [smem:$0x3F98];
	s0 =	simm.s32 @p1 $0x1  }
0x15: {  	[smem:$0x3FB5] =	sst s0;
	s0 =	simm.s32 @!p2 $0x0  }
0x16: {  	s3 =	sld [smem:$0x3FDB];
	s0 =	simm.s32 @p2 $0x1  }
0x17: {  	s4 =	simm.s32 $0x1BF5;
	[smem:$0x3FB7] =	sst s0  }
0x18: {  	s0 =	sld [smem:$0x3F9A];
	_ =	swait.ge [sflag:s4], $0x0  }
0x19: {  	s7 =	sld [smem:$0x3F9B]  }
0x1a: {  	s8 =	sadd.s32 $0xFFFFE003, lr  }
0x1b: {  	s9 =	sadd.s32 $0xFFFFFEF7, lr;
	s5 =	simm.s32 $0xFFFFFFFF;
	p2 =	slt.u32 s8, $0xFFFFF086  }
0x1c: {  	p1 =	slt.u32 s9, $0xF7A;
	s5 =	simm.s32 @!p2 $0x0  }
0x1d: {  	s5 =	simm.s32 @p1 $0x1;
	p0 =	seq.s32 s7, s2  }
0x1e: {  	s7 =	smul.u32 @!p0 $0xF7A, s2;
	p2 =	seq.s32 @!p0 s5, $0x0  }
0x1f: {  	s9 =	smul.u32 $0xF7A, s1;
	s8 =	simm.s32 @!p0 $0x1BF5;
	p2 =	por !p2, p0  }
0x20: {  	[sflag:s8] =	ssyncset.s32 @!p0 $0xFFFFF086;
	s6 =	sadd.s32 @!p0 s3, s7;
	s7 =	simm.s32 @!p0 $0x108  }
0x21: {  	s3 =	sadd.s32 s3, s9;
	s6 =	sadd.s32 @!p0 $0x88, s6;
	s7 =	simm.s32 @p2 $0x1082  }
0x22: {  	[simem:s7], [sflag:s8] =	dma.local @!p0 [hbm:s6], $0xF7A  }
0x23: {  	s9 =	sor.u32 $0xD0000000, s2;
	s6 =	simm.s32 $0x108;
	_ =	swait.ge @!p0 [sflag:s8], $0x0  }
0x24: {  	s3 =	sadd.s32 $0x88, s3;
	s6 =	simm.s32 @!p1 $0x1082;
	[sflag:s4] =	ssyncset.s32 $0xFFFFF086  }
0x25: {  	[simem:s6], [sflag:s4] =	dma.local [hbm:s3], $0xF7A  }
0x26: {  	[smem:$0x3F9B] =	sst s1;
	(tag) =	ssettag s2;
	_ =	strace s9  }
0x27: {  	s1 =	sld [smem:$0x3FAB]  }
0x28: {  	s2 =	sld [smem:$0x3FAC]  }
0x29: {  	s4 =	sld [smem:$0x3FAE]  }
0x2a: {  	p0 =	seq.s32 s5, $0x0;
	s5 =	sld [smem:$0x3FAF]  }
0x2b: {  	s6 =	sld [smem:$0x3FB0]  }
0x2c: {  	s7 =	sld [smem:$0x3FB1]  }
0x2d: {  	s3 =	simm.s32 $0x108;
	s8 =	sld [smem:$0x3FB2]  }
0x2e: {  	s3 =	simm.s32 @!p0 $0x1082;
	s9 =	sld [smem:$0x3FB3]  }
0x2f: {  	lr =	sadd.s32 s0, s3;
	s0 =	sld [smem:$0x3FAA]  }
0x30: {  	s3 =	sld [smem:$0x3FAD]  }
0x31: {  	[smem:$0x3FB6] =	sst s10  }
0x32: {  	s10 =	sld [smem:$0x3FB4];
	_ =	sdelay $0x3  }
0x33: {  	p0 =	seq.s32 s10, $0x1;
	s10 =	sld [smem:$0x3FB6];
	_ =	sdelay $0x3  }
0x34: {  	[smem:$0x3FB6] =	sst s10  }
0x35: {  	s10 =	sld [smem:$0x3FB5];
	_ =	sdelay $0x3  }
0x36: {  	p1 =	seq.s32 s10, $0x1;
	s10 =	sld [smem:$0x3FB6];
	_ =	sdelay $0x3  }
0x37: {  	[smem:$0x3FB6] =	sst s10  }
0x38: {  	s10 =	sld [smem:$0x3FB7]  }
0x39: {  	_ = 	snop;
	(pc) =	sbr.ind lr, $3  }
0x3a: {  	_ = 	snop  }
0x3b: {  	_ = 	snop  }
0x3c: {  	p2 =	seq.s32 s10, $0x1;
	s10 =	sld [smem:$0x3FB6]  }
0x3d: {  	_ =	shalt  }
0x3e: {  	_ =	shalt  }
0x3f: {  	_ =	shalt  }
0x40: {  	_ =	shalt  }
0x41: {  	_ =	shalt  }
0x42: {  	_ =	shalt  }
0x43: {  	_ =	shalt  }
0x44: {  	_ =	shalt  }
0x45: {  	_ =	shalt  }
0x46: {  	_ =	shalt  }
0x47: {  	_ =	shalt  }
0x48: {  	_ =	shalt  }
0x49: {  	_ =	shalt  }
0x4a: {  	_ =	shalt  }
0x4b: {  	_ =	shalt  }
0x4c: {  	_ =	shalt  }
0x4d: {  	_ =	shalt  }
0x4e: {  	_ =	shalt  }
0x4f: {  	_ =	shalt  }
0x50: {  	_ =	shalt  }
0x51: {  	_ =	shalt  }
0x52: {  	_ =	shalt  }
0x53: {  	_ =	shalt  }
0x54: {  	_ =	shalt  }
0x55: {  	_ =	shalt  }
0x56: {  	_ =	shalt  }
0x57: {  	_ =	shalt  }
0x58: {  	_ =	shalt  }
0x59: {  	_ =	shalt  }
0x5a: {  	_ =	shalt  }
0x5b: {  	_ =	shalt  }
0x5c: {  	_ =	shalt  }
0x5d: {  	_ =	shalt  }
0x5e: {  	_ =	shalt  }
0x5f: {  	_ =	shalt  }
0x60: {  	_ =	shalt  }
0x61: {  	_ =	shalt  }
0x62: {  	_ =	shalt  }
0x63: {  	_ =	shalt  }
0x64: {  	_ =	shalt  }
0x65: {  	_ =	shalt  }
0x66: {  	_ =	shalt  }
0x67: {  	_ =	shalt  }
0x68: {  	_ =	shalt  }
0x69: {  	_ =	shalt  }
0x6a: {  	_ =	shalt  }
0x6b: {  	_ =	shalt  }
0x6c: {  	_ =	shalt  }
0x6d: {  	_ =	shalt  }
0x6e: {  	_ =	shalt  }
0x6f: {  	_ =	shalt  }
0x70: {  	_ =	shalt  }
0x71: {  	_ =	shalt  }
0x72: {  	_ =	shalt  }
0x73: {  	_ =	shalt  }
0x74: {  	_ =	shalt  }
0x75: {  	_ =	shalt  }
0x76: {  	_ =	shalt  }
0x77: {  	_ =	shalt  }
0x78: {  	_ =	shalt  }
0x79: {  	_ =	shalt  }
0x7a: {  	_ =	shalt  }
0x7b: {  	_ =	shalt  }
0x7c: {  	_ =	shalt  }
0x7d: {  	_ =	shalt  }
0x7e: {  	_ =	shalt  }
0x7f: {  	_ =	shalt  }
0x80: {  	_ =	shalt  }
0x81: {  	_ =	shalt  }
0x82: {  	_ =	shalt  }
0x83: {  	_ =	shalt  }
0x84: {  	_ =	shalt  }
0x85: {  	_ =	shalt  }
0x86: {  	_ =	shalt  }
0x87: {  	_ =	shalt  }
.Lfunc_end0:
.L_simem_size_0:
called_computation_lowered:
.L_overlay_start_0:
0x88: {  	s2 =	sld [smem:$0x3FD9]  }
0x89: {  	s3 =	sld [smem:$0x3FFE];
	_ =	sdelay $0x1  }
0x8a: {  	s1 =	srdreg.scid  }
0x8b: {  	s0 =	sand.u32 $0x1, s1  }
0x8c: {  	s17 =	sshll.u32 s0, $0xA;
	s2 =	sadd.s32 s3, s2  }
0x8d: {  	s2 =	sadd.s32 s2, s17  }
0x8e: {  	[smem:$0x3FC2] =	sst s2  }
0x8f: {  	_ = 	snop  }
0x90: {  	s2 =	sld [smem:$0x3FC9];
	(tm) =	ssettm $0x1  }
0x91: {  	s18 =	sld [smem:$0x3FFB];
	_ =	sdelay $0x3  }
0x92: {  	_ =	strace s18  }
0x93: {  	s3 =	sld [smem:$0x3FFC];
	_ =	sdelay $0x3  }
0x94: {  	_ =	strace s3  }
0x95: {  	s3 =	sld [smem:$0x3FFD];
	_ =	sdelay $0x3  }
0x96: {  	_ =	strace s3  }
0x97: {  	_ =	strace $0x8FFFFFFF  }
0x98: {  	s19 =	sld [smem:$0x3FDB];
	_ =	sdelay $0x1  }
0x99: {  	s4 =	simm.s32 $_scs_section_size  }
0x9a: {  	s5 =	simm.s32 $_size__tile_overlayer_lowered;
	s6 =	simm.s32 $_tile_overlayer_lowered  }
0x9b: {  	s22 =	simm.s32 $0x1BFF;
	s21 =	sshll.u32 s6, $0x1;
	s3 =	sadd.s32 s4, s19  }
0x9c: {  	s7 =	simm.s32 $0x0;
	s20 =	sshll.u32 s5, $0x1;
	s5 =	sadd.s32 s21, s3  }
0x9d: {  	[timem:s7], [sflag:s22] =	dma.local [hbm:s5], s20  }
0x9e: {  	_ =	swait.ge [sflag:s22], s20  }
0x9f: {  	s4 =	ssub.s32 $0x0, s20;
	[sflag:s22] =	ssyncset.done $0x0  }
0xa0: {  	[sflag:s22] =	ssyncadd.s32 s4;
	_ =	sdelay $0x1  }
0xa1: {  	s23 =	simm.s32 $0x1B8B  }
0xa2: {  	_ =	swait.ge [sflag:s23], $0x1  }
0xa3: {  	[sflag:s23] =	ssyncset.done $0x0  }
0xa4: {  	s25 =	simm.s32 $0x1B8E;
	s24 =	sld [smem:$0x3FFE];
	[sflag:s23] =	ssyncadd.s32 $0xFFFFFFFF  }
0xa5: {  	s26 =	simm.s32 $execute0_lowered;
	[smem:$0x3FD2] =	sst s25  }
0xa6: {  	s5 =	sshll.u32 s26, $0x1;
	_ =	strace $0x80000046;
	[dreg:$0x1] =	wrdreg $0xFFFFFFFF  }
0xa7: {  	s28 =	simm.s32 $_size_execute0_lowered;
	s3 =	sadd.s32 s3, s5;
	[dreg:$0x0] =	wrdreg $0x0  }
0xa8: {  	s5 =	sshll.u32 s28, $0x1;
	[dreg:$0x2] =	wrdreg s3  }
0xa9: {  	[dreg:$0x3] =	wrdreg s5  }
0xaa: {  	[dreg:$0x4] =	wrdreg $0xC0  }
0xab: {  	_ =	task [dreg:s7], $0x5FFFF  }
0xac: {  	[dreg:$0x1] =	wrdreg $0xFFFFFFFF  }
0xad: {  	[dreg:$0x0] =	wrdreg $0x60  }
0xae: {  	[dreg:$0x2] =	wrdreg s2  }
0xaf: {  	[dreg:$0x3] =	wrdreg s24  }
0xb0: {  	[dreg:$0x4] =	wrdreg $0x9  }
0xb1: {  	_ =	task.clear_ibuf [dreg:s7], $0x5FFFF;
	_ =	strace $0x90000046  }
0xb2: {  	s29 =	simm.s32 $0x9;
	_ =	strace $0x80000048  }
0xb3: {  	_ =	swait.ge [sflag:s29], $0x1  }
0xb4: {  	[sflag:s29] =	ssyncadd.s32 $0xFFFFFFFF  }
0xb5: {  	_ =	strace $0x90000048  }
0xb6: {  	_ =	sfence  }
0xb7: {  	s30 =	sld [smem:$0x0];
	_ =	sdelay $0x2  }
0xb8: {  	s31 =	sshll.u32 s1, $0xD;
	s1 =	sshrl.u32 s1, $0x2  }
0xb9: {  	s3 =	sand.u32 $0x4000, s31;
	s1 =	sadd.s32 s1, s30  }
0xba: {  	s0 =	sor.u32 s3, s0;
	s1 =	sshll.u32 s1, $0x11  }
0xbb: {  	s0 =	sor.u32 s1, s0  }
0xbc: {  	s0 =	sadd.s32 $0x8F2B, s0  }
0xbd: {  	[sflag:s0] =	ssyncadd.remote.s32 $0x1  }
0xbe: {  	_ =	sfence.sel $0xFFFF  }
0xbf: {  	[dreg:$0x0] =	wrdreg $0xFFFFFFFF;
	(pc) =	sbr.abs _section_cstart, $3  }
0xc0: {  	[dreg:$0x1] =	wrdreg $0xFFFFFFFF  }
0xc1: {  	_ =	task.clear_ibuf [dreg:s7], $0x2FFFF;
	_ =	strace $0x9FFFFFFF  }
0xc2: {  	(tm) =	ssettm $0x7FFFFFFF  }
0xc3: {  	_ =	shalt  }
tec
execute0_lowered:
.L_overlay_start_1:
0x0: {  	(tag) =	ssettag $0x1  }
0x1: {  	s0 =	srdreg.scid;
	s1 =	rddreg [dreg:$0x0]  }
0x2: {  	s2 =	stileid.u32;
	s3 =	rddreg [dreg:$0x1];
	s25 =	simm.s32 $0x10000  }
0x3: {  	s26 =	simm.s32 $0x10080;
	s11 =	simm.s32 $0x1;
	s24 =	simm.s32 $0x2000  }
0x4: {  	s28 =	simm.s32 $0x3800;
	s29 =	simm.s32 $0x4000;
	s30 =	simm.s32 $0x4800  }
0x5: {  	s31 =	simm.s32 $0x5000;
	s12 =	simm.s32 $0x7000;
	s13 =	simm.s32 $0x7800  }
0x6: {  	s14 =	simm.s32 $0x8000;
	s15 =	simm.s32 $0x8800;
	s16 =	simm.s32 $0x9000  }
0x7: {  	s17 =	simm.s32 $0x9800;
	s18 =	simm.s32 $0xA000;
	s19 =	simm.s32 $0xA800  }
0x8: {  	s20 =	simm.s32 $0xB000;
	s9 =	simm.s32 $0xB800;
	s10 =	simm.s32 $0xC000  }
0x9: {  	s0 =	sand.u32 $0x1, s0;
	s4 =	sshll.u32 s2, $0x7;
	s2 =	simm.s32 $0x0  }
0xa: {  	s7 =	sadd.s32 $0x700, s3;
	s5 =	sshll.u32 s0, $0x6;
	[smem:$0x7FF] =	sst s2  }
0xb: {  	s0 =	ssub.s32 $0x2, s0;
	_ =	strace $0x80000047;
	[dreg:$0x5] =	wrdreg s25  }
0xc: {  	s4 =	sor.u32 s5, s4;
	s6 =	sshrl.u32 s0, $0x1;
	[dreg:$0x6] =	wrdreg s26  }
0xd: {  	s25 =	simm.s32 $0x2800;
	s26 =	simm.s32 $0x3000;
	s5 =	sshrl.u32 s4, $0x3  }
0xe: {  	s4 =	sshll.u32 s4, $0x7;
	s0 =	ssub.s32 s0, s6;
	s5 =	sadd.s32 s3, s5  }
0xf: {  	v2 =	vlaneseq.u32;
	s6 =	sadd.s32 $0x600, s3;
	s1 =	sadd.s32 s1, s4;
	[dreg:$0x7] =	wrdreg s5  }
0x10: {  	vm0 =	vmmov $0xffff;
	v1 =	vshrl.u32 v2, $0x3;
	s4 =	sadd.s32 $0x400, s3;
	s5 =	sadd.s32 $0x200, s5;
	[dreg:$0x4] =	wrdreg s1  }
0x11: {  	v0 =	vand.u32 $0x7, v2;
	v2 =	vor.u32 $0x8, v2;
	v1 =	vmul.u32 $0x8, v1;
	s8 =	smax.u32 s0, $0x1;
	[dreg:$0x3] =	wrdreg s5;
	s5 =	sadd.s32 $0x500, s3  }
.LBB2_1:
0x12: {  	s21 =	rddreg [dreg:$0x3]  }
0x13: {  	s22 =	rddreg [dreg:$0x5]  }
0x14: {  	s23 =	rddreg [dreg:$0x6]  }
0x15: {  	[tilespmem:s22], [sflag:$0x1] =	stream.linear.gather [hbm4b:s21+s2], $0x40, $0x38;
	[tilespmem:$0x10100] =	vst v63  }
0x16: {  	s3 =	rddreg [dreg:$0x7]  }
0x17: {  	[tilespmem:s23], [sflag:$0x2] =	stream.linear.gather [hbm4b:s3+s2], $0x40, $0x38;
	[tilespmem:$0x10100] =	vst v63  }
0x18: {  	s1 =	rddreg [dreg:$0x4];
	s0 =	simm.s32 $0x3  }
0x19: {  	[tilespmem:s2], [sflag:$0x3] =	stream.linear.gather [hbm4b:s1+s2], $0x10000, $0x38;
	[tilespmem:$0x10100] =	vst v63  }
0x1a: {  	_ =	swait.ge [sflag:s0], $0x10000  }
0x1b: {  	[sflag:s0] =	ssyncset.done $0x0  }
0x1c: {  	[sflag:s0] =	ssyncadd.s32 $0xFFFF0000  }
0x1d: {  	_ =	swait.ge [sflag:s11], $0x40  }
0x1e: {  	[sflag:s11] =	ssyncset.done $0x0  }
0x1f: {  	s0 =	simm.s32 $0x2;
	[sflag:s11] =	ssyncadd.s32 $0xFFFFFFC0  }
0x20: {  	_ =	swait.ge [sflag:s0], $0x40  }
0x21: {  	[sflag:s0] =	ssyncset.done $0x0  }
0x22: {  	[sflag:s0] =	ssyncadd.s32 $0xFFFFFFC0  }
0x23: {  	v3 =	vld [tilespmem:$0x10000];
	_ =	sdelay $0x4  }
0x24: {  	v4 =	vshll.u32 v3, $0x3  }
0x25: {  	v3 =	vand.u32 $0x7, v3;
	v4 =	vand.u32 $0xFFFFFFC0, v4  }
0x26: {  	v3 =	vor.u32 v3, v4  }
0x27: {  	v4 =	vperm.xlane v3, v0;
	_ =	sdelay $0x1  }
0x28: {  	v4 =	vadd.s32 v1, v4;
	_ =	sdelay $0x4  }
0x29: {  	[hbm4b:s4+s2] =	stream.indirect_vreg.scatter [tilespmem:s2], [sflag:$0x1], $0x80, v4, vm0, $0xb8;
	[tilespmem:$0x10100] =	vst v63  }
0x2a: {  	s21 =	simm.s32 $0x800;
	v3 =	vperm.xlane v3, v2  }
0x2b: {  	[hbm4b:s5+s2] =	stream.indirect_vreg.scatter [tilespmem:s21], [sflag:$0x1], $0x80, v4, vm0, $0xb8;
	[tilespmem:$0x10100] =	vst v63  }
0x2c: {  	s22 =	simm.s32 $0x1000;
	v3 =	vadd.s32 v1, v3  }
0x2d: {  	[hbm4b:s6+s2] =	stream.indirect_vreg.scatter [tilespmem:s22], [sflag:$0x1], $0x80, v4, vm0, $0xb8;
	[tilespmem:$0x10100] =	vst v63  }
0x2e: {  	s23 =	simm.s32 $0x1800  }
0x2f: {  	[hbm4b:s7+s2] =	stream.indirect_vreg.scatter [tilespmem:s23], [sflag:$0x1], $0x80, v4, vm0, $0xb8;
	[tilespmem:$0x10100] =	vst v63  }
0x30: {  	_ = 	snop  }
0x31: {  	[hbm4b:s4+s2] =	stream.indirect_vreg.scatter [tilespmem:s24], [sflag:$0x1], $0x80, v3, vm0, $0xb8;
	[tilespmem:$0x10100] =	vst v63  }
0x32: {  	_ = 	snop  }
0x33: {  	[hbm4b:s5+s2] =	stream.indirect_vreg.scatter [tilespmem:s25], [sflag:$0x1], $0x80, v3, vm0, $0xb8;
	[tilespmem:$0x10100] =	vst v63  }
0x34: {  	_ = 	snop  }
0x35: {  	[hbm4b:s6+s2] =	stream.indirect_vreg.scatter [tilespmem:s26], [sflag:$0x1], $0x80, v3, vm0, $0xb8;
	[tilespmem:$0x10100] =	vst v63  }
0x36: {  	_ = 	snop  }
0x37: {  	[hbm4b:s7+s2] =	stream.indirect_vreg.scatter [tilespmem:s28], [sflag:$0x1], $0x80, v3, vm0, $0xb8;
	[tilespmem:$0x10100] =	vst v63  }
0x38: {  	v3 =	vld [tilespmem:$0x10010];
	_ =	sdelay $0x4  }
0x39: {  	v57 =	vshll.u32 v3, $0x3  }
0x3a: {  	v3 =	vand.u32 $0x7, v3;
	v4 =	vand.u32 $0xFFFFFFC0, v57  }
0x3b: {  	v3 =	vor.u32 v3, v4  }
0x3c: {  	v4 =	vperm.xlane v3, v0;
	_ =	sdelay $0x1  }
0x3d: {  	v4 =	vadd.s32 v1, v4;
	_ =	sdelay $0x4  }
0x3e: {  	[hbm4b:s4+s2] =	stream.indirect_vreg.scatter [tilespmem:s29], [sflag:$0x1], $0x80, v4, vm0, $0xb8;
	[tilespmem:$0x10100] =	vst v63  }
0x3f: {  	v3 =	vperm.xlane v3, v2  }
0x40: {  	[hbm4b:s5+s2] =	stream.indirect_vreg.scatter [tilespmem:s30], [sflag:$0x1], $0x80, v4, vm0, $0xb8;
	[tilespmem:$0x10100] =	vst v63  }
0x41: {  	v3 =	vadd.s32 v1, v3  }
0x42: {  	[hbm4b:s6+s2] =	stream.indirect_vreg.scatter [tilespmem:s31], [sflag:$0x1], $0x80, v4, vm0, $0xb8;
	[tilespmem:$0x10100] =	vst v63  }
0x43: {  	s1 =	simm.s32 $0x5800  }
0x44: {  	[hbm4b:s7+s2] =	stream.indirect_vreg.scatter [tilespmem:s1], [sflag:$0x1], $0x80, v4, vm0, $0xb8;
	[tilespmem:$0x10100] =	vst v63  }
0x45: {  	s3 =	simm.s32 $0x6000  }
0x46: {  	[hbm4b:s4+s2] =	stream.indirect_vreg.scatter [tilespmem:s3], [sflag:$0x1], $0x80, v3, vm0, $0xb8;
	[tilespmem:$0x10100] =	vst v63  }
0x47: {  	s3 =	simm.s32 $0x6800  }
0x48: {  	[hbm4b:s5+s2] =	stream.indirect_vreg.scatter [tilespmem:s3], [sflag:$0x1], $0x80, v3, vm0, $0xb8;
	[tilespmem:$0x10100] =	vst v63  }
0x49: {  	_ = 	snop  }
0x4a: {  	[hbm4b:s6+s2] =	stream.indirect_vreg.scatter [tilespmem:s12], [sflag:$0x1], $0x80, v3, vm0, $0xb8;
	[tilespmem:$0x10100] =	vst v63  }
0x4b: {  	_ = 	snop  }
0x4c: {  	[hbm4b:s7+s2] =	stream.indirect_vreg.scatter [tilespmem:s13], [sflag:$0x1], $0x80, v3, vm0, $0xb8;
	[tilespmem:$0x10100] =	vst v63  }
0x4d: {  	v3 =	vld [tilespmem:$0x10020];
	_ =	sdelay $0x4  }
0x4e: {  	v58 =	vshll.u32 v3, $0x3  }
0x4f: {  	v3 =	vand.u32 $0x7, v3;
	v4 =	vand.u32 $0xFFFFFFC0, v58  }
0x50: {  	v3 =	vor.u32 v3, v4  }
0x51: {  	v4 =	vperm.xlane v3, v0;
	_ =	sdelay $0x1  }
0x52: {  	v4 =	vadd.s32 v1, v4;
	_ =	sdelay $0x4  }
0x53: {  	[hbm4b:s4+s2] =	stream.indirect_vreg.scatter [tilespmem:s14], [sflag:$0x1], $0x80, v4, vm0, $0xb8;
	[tilespmem:$0x10100] =	vst v63  }
0x54: {  	v3 =	vperm.xlane v3, v2  }
0x55: {  	[hbm4b:s5+s2] =	stream.indirect_vreg.scatter [tilespmem:s15], [sflag:$0x1], $0x80, v4, vm0, $0xb8;
	[tilespmem:$0x10100] =	vst v63  }
0x56: {  	v3 =	vadd.s32 v1, v3  }
0x57: {  	[hbm4b:s6+s2] =	stream.indirect_vreg.scatter [tilespmem:s16], [sflag:$0x1], $0x80, v4, vm0, $0xb8;
	[tilespmem:$0x10100] =	vst v63  }
0x58: {  	_ = 	snop  }
0x59: {  	[hbm4b:s7+s2] =	stream.indirect_vreg.scatter [tilespmem:s17], [sflag:$0x1], $0x80, v4, vm0, $0xb8;
	[tilespmem:$0x10100] =	vst v63  }
0x5a: {  	_ = 	snop  }
0x5b: {  	[hbm4b:s4+s2] =	stream.indirect_vreg.scatter [tilespmem:s18], [sflag:$0x1], $0x80, v3, vm0, $0xb8;
	[tilespmem:$0x10100] =	vst v63  }
0x5c: {  	_ = 	snop  }
0x5d: {  	[hbm4b:s5+s2] =	stream.indirect_vreg.scatter [tilespmem:s19], [sflag:$0x1], $0x80, v3, vm0, $0xb8;
	[tilespmem:$0x10100] =	vst v63  }
0x5e: {  	_ = 	snop  }
0x5f: {  	[hbm4b:s6+s2] =	stream.indirect_vreg.scatter [tilespmem:s20], [sflag:$0x1], $0x80, v3, vm0, $0xb8;
	[tilespmem:$0x10100] =	vst v63  }
0x60: {  	_ = 	snop  }
0x61: {  	[hbm4b:s7+s2] =	stream.indirect_vreg.scatter [tilespmem:s9], [sflag:$0x1], $0x80, v3, vm0, $0xb8;
	[tilespmem:$0x10100] =	vst v63  }
0x62: {  	v3 =	vld [tilespmem:$0x10030];
	_ =	sdelay $0x4  }
0x63: {  	v59 =	vshll.u32 v3, $0x3  }
0x64: {  	v3 =	vand.u32 $0x7, v3;
	v4 =	vand.u32 $0xFFFFFFC0, v59  }
0x65: {  	v3 =	vor.u32 v3, v4  }
0x66: {  	v4 =	vperm.xlane v3, v0;
	_ =	sdelay $0x1  }
0x67: {  	v4 =	vadd.s32 v1, v4;
	_ =	sdelay $0x4  }
0x68: {  	[hbm4b:s4+s2] =	stream.indirect_vreg.scatter [tilespmem:s10], [sflag:$0x1], $0x80, v4, vm0, $0xb8;
	[tilespmem:$0x10100] =	vst v63  }
0x69: {  	s1 =	simm.s32 $0xC800;
	v3 =	vperm.xlane v3, v2  }
0x6a: {  	[hbm4b:s5+s2] =	stream.indirect_vreg.scatter [tilespmem:s1], [sflag:$0x1], $0x80, v4, vm0, $0xb8;
	[tilespmem:$0x10100] =	vst v63  }
0x6b: {  	v3 =	vadd.s32 v1, v3;
	s1 =	simm.s32 $0xD000  }
0x6c: {  	[hbm4b:s6+s2] =	stream.indirect_vreg.scatter [tilespmem:s1], [sflag:$0x1], $0x80, v4, vm0, $0xb8;
	[tilespmem:$0x10100] =	vst v63  }
0x6d: {  	s1 =	simm.s32 $0xD800  }
0x6e: {  	[hbm4b:s7+s2] =	stream.indirect_vreg.scatter [tilespmem:s1], [sflag:$0x1], $0x80, v4, vm0, $0xb8;
	[tilespmem:$0x10100] =	vst v63  }
0x6f: {  	s1 =	simm.s32 $0xE000  }
0x70: {  	[hbm4b:s4+s2] =	stream.indirect_vreg.scatter [tilespmem:s1], [sflag:$0x1], $0x80, v3, vm0, $0xb8;
	[tilespmem:$0x10100] =	vst v63  }
0x71: {  	s1 =	simm.s32 $0xE800  }
0x72: {  	[hbm4b:s5+s2] =	stream.indirect_vreg.scatter [tilespmem:s1], [sflag:$0x1], $0x80, v3, vm0, $0xb8;
	[tilespmem:$0x10100] =	vst v63  }
0x73: {  	s1 =	simm.s32 $0xF000  }
0x74: {  	[hbm4b:s6+s2] =	stream.indirect_vreg.scatter [tilespmem:s1], [sflag:$0x1], $0x80, v3, vm0, $0xb8;
	[tilespmem:$0x10100] =	vst v63  }
0x75: {  	s1 =	simm.s32 $0xF800  }
0x76: {  	[hbm4b:s7+s2] =	stream.indirect_vreg.scatter [tilespmem:s1], [sflag:$0x1], $0x80, v3, vm0, $0xb8;
	[tilespmem:$0x10100] =	vst v63  }
0x77: {  	v3 =	vld [tilespmem:$0x10080];
	_ =	sdelay $0x4  }
0x78: {  	v60 =	vshll.u32 v3, $0x3  }
0x79: {  	v3 =	vand.u32 $0x7, v3;
	v4 =	vand.u32 $0xFFFFFFC0, v60  }
0x7a: {  	v3 =	vor.u32 v3, v4  }
0x7b: {  	v4 =	vperm.xlane v3, v0;
	_ =	sdelay $0x1  }
0x7c: {  	v4 =	vadd.s32 v1, v4;
	_ =	sdelay $0x4  }
0x7d: {  	[hbm4b:s4+s2] =	stream.indirect_vreg.scatter [tilespmem:s2], [sflag:$0x2], $0x80, v4, vm0, $0xb8;
	[tilespmem:$0x10100] =	vst v63  }
0x7e: {  	v3 =	vperm.xlane v3, v2  }
0x7f: {  	[hbm4b:s5+s2] =	stream.indirect_vreg.scatter [tilespmem:s21], [sflag:$0x2], $0x80, v4, vm0, $0xb8;
	[tilespmem:$0x10100] =	vst v63  }
0x80: {  	v3 =	vadd.s32 v1, v3  }
0x81: {  	[hbm4b:s6+s2] =	stream.indirect_vreg.scatter [tilespmem:s22], [sflag:$0x2], $0x80, v4, vm0, $0xb8;
	[tilespmem:$0x10100] =	vst v63  }
0x82: {  	_ = 	snop  }
0x83: {  	[hbm4b:s7+s2] =	stream.indirect_vreg.scatter [tilespmem:s23], [sflag:$0x2], $0x80, v4, vm0, $0xb8;
	[tilespmem:$0x10100] =	vst v63  }
0x84: {  	_ = 	snop  }
0x85: {  	[hbm4b:s4+s2] =	stream.indirect_vreg.scatter [tilespmem:s24], [sflag:$0x2], $0x80, v3, vm0, $0xb8;
	[tilespmem:$0x10100] =	vst v63  }
0x86: {  	_ = 	snop  }
0x87: {  	[hbm4b:s5+s2] =	stream.indirect_vreg.scatter [tilespmem:s25], [sflag:$0x2], $0x80, v3, vm0, $0xb8;
	[tilespmem:$0x10100] =	vst v63  }
0x88: {  	_ = 	snop  }
0x89: {  	[hbm4b:s6+s2] =	stream.indirect_vreg.scatter [tilespmem:s26], [sflag:$0x2], $0x80, v3, vm0, $0xb8;
	[tilespmem:$0x10100] =	vst v63  }
0x8a: {  	_ = 	snop  }
0x8b: {  	[hbm4b:s7+s2] =	stream.indirect_vreg.scatter [tilespmem:s28], [sflag:$0x2], $0x80, v3, vm0, $0xb8;
	[tilespmem:$0x10100] =	vst v63  }
0x8c: {  	v3 =	vld [tilespmem:$0x10090];
	_ =	sdelay $0x4  }
0x8d: {  	v61 =	vshll.u32 v3, $0x3  }
0x8e: {  	v3 =	vand.u32 $0x7, v3;
	v4 =	vand.u32 $0xFFFFFFC0, v61  }
0x8f: {  	v3 =	vor.u32 v3, v4  }
0x90: {  	v4 =	vperm.xlane v3, v0;
	_ =	sdelay $0x1  }
0x91: {  	v4 =	vadd.s32 v1, v4;
	_ =	sdelay $0x4  }
0x92: {  	[hbm4b:s4+s2] =	stream.indirect_vreg.scatter [tilespmem:s29], [sflag:$0x2], $0x80, v4, vm0, $0xb8;
	[tilespmem:$0x10100] =	vst v63  }
0x93: {  	v3 =	vperm.xlane v3, v2  }
0x94: {  	[hbm4b:s5+s2] =	stream.indirect_vreg.scatter [tilespmem:s30], [sflag:$0x2], $0x80, v4, vm0, $0xb8;
	[tilespmem:$0x10100] =	vst v63  }
0x95: {  	v3 =	vadd.s32 v1, v3  }
0x96: {  	[hbm4b:s6+s2] =	stream.indirect_vreg.scatter [tilespmem:s31], [sflag:$0x2], $0x80, v4, vm0, $0xb8;
	[tilespmem:$0x10100] =	vst v63  }
0x97: {  	s22 =	simm.s32 $0x5800  }
0x98: {  	[hbm4b:s7+s2] =	stream.indirect_vreg.scatter [tilespmem:s22], [sflag:$0x2], $0x80, v4, vm0, $0xb8;
	[tilespmem:$0x10100] =	vst v63  }
0x99: {  	s23 =	simm.s32 $0x6000  }
0x9a: {  	[hbm4b:s4+s2] =	stream.indirect_vreg.scatter [tilespmem:s23], [sflag:$0x2], $0x80, v3, vm0, $0xb8;
	[tilespmem:$0x10100] =	vst v63  }
0x9b: {  	_ = 	snop  }
0x9c: {  	[hbm4b:s5+s2] =	stream.indirect_vreg.scatter [tilespmem:s3], [sflag:$0x2], $0x80, v3, vm0, $0xb8;
	[tilespmem:$0x10100] =	vst v63  }
0x9d: {  	_ = 	snop  }
0x9e: {  	[hbm4b:s6+s2] =	stream.indirect_vreg.scatter [tilespmem:s12], [sflag:$0x2], $0x80, v3, vm0, $0xb8;
	[tilespmem:$0x10100] =	vst v63  }
0x9f: {  	_ = 	snop  }
0xa0: {  	[hbm4b:s7+s2] =	stream.indirect_vreg.scatter [tilespmem:s13], [sflag:$0x2], $0x80, v3, vm0, $0xb8;
	[tilespmem:$0x10100] =	vst v63  }
0xa1: {  	v3 =	vld [tilespmem:$0x100A0];
	_ =	sdelay $0x4  }
0xa2: {  	v62 =	vshll.u32 v3, $0x3  }
0xa3: {  	v3 =	vand.u32 $0x7, v3;
	v4 =	vand.u32 $0xFFFFFFC0, v62  }
0xa4: {  	v3 =	vor.u32 v3, v4  }
0xa5: {  	v4 =	vperm.xlane v3, v0;
	_ =	sdelay $0x1  }
0xa6: {  	v4 =	vadd.s32 v1, v4;
	_ =	sdelay $0x4  }
0xa7: {  	[hbm4b:s4+s2] =	stream.indirect_vreg.scatter [tilespmem:s14], [sflag:$0x2], $0x80, v4, vm0, $0xb8;
	[tilespmem:$0x10100] =	vst v63  }
0xa8: {  	v3 =	vperm.xlane v3, v2  }
0xa9: {  	[hbm4b:s5+s2] =	stream.indirect_vreg.scatter [tilespmem:s15], [sflag:$0x2], $0x80, v4, vm0, $0xb8;
	[tilespmem:$0x10100] =	vst v63  }
0xaa: {  	v3 =	vadd.s32 v1, v3  }
0xab: {  	[hbm4b:s6+s2] =	stream.indirect_vreg.scatter [tilespmem:s16], [sflag:$0x2], $0x80, v4, vm0, $0xb8;
	[tilespmem:$0x10100] =	vst v63  }
0xac: {  	_ = 	snop  }
0xad: {  	[hbm4b:s7+s2] =	stream.indirect_vreg.scatter [tilespmem:s17], [sflag:$0x2], $0x80, v4, vm0, $0xb8;
	[tilespmem:$0x10100] =	vst v63  }
0xae: {  	_ = 	snop  }
0xaf: {  	[hbm4b:s4+s2] =	stream.indirect_vreg.scatter [tilespmem:s18], [sflag:$0x2], $0x80, v3, vm0, $0xb8;
	[tilespmem:$0x10100] =	vst v63  }
0xb0: {  	_ = 	snop  }
0xb1: {  	[hbm4b:s5+s2] =	stream.indirect_vreg.scatter [tilespmem:s19], [sflag:$0x2], $0x80, v3, vm0, $0xb8;
	[tilespmem:$0x10100] =	vst v63  }
0xb2: {  	_ = 	snop  }
0xb3: {  	[hbm4b:s6+s2] =	stream.indirect_vreg.scatter [tilespmem:s20], [sflag:$0x2], $0x80, v3, vm0, $0xb8;
	[tilespmem:$0x10100] =	vst v63  }
0xb4: {  	_ = 	snop  }
0xb5: {  	[hbm4b:s7+s2] =	stream.indirect_vreg.scatter [tilespmem:s9], [sflag:$0x2], $0x80, v3, vm0, $0xb8;
	[tilespmem:$0x10100] =	vst v63  }
0xb6: {  	v3 =	vld [tilespmem:$0x100B0];
	_ =	sdelay $0x4  }
0xb7: {  	v63 =	vshll.u32 v3, $0x3  }
0xb8: {  	v3 =	vand.u32 $0x7, v3;
	v4 =	vand.u32 $0xFFFFFFC0, v63  }
0xb9: {  	v3 =	vor.u32 v3, v4  }
0xba: {  	v4 =	vperm.xlane v3, v0;
	_ =	sdelay $0x1  }
0xbb: {  	v4 =	vadd.s32 v1, v4;
	_ =	sdelay $0x4  }
0xbc: {  	[hbm4b:s4+s2] =	stream.indirect_vreg.scatter [tilespmem:s10], [sflag:$0x2], $0x80, v4, vm0, $0xb8;
	[tilespmem:$0x10100] =	vst v63  }
0xbd: {  	s21 =	simm.s32 $0xC800;
	v3 =	vperm.xlane v3, v2  }
0xbe: {  	[hbm4b:s5+s2] =	stream.indirect_vreg.scatter [tilespmem:s21], [sflag:$0x2], $0x80, v4, vm0, $0xb8;
	[tilespmem:$0x10100] =	vst v63  }
0xbf: {  	s22 =	simm.s32 $0xD000;
	v3 =	vadd.s32 v1, v3  }
0xc0: {  	[hbm4b:s6+s2] =	stream.indirect_vreg.scatter [tilespmem:s22], [sflag:$0x2], $0x80, v4, vm0, $0xb8;
	[tilespmem:$0x10100] =	vst v63  }
0xc1: {  	s23 =	simm.s32 $0xD800  }
0xc2: {  	[hbm4b:s7+s2] =	stream.indirect_vreg.scatter [tilespmem:s23], [sflag:$0x2], $0x80, v4, vm0, $0xb8;
	[tilespmem:$0x10100] =	vst v63  }
0xc3: {  	s3 =	simm.s32 $0xE000  }
0xc4: {  	[hbm4b:s4+s2] =	stream.indirect_vreg.scatter [tilespmem:s3], [sflag:$0x2], $0x80, v3, vm0, $0xb8;
	[tilespmem:$0x10100] =	vst v63  }
0xc5: {  	s21 =	simm.s32 $0xE800  }
0xc6: {  	[hbm4b:s5+s2] =	stream.indirect_vreg.scatter [tilespmem:s21], [sflag:$0x2], $0x80, v3, vm0, $0xb8;
	[tilespmem:$0x10100] =	vst v63  }
0xc7: {  	s22 =	simm.s32 $0xF000  }
0xc8: {  	[hbm4b:s6+s2] =	stream.indirect_vreg.scatter [tilespmem:s22], [sflag:$0x2], $0x80, v3, vm0, $0xb8;
	[tilespmem:$0x10100] =	vst v63  }
0xc9: {  	s23 =	simm.s32 $0xF800  }
0xca: {  	[hbm4b:s7+s2] =	stream.indirect_vreg.scatter [tilespmem:s23], [sflag:$0x2], $0x80, v3, vm0, $0xb8;
	[tilespmem:$0x10100] =	vst v63  }
0xcb: {  	p0 =	sne.s32 s8, $0x1;
	_ =	swait.ge [sflag:s11], $0x10000  }
.Ltmp0:
0xcc: {  	[sflag:s11] =	ssyncset.done $0x0;
	(pc) =	sbr.rel @p0 .LBB2_1-.Ltmp0, $4  }
0xcd: {  	[sflag:s11] =	ssyncadd.s32 $0xFFFF0000  }
0xce: {  	_ =	swait.ge [sflag:s0], $0x10000  }
0xcf: {  	[sflag:s0] =	ssyncset.done $0x0  }
0xd0: {  	s8 =	sadd.s32 $0xFFFFFFFF, s8;
	[sflag:s0] =	ssyncadd.s32 $0xFFFF0000  }
0xd1: {  	_ =	sfence.sel $0x180000  }
0xd2: {  	[bflag:$0x0] =	sbarrier.arrive $0xFFFF  }
0xd3: {  	_ =	strace $0x90000047  }
0xd4: {  	s0 =	stileid.u32;
	[bflag:$0x2] =	sbarrier.arrive $0xFFFF  }
0xd5: {  	p0 =	sne.s32 s0, $0x0;
	s0 =	rddreg [dreg:$0x2]  }
0xd6: {  	s0 =	sadd.s32 @!p0 $0x100000, s0  }
0xd7: {  	[sflag:s0] =	ssyncadd.tile.s32 @!p0 $0x1;
	_ =	shalt  }
.Lfunc_end2:
_tile_overlayer_lowered:
.L_overlay_start_2:
0xd8: {  	(tag) =	ssettag $0x2  }
0xd9: {  	s0 =	rddreg [dreg:$0x0];
	s2 =	stileid.u32  }
0xda: {  	s1 =	rddreg [dreg:$0x1];
	p0 =	sne.s32 s2, $0x0  }
0xdb: {  	s3 =	rddreg [dreg:$0x2];
	[bflag:$0x3] =	sbarrier.arrive $0xFFFF;
	s2 =	simm.s32 @!p0 $0x1C03  }
0xdc: {  	[timem:s3], [sflag:s2] =	dma.local @!p0 [hbm:s0], s1  }
0xdd: {  	s0 =	simm.s32 @!p0 $0x3  }
0xde: {  	_ =	swait.ge @!p0 [sflag:s0], s1  }
0xdf: {  	s1 =	ssub.s32 @!p0 $0x0, s1;
	[sflag:s0] =	ssyncset.done @!p0 $0x0  }
0xe0: {  	[sflag:s0] =	ssyncadd.s32 @!p0 s1  }
0xe1: {  	[bflag:$0x3] =	sbarrier.arrive $0xFFFF  }
0xe2: {  	_ =	shalt  }

</sc_bundles>
